<compile_context>
chip_gen: v7x
topology: tpu7x:2x2x1
jax: 0.10.2.dev20260603
libtpu: 0.0.44.dev20260713+nightly
codegen_flags: <defaults>
</compile_context>

<pallas_src>
import jax
import jax.numpy as jnp
from jax import lax
from jax.experimental import pallas as pl
from jax.experimental.pallas import tpu as pltpu
from jax.experimental.pallas import tpu_sc as plsc

R = 128
N = 100000
L = 16
NC = 2
NS = 16
NW = NC * NS
NB = R // L
SUB = 8

SC_TILES = N // SUB
W_TILES = SC_TILES // NW
REM = SC_TILES - W_TILES * NW
SC_TILE0 = 0
CHUNK_TILES = 39
NCHUNKS = W_TILES // CHUNK_TILES
CHUNK_ROWS = CHUNK_TILES * SUB
NEG_TINY_BITS = -2147483647


def _sc_stage1(pt, tgt, kv, outp, buf0, buf1, gath, tgtv, ebuf, outv,
               sem0, sem1, semg):
    wid = lax.axis_index("s") * NC + lax.axis_index("c")
    lanes = lax.iota(jnp.int32, L) + wid * jnp.int32(0)

    pltpu.sync_copy(tgt, tgtv)
    pltpu.async_copy(pt.at[tgtv], gath, semg).wait()

    t_vec, thr_lo, thr_hi, acc = [], [], [], []
    for m in range(NB):
        idx = jnp.int32(m * L) + lanes
        v = plsc.load_gather(gath, [idx, idx])
        b = lax.bitcast_convert_type(v, jnp.int32)
        blo = jnp.where(v > jnp.float32(0.0), b - 1, b + 1)
        blo = jnp.where(v == jnp.float32(0.0), jnp.int32(NEG_TINY_BITS), blo)
        thr_lo.append(lax.bitcast_convert_type(blo, jnp.float32))
        thr_hi.append(v)
        t_vec.append(tgtv[pl.ds(m * L, L)])
        acc.append(lanes * jnp.int32(0))

    def chunk_src(c):
        row0 = (SC_TILE0 + wid * W_TILES + c * CHUNK_TILES) * SUB
        return pt.at[pl.ds(row0, CHUNK_ROWS), pl.ds(0, R)]

    bufs = (buf0, buf1)
    sems = (sem0, sem1)
    copies = {0: pltpu.async_copy(chunk_src(0), bufs[0], sems[0])}
    erow0 = (SC_TILE0 + NW * W_TILES + jnp.minimum(wid, REM - 1)) * SUB
    ecopy = pltpu.async_copy(pt.at[pl.ds(erow0, SUB), pl.ds(0, R)],
                             ebuf, semg)

    def count_block(buf, nrows, col0, accs, lo, hi):
        @plsc.parallel_loop(0, nrows, 1, carry=tuple(accs))
        def _loop(s, carry):
            a = list(carry)
            cs = col0 + s
            for m in range(NB):
                x = buf[s, pl.ds(m * L, L)]
                thr = jnp.where(cs < t_vec[m], lo[m], hi[m])
                a[m] = a[m] + (x > thr).astype(jnp.int32)
            return tuple(a)

        return list(_loop)

    for c in range(NCHUNKS):
        p = c % 2
        if c + 1 < NCHUNKS:
            copies[c + 1] = pltpu.async_copy(chunk_src(c + 1),
                                             bufs[1 - p], sems[1 - p])
        copies[c].wait()
        acc = count_block(bufs[p], CHUNK_ROWS,
                          (SC_TILE0 + wid * W_TILES + c * CHUNK_TILES) * SUB,
                          acc, thr_lo, thr_hi)

    en = jnp.broadcast_to(wid < REM, (L,))
    ecopy.wait()
    inf = jnp.float32(float("inf"))
    lo_e = [jnp.where(en, thr_lo[m], inf) for m in range(NB)]
    hi_e = [jnp.where(en, thr_hi[m], inf) for m in range(NB)]
    acc = count_block(ebuf, SUB, erow0, acc, lo_e, hi_e)

    for m in range(NB):
        outv[0, pl.ds(m * L, L)] = acc[m]
    pltpu.sync_copy(outv, outp.at[pl.ds(0, SUB),
                                  pl.ds(pl.multiple_of(wid * R, R), R)])


def _tc_stage2(pv_ref, kv_ref, o_ref):
    rank = pv_ref[0:1, 0:R].astype(jnp.int32)
    for w in range(1, NW):
        rank = rank + pv_ref[0:1, w * R:(w + 1) * R]
    hit = (rank < kv_ref[0:1, 0:R]).astype(jnp.float32)
    total = jnp.sum(hit) * jnp.float32(1.0 / R)
    o_ref[...] = jnp.broadcast_to(total, (1, 1))


@jax.jit
def _run(pt, tgt, kv):
    mesh = plsc.VectorSubcoreMesh(core_axis_name="c", subcore_axis_name="s")
    params = pltpu.CompilerParams(needs_layout_passes=False,
                                  use_tc_tiling_on_sc=True)
    s1 = pl.kernel(
        _sc_stage1,
        out_type=jax.ShapeDtypeStruct((SUB, NW * R), jnp.int32),
        mesh=mesh,
        compiler_params=params,
        scratch_types=[
            pltpu.VMEM((CHUNK_ROWS, R), jnp.float32),
            pltpu.VMEM((CHUNK_ROWS, R), jnp.float32),
            pltpu.VMEM((R, R), jnp.float32),
            pltpu.VMEM((R,), jnp.int32),
            pltpu.VMEM((SUB, R), jnp.float32),
            pltpu.VMEM((SUB, R), jnp.int32),
            pltpu.SemaphoreType.DMA,
            pltpu.SemaphoreType.DMA,
            pltpu.SemaphoreType.DMA,
        ],
    )
    outp = s1(pt, tgt, kv)

    return pl.pallas_call(
        _tc_stage2,
        out_shape=jax.ShapeDtypeStruct((1, 1), jnp.float32),
    )(outp, kv)


def kernel(pred, target, k):
    tgt = target.astype(jnp.int32)
    kthr = jnp.minimum(jnp.asarray(k, jnp.int32), 3)
    kv = jnp.broadcast_to(kthr, (SUB, R))
    out = _run(pred.T, tgt, kv)
    return out[0, 0]

# --- scband reference (transcript-rebuilt; emitter-appended) ---
"""Pipeline reference for scband-top-kaccuracy-50199577756102 (READ-ONLY COPY).

The authoritative reference and input builder live on the scoring server;
editing this copy changes nothing except your own understanding.
"""

import jax, jax.numpy as jnp
import numpy as np

def setup_inputs(seed: int = 0) -> dict:
    key = jax.random.key(seed)
    k1, k2 = jax.random.split(key)
    pred = jax.random.normal(k1, (128, 100000), dtype=jnp.float32)
    target = jax.random.randint(k2, (128,), 0, 100000, dtype=jnp.int64 if jax.config.jax_enable_x64 else jnp.int32)
    return {"pred": pred, "target": target, "k": 3}

def reference(pred, target, k):
    # torch.topk(pred, k, dim=1)[1] -> indices of top-k along dim 1
    _, idx = jax.lax.top_k(pred, 3)
    col_mask = (jnp.arange(3) < k)[None, :]
    # correct += sum(pred[:, i] == target) for i in range(k)
    matches = (idx == target[:, None].astype(idx.dtype)) & col_mask
    correct = jnp.sum(matches.astype(jnp.float32))
    return correct / target.shape[0]

if __name__ == "__main__":
    import jax
    _d = setup_inputs()
    print(jax.jit(kernel)(*tuple(_d.values())))

</pallas_src>

<mosaic_0001>
#map = affine_map<(d0, d1) -> (0, 0)>
#map1 = affine_map<(d0, d1) -> (0)>
module attributes {stable_mosaic.version = 14 : i64} {
  func.func @_sc_stage1(%arg0: i32, %arg1: i32, %arg2: memref<100000x128xf32, #tpu.memory_space<hbm>>, %arg3: memref<128xi32, #tpu.memory_space<hbm>>, %arg4: memref<8x128xi32, #tpu.memory_space<hbm>>, %arg5: memref<8x4096xi32, #tpu.memory_space<hbm>>, %arg6: memref<312x128xf32, #tpu.memory_space<vmem>>, %arg7: memref<312x128xf32, #tpu.memory_space<vmem>>, %arg8: memref<128x128xf32, #tpu.memory_space<vmem>>, %arg9: memref<128xi32, #tpu.memory_space<vmem>>, %arg10: memref<8x128xf32, #tpu.memory_space<vmem>>, %arg11: memref<8x128xi32, #tpu.memory_space<vmem>>, %arg12: memref<!tpu.dma_semaphore, #tpu.memory_space<semaphore_mem>>, %arg13: memref<!tpu.dma_semaphore, #tpu.memory_space<semaphore_mem>>, %arg14: memref<!tpu.dma_semaphore, #tpu.memory_space<semaphore_mem>>) attributes {dimension_semantics = [#tpu.dimension_semantics<core_parallel>, #tpu.dimension_semantics<subcore_parallel>], iteration_bounds = array<i64: 2, 16>, scalar_prefetch = 0 : i64, scratch_operands = 9 : i64, tpu.core_type = #tpu.core_type<sc_vector_subcore>, window_params = [{transform_indices = #map}, {transform_indices = #map1}, {transform_indices = #map}, {transform_indices = #map}]} {
    %mul3A = arith.constant 2 : i32
    %mul3A_0 = arith.muli %arg1, %mul3A : i32
    %add3A = arith.addi %mul3A_0, %arg0 : i32
    %iota3A = tpu.iota {dimensions = array<i32: 0>} : vector<16xi32>
    %mul3A_1 = arith.constant 0 : i32
    %mul3A_2 = arith.muli %add3A, %mul3A_1 : i32
    %add3A_3 = vector.broadcast %mul3A_2 : i32 to vector<16xi32>
    %add3A_4 = arith.addi %iota3A, %add3A_3 : vector<16xi32>
    "tpu.region"() ({
      %run_scoped3A = tpu.sem_alloc : memref<!tpu.dma_semaphore, #tpu.memory_space<semaphore_mem>>
      tpu.enqueue_dma source(%arg3 : memref<128xi32, #tpu.memory_space<hbm>>) target(%arg9 : memref<128xi32, #tpu.memory_space<vmem>>) target_semaphore(%run_scoped3A : memref<!tpu.dma_semaphore, #tpu.memory_space<semaphore_mem>>)
      tpu.wait_dma2 semaphore(%run_scoped3A : memref<!tpu.dma_semaphore, #tpu.memory_space<semaphore_mem>>) src(%arg3 : memref<128xi32, #tpu.memory_space<hbm>>) dst(%arg9 : memref<128xi32, #tpu.memory_space<vmem>>)
      tpu.yield
    }) : () -> ()
    %dma_start3A = arith.constant 0 : i32
    %dma_start3A_5 = arith.constant 0 : i32
    %dma_start3A_6 = tpu.memref_slice %arg2[%dma_start3A, %dma_start3A_5] : memref<100000x128xf32, #tpu.memory_space<hbm>> -> memref<100000x128xf32, #tpu.memory_space<hbm>>
    tpu.enqueue_indirect_dma source(%dma_start3A_6 : memref<100000x128xf32, #tpu.memory_space<hbm>>) target(%arg8 : memref<128x128xf32, #tpu.memory_space<vmem>>) offsets(%arg9 : memref<128xi32, #tpu.memory_space<vmem>>) semaphore(%arg14 : memref<!tpu.dma_semaphore, #tpu.memory_space<semaphore_mem>>)
    %dma_wait3A = arith.constant 0 : i32
    %dma_wait3A_7 = arith.constant 0 : i32
    %dma_wait3A_8 = tpu.memref_slice %arg2[%dma_wait3A, %dma_wait3A_7] : memref<100000x128xf32, #tpu.memory_space<hbm>> -> memref<100000x128xf32, #tpu.memory_space<hbm>>
    tpu.wait_indirect_dma semaphore(%arg14 : memref<!tpu.dma_semaphore, #tpu.memory_space<semaphore_mem>>) src(%dma_wait3A_8 : memref<100000x128xf32, #tpu.memory_space<hbm>>) dst(%arg8 : memref<128x128xf32, #tpu.memory_space<vmem>>)
    %add3A_9 = arith.constant 0 : i32
    %add3A_10 = vector.broadcast %add3A_9 : i32 to vector<16xi32>
    %add3A_11 = arith.addi %add3A_10, %add3A_4 : vector<16xi32>
    %gather3A = tpu.vector_load_idx %arg8[%add3A_11, %add3A_11] : memref<128x128xf32, #tpu.memory_space<vmem>>[vector<16xi32>, vector<16xi32>], vector<16xf32>,
    %bitcast_convert_type3A = tpu.bitcast %gather3A : vector<16xf32> -> vector<16xi32>
    %gt3A = arith.constant 0.000000e+00 : f32
    %gt3A_12 = vector.broadcast %gt3A : f32 to vector<16xf32>
    %gt3A_13 = arith.cmpf ogt, %gather3A, %gt3A_12 : vector<16xf32>
    %sub3A = arith.constant 1 : i32
    %sub3A_14 = vector.broadcast %sub3A : i32 to vector<16xi32>
    %sub3A_15 = arith.subi %bitcast_convert_type3A, %sub3A_14 : vector<16xi32>
    %add3A_16 = arith.constant 1 : i32
    %add3A_17 = vector.broadcast %add3A_16 : i32 to vector<16xi32>
    %add3A_18 = arith.addi %bitcast_convert_type3A, %add3A_17 : vector<16xi32>
    %select_n3A = arith.select %gt3A_13, %sub3A_15, %add3A_18 : vector<16xi1>, vector<16xi32>
    %eq3A = arith.constant 0.000000e+00 : f32
    %eq3A_19 = vector.broadcast %eq3A : f32 to vector<16xf32>
    %eq3A_20 = arith.cmpf oeq, %gather3A, %eq3A_19 : vector<16xf32>
    %jit3A = arith.constant -2147483647 : i32
    %broadcast_in_dim3A = vector.broadcast %jit3A : i32 to vector<16xi32>
    %select_n3A_21 = arith.select %eq3A_20, %broadcast_in_dim3A, %select_n3A : vector<16xi1>, vector<16xi32>
    %bitcast_convert_type3A_22 = tpu.bitcast %select_n3A_21 : vector<16xi32> -> vector<16xf32>
    %get3A = arith.constant 0 : index
    %get3A_23 = tpu.vector_load %arg9[%get3A] {strides = array<i32>} : memref<128xi32, #tpu.memory_space<vmem>>, vector<16xi32>,
    %mul3A_24 = arith.constant 0 : i32
    %mul3A_25 = vector.broadcast %mul3A_24 : i32 to vector<16xi32>
    %mul3A_26 = arith.muli %add3A_4, %mul3A_25 : vector<16xi32>
    %add3A_27 = arith.constant 16 : i32
    %add3A_28 = vector.broadcast %add3A_27 : i32 to vector<16xi32>
    %add3A_29 = arith.addi %add3A_28, %add3A_4 : vector<16xi32>
    %gather3A_30 = tpu.vector_load_idx %arg8[%add3A_29, %add3A_29] : memref<128x128xf32, #tpu.memory_space<vmem>>[vector<16xi32>, vector<16xi32>], vector<16xf32>,
    %bitcast_convert_type3A_31 = tpu.bitcast %gather3A_30 : vector<16xf32> -> vector<16xi32>
    %gt3A_32 = arith.constant 0.000000e+00 : f32
    %gt3A_33 = vector.broadcast %gt3A_32 : f32 to vector<16xf32>
    %gt3A_34 = arith.cmpf ogt, %gather3A_30, %gt3A_33 : vector<16xf32>
    %sub3A_35 = arith.constant 1 : i32
    %sub3A_36 = vector.broadcast %sub3A_35 : i32 to vector<16xi32>
    %sub3A_37 = arith.subi %bitcast_convert_type3A_31, %sub3A_36 : vector<16xi32>
    %add3A_38 = arith.constant 1 : i32
    %add3A_39 = vector.broadcast %add3A_38 : i32 to vector<16xi32>
    %add3A_40 = arith.addi %bitcast_convert_type3A_31, %add3A_39 : vector<16xi32>
    %select_n3A_41 = arith.select %gt3A_34, %sub3A_37, %add3A_40 : vector<16xi1>, vector<16xi32>
    %eq3A_42 = arith.constant 0.000000e+00 : f32
    %eq3A_43 = vector.broadcast %eq3A_42 : f32 to vector<16xf32>
    %eq3A_44 = arith.cmpf oeq, %gather3A_30, %eq3A_43 : vector<16xf32>
    %jit3A_45 = arith.constant -2147483647 : i32
    %broadcast_in_dim3A_46 = vector.broadcast %jit3A_45 : i32 to vector<16xi32>
    %select_n3A_47 = arith.select %eq3A_44, %broadcast_in_dim3A_46, %select_n3A_41 : vector<16xi1>, vector<16xi32>
    %bitcast_convert_type3A_48 = tpu.bitcast %select_n3A_47 : vector<16xi32> -> vector<16xf32>
    %get3A_49 = arith.constant 16 : index
    %get3A_50 = tpu.vector_load %arg9[%get3A_49] {strides = array<i32>} : memref<128xi32, #tpu.memory_space<vmem>>, vector<16xi32>,
    %mul3A_51 = arith.constant 0 : i32
    %mul3A_52 = vector.broadcast %mul3A_51 : i32 to vector<16xi32>
    %mul3A_53 = arith.muli %add3A_4, %mul3A_52 : vector<16xi32>
    %add3A_54 = arith.constant 32 : i32
    %add3A_55 = vector.broadcast %add3A_54 : i32 to vector<16xi32>
    %add3A_56 = arith.addi %add3A_55, %add3A_4 : vector<16xi32>
    %gather3A_57 = tpu.vector_load_idx %arg8[%add3A_56, %add3A_56] : memref<128x128xf32, #tpu.memory_space<vmem>>[vector<16xi32>, vector<16xi32>], vector<16xf32>,
    %bitcast_convert_type3A_58 = tpu.bitcast %gather3A_57 : vector<16xf32> -> vector<16xi32>
    %gt3A_59 = arith.constant 0.000000e+00 : f32
    %gt3A_60 = vector.broadcast %gt3A_59 : f32 to vector<16xf32>
    %gt3A_61 = arith.cmpf ogt, %gather3A_57, %gt3A_60 : vector<16xf32>
    %sub3A_62 = arith.constant 1 : i32
    %sub3A_63 = vector.broadcast %sub3A_62 : i32 to vector<16xi32>
    %sub3A_64 = arith.subi %bitcast_convert_type3A_58, %sub3A_63 : vector<16xi32>
    %add3A_65 = arith.constant 1 : i32
    %add3A_66 = vector.broadcast %add3A_65 : i32 to vector<16xi32>
    %add3A_67 = arith.addi %bitcast_convert_type3A_58, %add3A_66 : vector<16xi32>
    %select_n3A_68 = arith.select %gt3A_61, %sub3A_64, %add3A_67 : vector<16xi1>, vector<16xi32>
    %eq3A_69 = arith.constant 0.000000e+00 : f32
    %eq3A_70 = vector.broadcast %eq3A_69 : f32 to vector<16xf32>
    %eq3A_71 = arith.cmpf oeq, %gather3A_57, %eq3A_70 : vector<16xf32>
    %jit3A_72 = arith.constant -2147483647 : i32
    %broadcast_in_dim3A_73 = vector.broadcast %jit3A_72 : i32 to vector<16xi32>
    %select_n3A_74 = arith.select %eq3A_71, %broadcast_in_dim3A_73, %select_n3A_68 : vector<16xi1>, vector<16xi32>
    %bitcast_convert_type3A_75 = tpu.bitcast %select_n3A_74 : vector<16xi32> -> vector<16xf32>
    %get3A_76 = arith.constant 32 : index
    %get3A_77 = tpu.vector_load %arg9[%get3A_76] {strides = array<i32>} : memref<128xi32, #tpu.memory_space<vmem>>, vector<16xi32>,
    %mul3A_78 = arith.constant 0 : i32
    %mul3A_79 = vector.broadcast %mul3A_78 : i32 to vector<16xi32>
    %mul3A_80 = arith.muli %add3A_4, %mul3A_79 : vector<16xi32>
    %add3A_81 = arith.constant 48 : i32
    %add3A_82 = vector.broadcast %add3A_81 : i32 to vector<16xi32>
    %add3A_83 = arith.addi %add3A_82, %add3A_4 : vector<16xi32>
    %gather3A_84 = tpu.vector_load_idx %arg8[%add3A_83, %add3A_83] : memref<128x128xf32, #tpu.memory_space<vmem>>[vector<16xi32>, vector<16xi32>], vector<16xf32>,
    %bitcast_convert_type3A_85 = tpu.bitcast %gather3A_84 : vector<16xf32> -> vector<16xi32>
    %gt3A_86 = arith.constant 0.000000e+00 : f32
    %gt3A_87 = vector.broadcast %gt3A_86 : f32 to vector<16xf32>
    %gt3A_88 = arith.cmpf ogt, %gather3A_84, %gt3A_87 : vector<16xf32>
    %sub3A_89 = arith.constant 1 : i32
    %sub3A_90 = vector.broadcast %sub3A_89 : i32 to vector<16xi32>
    %sub3A_91 = arith.subi %bitcast_convert_type3A_85, %sub3A_90 : vector<16xi32>
    %add3A_92 = arith.constant 1 : i32
    %add3A_93 = vector.broadcast %add3A_92 : i32 to vector<16xi32>
    %add3A_94 = arith.addi %bitcast_convert_type3A_85, %add3A_93 : vector<16xi32>
    %select_n3A_95 = arith.select %gt3A_88, %sub3A_91, %add3A_94 : vector<16xi1>, vector<16xi32>
    %eq3A_96 = arith.constant 0.000000e+00 : f32
    %eq3A_97 = vector.broadcast %eq3A_96 : f32 to vector<16xf32>
    %eq3A_98 = arith.cmpf oeq, %gather3A_84, %eq3A_97 : vector<16xf32>
    %jit3A_99 = arith.constant -2147483647 : i32
    %broadcast_in_dim3A_100 = vector.broadcast %jit3A_99 : i32 to vector<16xi32>
    %select_n3A_101 = arith.select %eq3A_98, %broadcast_in_dim3A_100, %select_n3A_95 : vector<16xi1>, vector<16xi32>
    %bitcast_convert_type3A_102 = tpu.bitcast %select_n3A_101 : vector<16xi32> -> vector<16xf32>
    %get3A_103 = arith.constant 48 : index
    %get3A_104 = tpu.vector_load %arg9[%get3A_103] {strides = array<i32>} : memref<128xi32, #tpu.memory_space<vmem>>, vector<16xi32>,
    %mul3A_105 = arith.constant 0 : i32
    %mul3A_106 = vector.broadcast %mul3A_105 : i32 to vector<16xi32>
    %mul3A_107 = arith.muli %add3A_4, %mul3A_106 : vector<16xi32>
    %add3A_108 = arith.constant 64 : i32
    %add3A_109 = vector.broadcast %add3A_108 : i32 to vector<16xi32>
    %add3A_110 = arith.addi %add3A_109, %add3A_4 : vector<16xi32>
    %gather3A_111 = tpu.vector_load_idx %arg8[%add3A_110, %add3A_110] : memref<128x128xf32, #tpu.memory_space<vmem>>[vector<16xi32>, vector<16xi32>], vector<16xf32>,
    %bitcast_convert_type3A_112 = tpu.bitcast %gather3A_111 : vector<16xf32> -> vector<16xi32>
    %gt3A_113 = arith.constant 0.000000e+00 : f32
    %gt3A_114 = vector.broadcast %gt3A_113 : f32 to vector<16xf32>
    %gt3A_115 = arith.cmpf ogt, %gather3A_111, %gt3A_114 : vector<16xf32>
    %sub3A_116 = arith.constant 1 : i32
    %sub3A_117 = vector.broadcast %sub3A_116 : i32 to vector<16xi32>
    %sub3A_118 = arith.subi %bitcast_convert_type3A_112, %sub3A_117 : vector<16xi32>
    %add3A_119 = arith.constant 1 : i32
    %add3A_120 = vector.broadcast %add3A_119 : i32 to vector<16xi32>
    %add3A_121 = arith.addi %bitcast_convert_type3A_112, %add3A_120 : vector<16xi32>
    %select_n3A_122 = arith.select %gt3A_115, %sub3A_118, %add3A_121 : vector<16xi1>, vector<16xi32>
    %eq3A_123 = arith.constant 0.000000e+00 : f32
    %eq3A_124 = vector.broadcast %eq3A_123 : f32 to vector<16xf32>
    %eq3A_125 = arith.cmpf oeq, %gather3A_111, %eq3A_124 : vector<16xf32>
    %jit3A_126 = arith.constant -2147483647 : i32
    %broadcast_in_dim3A_127 = vector.broadcast %jit3A_126 : i32 to vector<16xi32>
    %select_n3A_128 = arith.select %eq3A_125, %broadcast_in_dim3A_127, %select_n3A_122 : vector<16xi1>, vector<16xi32>
    %bitcast_convert_type3A_129 = tpu.bitcast %select_n3A_128 : vector<16xi32> -> vector<16xf32>
    %get3A_130 = arith.constant 64 : index
    %get3A_131 = tpu.vector_load %arg9[%get3A_130] {strides = array<i32>} : memref<128xi32, #tpu.memory_space<vmem>>, vector<16xi32>,
    %mul3A_132 = arith.constant 0 : i32
    %mul3A_133 = vector.broadcast %mul3A_132 : i32 to vector<16xi32>
    %mul3A_134 = arith.muli %add3A_4, %mul3A_133 : vector<16xi32>
    %add3A_135 = arith.constant 80 : i32
    %add3A_136 = vector.broadcast %add3A_135 : i32 to vector<16xi32>
    %add3A_137 = arith.addi %add3A_136, %add3A_4 : vector<16xi32>
    %gather3A_138 = tpu.vector_load_idx %arg8[%add3A_137, %add3A_137] : memref<128x128xf32, #tpu.memory_space<vmem>>[vector<16xi32>, vector<16xi32>], vector<16xf32>,
    %bitcast_convert_type3A_139 = tpu.bitcast %gather3A_138 : vector<16xf32> -> vector<16xi32>
    %gt3A_140 = arith.constant 0.000000e+00 : f32
    %gt3A_141 = vector.broadcast %gt3A_140 : f32 to vector<16xf32>
    %gt3A_142 = arith.cmpf ogt, %gather3A_138, %gt3A_141 : vector<16xf32>
    %sub3A_143 = arith.constant 1 : i32
    %sub3A_144 = vector.broadcast %sub3A_143 : i32 to vector<16xi32>
    %sub3A_145 = arith.subi %bitcast_convert_type3A_139, %sub3A_144 : vector<16xi32>
    %add3A_146 = arith.constant 1 : i32
    %add3A_147 = vector.broadcast %add3A_146 : i32 to vector<16xi32>
    %add3A_148 = arith.addi %bitcast_convert_type3A_139, %add3A_147 : vector<16xi32>
    %select_n3A_149 = arith.select %gt3A_142, %sub3A_145, %add3A_148 : vector<16xi1>, vector<16xi32>
    %eq3A_150 = arith.constant 0.000000e+00 : f32
    %eq3A_151 = vector.broadcast %eq3A_150 : f32 to vector<16xf32>
    %eq3A_152 = arith.cmpf oeq, %gather3A_138, %eq3A_151 : vector<16xf32>
    %jit3A_153 = arith.constant -2147483647 : i32
    %broadcast_in_dim3A_154 = vector.broadcast %jit3A_153 : i32 to vector<16xi32>
    %select_n3A_155 = arith.select %eq3A_152, %broadcast_in_dim3A_154, %select_n3A_149 : vector<16xi1>, vector<16xi32>
    %bitcast_convert_type3A_156 = tpu.bitcast %select_n3A_155 : vector<16xi32> -> vector<16xf32>
    %get3A_157 = arith.constant 80 : index
    %get3A_158 = tpu.vector_load %arg9[%get3A_157] {strides = array<i32>} : memref<128xi32, #tpu.memory_space<vmem>>, vector<16xi32>,
    %mul3A_159 = arith.constant 0 : i32
    %mul3A_160 = vector.broadcast %mul3A_159 : i32 to vector<16xi32>
    %mul3A_161 = arith.muli %add3A_4, %mul3A_160 : vector<16xi32>
    %add3A_162 = arith.constant 96 : i32
    %add3A_163 = vector.broadcast %add3A_162 : i32 to vector<16xi32>
    %add3A_164 = arith.addi %add3A_163, %add3A_4 : vector<16xi32>
    %gather3A_165 = tpu.vector_load_idx %arg8[%add3A_164, %add3A_164] : memref<128x128xf32, #tpu.memory_space<vmem>>[vector<16xi32>, vector<16xi32>], vector<16xf32>,
    %bitcast_convert_type3A_166 = tpu.bitcast %gather3A_165 : vector<16xf32> -> vector<16xi32>
    %gt3A_167 = arith.constant 0.000000e+00 : f32
    %gt3A_168 = vector.broadcast %gt3A_167 : f32 to vector<16xf32>
    %gt3A_169 = arith.cmpf ogt, %gather3A_165, %gt3A_168 : vector<16xf32>
    %sub3A_170 = arith.constant 1 : i32
    %sub3A_171 = vector.broadcast %sub3A_170 : i32 to vector<16xi32>
    %sub3A_172 = arith.subi %bitcast_convert_type3A_166, %sub3A_171 : vector<16xi32>
    %add3A_173 = arith.constant 1 : i32
    %add3A_174 = vector.broadcast %add3A_173 : i32 to vector<16xi32>
    %add3A_175 = arith.addi %bitcast_convert_type3A_166, %add3A_174 : vector<16xi32>
    %select_n3A_176 = arith.select %gt3A_169, %sub3A_172, %add3A_175 : vector<16xi1>, vector<16xi32>
    %eq3A_177 = arith.constant 0.000000e+00 : f32
    %eq3A_178 = vector.broadcast %eq3A_177 : f32 to vector<16xf32>
    %eq3A_179 = arith.cmpf oeq, %gather3A_165, %eq3A_178 : vector<16xf32>
    %jit3A_180 = arith.constant -2147483647 : i32
    %broadcast_in_dim3A_181 = vector.broadcast %jit3A_180 : i32 to vector<16xi32>
    %select_n3A_182 = arith.select %eq3A_179, %broadcast_in_dim3A_181, %select_n3A_176 : vector<16xi1>, vector<16xi32>
    %bitcast_convert_type3A_183 = tpu.bitcast %select_n3A_182 : vector<16xi32> -> vector<16xf32>
    %get3A_184 = arith.constant 96 : index
    %get3A_185 = tpu.vector_load %arg9[%get3A_184] {strides = array<i32>} : memref<128xi32, #tpu.memory_space<vmem>>, vector<16xi32>,
    %mul3A_186 = arith.constant 0 : i32
    %mul3A_187 = vector.broadcast %mul3A_186 : i32 to vector<16xi32>
    %mul3A_188 = arith.muli %add3A_4, %mul3A_187 : vector<16xi32>
    %add3A_189 = arith.constant 112 : i32
    %add3A_190 = vector.broadcast %add3A_189 : i32 to vector<16xi32>
    %add3A_191 = arith.addi %add3A_190, %add3A_4 : vector<16xi32>
    %gather3A_192 = tpu.vector_load_idx %arg8[%add3A_191, %add3A_191] : memref<128x128xf32, #tpu.memory_space<vmem>>[vector<16xi32>, vector<16xi32>], vector<16xf32>,
    %bitcast_convert_type3A_193 = tpu.bitcast %gather3A_192 : vector<16xf32> -> vector<16xi32>
    %gt3A_194 = arith.constant 0.000000e+00 : f32
    %gt3A_195 = vector.broadcast %gt3A_194 : f32 to vector<16xf32>
    %gt3A_196 = arith.cmpf ogt, %gather3A_192, %gt3A_195 : vector<16xf32>
    %sub3A_197 = arith.constant 1 : i32
    %sub3A_198 = vector.broadcast %sub3A_197 : i32 to vector<16xi32>
    %sub3A_199 = arith.subi %bitcast_convert_type3A_193, %sub3A_198 : vector<16xi32>
    %add3A_200 = arith.constant 1 : i32
    %add3A_201 = vector.broadcast %add3A_200 : i32 to vector<16xi32>
    %add3A_202 = arith.addi %bitcast_convert_type3A_193, %add3A_201 : vector<16xi32>
    %select_n3A_203 = arith.select %gt3A_196, %sub3A_199, %add3A_202 : vector<16xi1>, vector<16xi32>
    %eq3A_204 = arith.constant 0.000000e+00 : f32
    %eq3A_205 = vector.broadcast %eq3A_204 : f32 to vector<16xf32>
    %eq3A_206 = arith.cmpf oeq, %gather3A_192, %eq3A_205 : vector<16xf32>
    %jit3A_207 = arith.constant -2147483647 : i32
    %broadcast_in_dim3A_208 = vector.broadcast %jit3A_207 : i32 to vector<16xi32>
    %select_n3A_209 = arith.select %eq3A_206, %broadcast_in_dim3A_208, %select_n3A_203 : vector<16xi1>, vector<16xi32>
    %bitcast_convert_type3A_210 = tpu.bitcast %select_n3A_209 : vector<16xi32> -> vector<16xf32>
    %get3A_211 = arith.constant 112 : index
    %get3A_212 = tpu.vector_load %arg9[%get3A_211] {strides = array<i32>} : memref<128xi32, #tpu.memory_space<vmem>>, vector<16xi32>,
    %mul3A_213 = arith.constant 0 : i32
    %mul3A_214 = vector.broadcast %mul3A_213 : i32 to vector<16xi32>
    %mul3A_215 = arith.muli %add3A_4, %mul3A_214 : vector<16xi32>
    %mul3A_216 = arith.constant 390 : i32
    %mul3A_217 = arith.muli %add3A, %mul3A_216 : i32
    %add3A_218 = arith.constant 0 : i32
    %add3A_219 = arith.addi %add3A_218, %mul3A_217 : i32
    %add3A_220 = arith.constant 0 : i32
    %add3A_221 = arith.addi %add3A_219, %add3A_220 : i32
    %mul3A_222 = arith.constant 8 : i32
    %mul3A_223 = arith.muli %add3A_221, %mul3A_222 : i32
    %dma_start3A_224 = arith.constant 0 : i32
    %dma_start3A_225 = tpu.memref_slice %arg2[%mul3A_223, %dma_start3A_224] : memref<100000x128xf32, #tpu.memory_space<hbm>> -> memref<312x128xf32, #tpu.memory_space<hbm>>
    %dma_start3A_226 = arith.constant 0 : i32
    %dma_start3A_227 = tpu.memref_slice %arg2[%mul3A_223, %dma_start3A_226] : memref<100000x128xf32, #tpu.memory_space<hbm>> -> memref<312x128xf32, #tpu.memory_space<hbm>>
    tpu.enqueue_dma source(%dma_start3A_227 : memref<312x128xf32, #tpu.memory_space<hbm>>) target(%arg6 : memref<312x128xf32, #tpu.memory_space<vmem>>) target_semaphore(%arg12 : memref<!tpu.dma_semaphore, #tpu.memory_space<semaphore_mem>>)
    %min3A = arith.constant 19 : i32
    %min3A_228 = arith.minsi %add3A, %min3A : i32
    %add3A_229 = arith.constant 12480 : i32
    %add3A_230 = arith.addi %add3A_229, %min3A_228 : i32
    %mul3A_231 = arith.constant 8 : i32
    %mul3A_232 = arith.muli %add3A_230, %mul3A_231 : i32
    %dma_start3A_233 = arith.constant 0 : i32
    %dma_start3A_234 = tpu.memref_slice %arg2[%mul3A_232, %dma_start3A_233] : memref<100000x128xf32, #tpu.memory_space<hbm>> -> memref<8x128xf32, #tpu.memory_space<hbm>>
    %dma_start3A_235 = arith.constant 0 : i32
    %dma_start3A_236 = tpu.memref_slice %arg2[%mul3A_232, %dma_start3A_235] : memref<100000x128xf32, #tpu.memory_space<hbm>> -> memref<8x128xf32, #tpu.memory_space<hbm>>
    tpu.enqueue_dma source(%dma_start3A_236 : memref<8x128xf32, #tpu.memory_space<hbm>>) target(%arg10 : memref<8x128xf32, #tpu.memory_space<vmem>>) target_semaphore(%arg14 : memref<!tpu.dma_semaphore, #tpu.memory_space<semaphore_mem>>)
    %mul3A_237 = arith.constant 390 : i32
    %mul3A_238 = arith.muli %add3A, %mul3A_237 : i32
    %add3A_239 = arith.constant 0 : i32
    %add3A_240 = arith.addi %add3A_239, %mul3A_238 : i32
    %add3A_241 = arith.constant 39 : i32
    %add3A_242 = arith.addi %add3A_240, %add3A_241 : i32
    %mul3A_243 = arith.constant 8 : i32
    %mul3A_244 = arith.muli %add3A_242, %mul3A_243 : i32
    %dma_start3A_245 = arith.constant 0 : i32
    %dma_start3A_246 = tpu.memref_slice %arg2[%mul3A_244, %dma_start3A_245] : memref<100000x128xf32, #tpu.memory_space<hbm>> -> memref<312x128xf32, #tpu.memory_space<hbm>>
    %dma_start3A_247 = arith.constant 0 : i32
    %dma_start3A_248 = tpu.memref_slice %arg2[%mul3A_244, %dma_start3A_247] : memref<100000x128xf32, #tpu.memory_space<hbm>> -> memref<312x128xf32, #tpu.memory_space<hbm>>
    tpu.enqueue_dma source(%dma_start3A_248 : memref<312x128xf32, #tpu.memory_space<hbm>>) target(%arg7 : memref<312x128xf32, #tpu.memory_space<vmem>>) target_semaphore(%arg13 : memref<!tpu.dma_semaphore, #tpu.memory_space<semaphore_mem>>)
    %dma_wait3A_249 = arith.constant 0 : i32
    %dma_wait3A_250 = tpu.memref_slice %arg2[%mul3A_223, %dma_wait3A_249] : memref<100000x128xf32, #tpu.memory_space<hbm>> -> memref<312x128xf32, #tpu.memory_space<hbm>>
    %dma_wait3A_251 = arith.constant 0 : i32
    %dma_wait3A_252 = tpu.memref_slice %arg2[%mul3A_223, %dma_wait3A_251] : memref<100000x128xf32, #tpu.memory_space<hbm>> -> memref<312x128xf32, #tpu.memory_space<hbm>>
    tpu.wait_dma2 semaphore(%arg12 : memref<!tpu.dma_semaphore, #tpu.memory_space<semaphore_mem>>) src(%dma_wait3A_252 : memref<312x128xf32, #tpu.memory_space<hbm>>) dst(%arg6 : memref<312x128xf32, #tpu.memory_space<vmem>>)
    %mul3A_253 = arith.constant 390 : i32
    %mul3A_254 = arith.muli %add3A, %mul3A_253 : i32
    %add3A_255 = arith.constant 0 : i32
    %add3A_256 = arith.addi %add3A_255, %mul3A_254 : i32
    %add3A_257 = arith.constant 0 : i32
    %add3A_258 = arith.addi %add3A_256, %add3A_257 : i32
    %mul3A_259 = arith.constant 8 : i32
    %mul3A_260 = arith.muli %add3A_258, %mul3A_259 : i32
    %parallel_loop3A = arith.constant 0 : i32
    %parallel_loop3A_261 = arith.constant 312 : i32
    %parallel_loop3A_262 = arith.constant 1 : i32
    %parallel_loop3A_263:8 = scf.for %parallel_loop3A_595 = %parallel_loop3A to %parallel_loop3A_261 step %parallel_loop3A_262 iter_args(%parallel_loop3A_596 = %mul3A_26, %parallel_loop3A_597 = %mul3A_53, %parallel_loop3A_598 = %mul3A_80, %parallel_loop3A_599 = %mul3A_107, %parallel_loop3A_600 = %mul3A_134, %parallel_loop3A_601 = %mul3A_161, %parallel_loop3A_602 = %mul3A_188, %parallel_loop3A_603 = %mul3A_215) -> (vector<16xi32>, vector<16xi32>, vector<16xi32>, vector<16xi32>, vector<16xi32>, vector<16xi32>, vector<16xi32>, vector<16xi32>)  : i32 {
      %parallel_loop3A_604 = arith.addi %mul3A_260, %parallel_loop3A_595 : i32
      %parallel_loop3A_605 = arith.index_cast %parallel_loop3A_595 : i32 to index
      %parallel_loop3A_606 = arith.constant 0 : index
      %parallel_loop3A_607 = tpu.vector_load %arg6[%parallel_loop3A_605, %parallel_loop3A_606] {strides = array<i32>} : memref<312x128xf32, #tpu.memory_space<vmem>>, vector<16xf32>,
      %parallel_loop3A_608 = vector.broadcast %parallel_loop3A_604 : i32 to vector<16xi32>
      %parallel_loop3A_609 = arith.cmpi slt, %parallel_loop3A_608, %get3A_23 : vector<16xi32>
      %parallel_loop3A_610 = arith.select %parallel_loop3A_609, %bitcast_convert_type3A_22, %gather3A : vector<16xi1>, vector<16xf32>
      %parallel_loop3A_611 = arith.cmpf ogt, %parallel_loop3A_607, %parallel_loop3A_610 : vector<16xf32>
      %parallel_loop3A_612 = arith.extui %parallel_loop3A_611 : vector<16xi1> to vector<16xi32>
      %parallel_loop3A_613 = arith.addi %parallel_loop3A_596, %parallel_loop3A_612 : vector<16xi32>
      %parallel_loop3A_614 = arith.index_cast %parallel_loop3A_595 : i32 to index
      %parallel_loop3A_615 = arith.constant 16 : index
      %parallel_loop3A_616 = tpu.vector_load %arg6[%parallel_loop3A_614, %parallel_loop3A_615] {strides = array<i32>} : memref<312x128xf32, #tpu.memory_space<vmem>>, vector<16xf32>,
      %parallel_loop3A_617 = vector.broadcast %parallel_loop3A_604 : i32 to vector<16xi32>
      %parallel_loop3A_618 = arith.cmpi slt, %parallel_loop3A_617, %get3A_50 : vector<16xi32>
      %parallel_loop3A_619 = arith.select %parallel_loop3A_618, %bitcast_convert_type3A_48, %gather3A_30 : vector<16xi1>, vector<16xf32>
      %parallel_loop3A_620 = arith.cmpf ogt, %parallel_loop3A_616, %parallel_loop3A_619 : vector<16xf32>
      %parallel_loop3A_621 = arith.extui %parallel_loop3A_620 : vector<16xi1> to vector<16xi32>
      %parallel_loop3A_622 = arith.addi %parallel_loop3A_597, %parallel_loop3A_621 : vector<16xi32>
      %parallel_loop3A_623 = arith.index_cast %parallel_loop3A_595 : i32 to index
      %parallel_loop3A_624 = arith.constant 32 : index
      %parallel_loop3A_625 = tpu.vector_load %arg6[%parallel_loop3A_623, %parallel_loop3A_624] {strides = array<i32>} : memref<312x128xf32, #tpu.memory_space<vmem>>, vector<16xf32>,
      %parallel_loop3A_626 = vector.broadcast %parallel_loop3A_604 : i32 to vector<16xi32>
      %parallel_loop3A_627 = arith.cmpi slt, %parallel_loop3A_626, %get3A_77 : vector<16xi32>
      %parallel_loop3A_628 = arith.select %parallel_loop3A_627, %bitcast_convert_type3A_75, %gather3A_57 : vector<16xi1>, vector<16xf32>
      %parallel_loop3A_629 = arith.cmpf ogt, %parallel_loop3A_625, %parallel_loop3A_628 : vector<16xf32>
      %parallel_loop3A_630 = arith.extui %parallel_loop3A_629 : vector<16xi1> to vector<16xi32>
      %parallel_loop3A_631 = arith.addi %parallel_loop3A_598, %parallel_loop3A_630 : vector<16xi32>
      %parallel_loop3A_632 = arith.index_cast %parallel_loop3A_595 : i32 to index
      %parallel_loop3A_633 = arith.constant 48 : index
      %parallel_loop3A_634 = tpu.vector_load %arg6[%parallel_loop3A_632, %parallel_loop3A_633] {strides = array<i32>} : memref<312x128xf32, #tpu.memory_space<vmem>>, vector<16xf32>,
      %parallel_loop3A_635 = vector.broadcast %parallel_loop3A_604 : i32 to vector<16xi32>
      %parallel_loop3A_636 = arith.cmpi slt, %parallel_loop3A_635, %get3A_104 : vector<16xi32>
      %parallel_loop3A_637 = arith.select %parallel_loop3A_636, %bitcast_convert_type3A_102, %gather3A_84 : vector<16xi1>, vector<16xf32>
      %parallel_loop3A_638 = arith.cmpf ogt, %parallel_loop3A_634, %parallel_loop3A_637 : vector<16xf32>
      %parallel_loop3A_639 = arith.extui %parallel_loop3A_638 : vector<16xi1> to vector<16xi32>
      %parallel_loop3A_640 = arith.addi %parallel_loop3A_599, %parallel_loop3A_639 : vector<16xi32>
      %parallel_loop3A_641 = arith.index_cast %parallel_loop3A_595 : i32 to index
      %parallel_loop3A_642 = arith.constant 64 : index
      %parallel_loop3A_643 = tpu.vector_load %arg6[%parallel_loop3A_641, %parallel_loop3A_642] {strides = array<i32>} : memref<312x128xf32, #tpu.memory_space<vmem>>, vector<16xf32>,
      %parallel_loop3A_644 = vector.broadcast %parallel_loop3A_604 : i32 to vector<16xi32>
      %parallel_loop3A_645 = arith.cmpi slt, %parallel_loop3A_644, %get3A_131 : vector<16xi32>
      %parallel_loop3A_646 = arith.select %parallel_loop3A_645, %bitcast_convert_type3A_129, %gather3A_111 : vector<16xi1>, vector<16xf32>
      %parallel_loop3A_647 = arith.cmpf ogt, %parallel_loop3A_643, %parallel_loop3A_646 : vector<16xf32>
      %parallel_loop3A_648 = arith.extui %parallel_loop3A_647 : vector<16xi1> to vector<16xi32>
      %parallel_loop3A_649 = arith.addi %parallel_loop3A_600, %parallel_loop3A_648 : vector<16xi32>
      %parallel_loop3A_650 = arith.index_cast %parallel_loop3A_595 : i32 to index
      %parallel_loop3A_651 = arith.constant 80 : index
      %parallel_loop3A_652 = tpu.vector_load %arg6[%parallel_loop3A_650, %parallel_loop3A_651] {strides = array<i32>} : memref<312x128xf32, #tpu.memory_space<vmem>>, vector<16xf32>,
      %parallel_loop3A_653 = vector.broadcast %parallel_loop3A_604 : i32 to vector<16xi32>
      %parallel_loop3A_654 = arith.cmpi slt, %parallel_loop3A_653, %get3A_158 : vector<16xi32>
      %parallel_loop3A_655 = arith.select %parallel_loop3A_654, %bitcast_convert_type3A_156, %gather3A_138 : vector<16xi1>, vector<16xf32>
      %parallel_loop3A_656 = arith.cmpf ogt, %parallel_loop3A_652, %parallel_loop3A_655 : vector<16xf32>
      %parallel_loop3A_657 = arith.extui %parallel_loop3A_656 : vector<16xi1> to vector<16xi32>
      %parallel_loop3A_658 = arith.addi %parallel_loop3A_601, %parallel_loop3A_657 : vector<16xi32>
      %parallel_loop3A_659 = arith.index_cast %parallel_loop3A_595 : i32 to index
      %parallel_loop3A_660 = arith.constant 96 : index
      %parallel_loop3A_661 = tpu.vector_load %arg6[%parallel_loop3A_659, %parallel_loop3A_660] {strides = array<i32>} : memref<312x128xf32, #tpu.memory_space<vmem>>, vector<16xf32>,
      %parallel_loop3A_662 = vector.broadcast %parallel_loop3A_604 : i32 to vector<16xi32>
      %parallel_loop3A_663 = arith.cmpi slt, %parallel_loop3A_662, %get3A_185 : vector<16xi32>
      %parallel_loop3A_664 = arith.select %parallel_loop3A_663, %bitcast_convert_type3A_183, %gather3A_165 : vector<16xi1>, vector<16xf32>
      %parallel_loop3A_665 = arith.cmpf ogt, %parallel_loop3A_661, %parallel_loop3A_664 : vector<16xf32>
      %parallel_loop3A_666 = arith.extui %parallel_loop3A_665 : vector<16xi1> to vector<16xi32>
      %parallel_loop3A_667 = arith.addi %parallel_loop3A_602, %parallel_loop3A_666 : vector<16xi32>
      %parallel_loop3A_668 = arith.index_cast %parallel_loop3A_595 : i32 to index
      %parallel_loop3A_669 = arith.constant 112 : index
      %parallel_loop3A_670 = tpu.vector_load %arg6[%parallel_loop3A_668, %parallel_loop3A_669] {strides = array<i32>} : memref<312x128xf32, #tpu.memory_space<vmem>>, vector<16xf32>,
      %parallel_loop3A_671 = vector.broadcast %parallel_loop3A_604 : i32 to vector<16xi32>
      %parallel_loop3A_672 = arith.cmpi slt, %parallel_loop3A_671, %get3A_212 : vector<16xi32>
      %parallel_loop3A_673 = arith.select %parallel_loop3A_672, %bitcast_convert_type3A_210, %gather3A_192 : vector<16xi1>, vector<16xf32>
      %parallel_loop3A_674 = arith.cmpf ogt, %parallel_loop3A_670, %parallel_loop3A_673 : vector<16xf32>
      %parallel_loop3A_675 = arith.extui %parallel_loop3A_674 : vector<16xi1> to vector<16xi32>
      %parallel_loop3A_676 = arith.addi %parallel_loop3A_603, %parallel_loop3A_675 : vector<16xi32>
      scf.yield %parallel_loop3A_613, %parallel_loop3A_622, %parallel_loop3A_631, %parallel_loop3A_640, %parallel_loop3A_649, %parallel_loop3A_658, %parallel_loop3A_667, %parallel_loop3A_676 : vector<16xi32>, vector<16xi32>, vector<16xi32>, vector<16xi32>, vector<16xi32>, vector<16xi32>, vector<16xi32>, vector<16xi32>
    } {sc.loop_unroll_factor = 1 : i64, sc.parallel_access}
    %mul3A_264 = arith.constant 390 : i32
    %mul3A_265 = arith.muli %add3A, %mul3A_264 : i32
    %add3A_266 = arith.constant 0 : i32
    %add3A_267 = arith.addi %add3A_266, %mul3A_265 : i32
    %add3A_268 = arith.constant 78 : i32
    %add3A_269 = arith.addi %add3A_267, %add3A_268 : i32
    %mul3A_270 = arith.constant 8 : i32
    %mul3A_271 = arith.muli %add3A_269, %mul3A_270 : i32
    %dma_start3A_272 = arith.constant 0 : i32
    %dma_start3A_273 = tpu.memref_slice %arg2[%mul3A_271, %dma_start3A_272] : memref<100000x128xf32, #tpu.memory_space<hbm>> -> memref<312x128xf32, #tpu.memory_space<hbm>>
    %dma_start3A_274 = arith.constant 0 : i32
    %dma_start3A_275 = tpu.memref_slice %arg2[%mul3A_271, %dma_start3A_274] : memref<100000x128xf32, #tpu.memory_space<hbm>> -> memref<312x128xf32, #tpu.memory_space<hbm>>
    tpu.enqueue_dma source(%dma_start3A_275 : memref<312x128xf32, #tpu.memory_space<hbm>>) target(%arg6 : memref<312x128xf32, #tpu.memory_space<vmem>>) target_semaphore(%arg12 : memref<!tpu.dma_semaphore, #tpu.memory_space<semaphore_mem>>)
    %dma_wait3A_276 = arith.constant 0 : i32
    %dma_wait3A_277 = tpu.memref_slice %arg2[%mul3A_244, %dma_wait3A_276] : memref<100000x128xf32, #tpu.memory_space<hbm>> -> memref<312x128xf32, #tpu.memory_space<hbm>>
    %dma_wait3A_278 = arith.constant 0 : i32
    %dma_wait3A_279 = tpu.memref_slice %arg2[%mul3A_244, %dma_wait3A_278] : memref<100000x128xf32, #tpu.memory_space<hbm>> -> memref<312x128xf32, #tpu.memory_space<hbm>>
    tpu.wait_dma2 semaphore(%arg13 : memref<!tpu.dma_semaphore, #tpu.memory_space<semaphore_mem>>) src(%dma_wait3A_279 : memref<312x128xf32, #tpu.memory_space<hbm>>) dst(%arg7 : memref<312x128xf32, #tpu.memory_space<vmem>>)
    %mul3A_280 = arith.constant 390 : i32
    %mul3A_281 = arith.muli %add3A, %mul3A_280 : i32
    %add3A_282 = arith.constant 0 : i32
    %add3A_283 = arith.addi %add3A_282, %mul3A_281 : i32
    %add3A_284 = arith.constant 39 : i32
    %add3A_285 = arith.addi %add3A_283, %add3A_284 : i32
    %mul3A_286 = arith.constant 8 : i32
    %mul3A_287 = arith.muli %add3A_285, %mul3A_286 : i32
    %parallel_loop3A_288 = arith.constant 0 : i32
    %parallel_loop3A_289 = arith.constant 312 : i32
    %parallel_loop3A_290 = arith.constant 1 : i32
    %parallel_loop3A_291:8 = scf.for %parallel_loop3A_595 = %parallel_loop3A_288 to %parallel_loop3A_289 step %parallel_loop3A_290 iter_args(%parallel_loop3A_596 = %parallel_loop3A_263#0, %parallel_loop3A_597 = %parallel_loop3A_263#1, %parallel_loop3A_598 = %parallel_loop3A_263#2, %parallel_loop3A_599 = %parallel_loop3A_263#3, %parallel_loop3A_600 = %parallel_loop3A_263#4, %parallel_loop3A_601 = %parallel_loop3A_263#5, %parallel_loop3A_602 = %parallel_loop3A_263#6, %parallel_loop3A_603 = %parallel_loop3A_263#7) -> (vector<16xi32>, vector<16xi32>, vector<16xi32>, vector<16xi32>, vector<16xi32>, vector<16xi32>, vector<16xi32>, vector<16xi32>)  : i32 {
      %parallel_loop3A_604 = arith.addi %mul3A_287, %parallel_loop3A_595 : i32
      %parallel_loop3A_605 = arith.index_cast %parallel_loop3A_595 : i32 to index
      %parallel_loop3A_606 = arith.constant 0 : index
      %parallel_loop3A_607 = tpu.vector_load %arg7[%parallel_loop3A_605, %parallel_loop3A_606] {strides = array<i32>} : memref<312x128xf32, #tpu.memory_space<vmem>>, vector<16xf32>,
      %parallel_loop3A_608 = vector.broadcast %parallel_loop3A_604 : i32 to vector<16xi32>
      %parallel_loop3A_609 = arith.cmpi slt, %parallel_loop3A_608, %get3A_23 : vector<16xi32>
      %parallel_loop3A_610 = arith.select %parallel_loop3A_609, %bitcast_convert_type3A_22, %gather3A : vector<16xi1>, vector<16xf32>
      %parallel_loop3A_611 = arith.cmpf ogt, %parallel_loop3A_607, %parallel_loop3A_610 : vector<16xf32>
      %parallel_loop3A_612 = arith.extui %parallel_loop3A_611 : vector<16xi1> to vector<16xi32>
      %parallel_loop3A_613 = arith.addi %parallel_loop3A_596, %parallel_loop3A_612 : vector<16xi32>
      %parallel_loop3A_614 = arith.index_cast %parallel_loop3A_595 : i32 to index
      %parallel_loop3A_615 = arith.constant 16 : index
      %parallel_loop3A_616 = tpu.vector_load %arg7[%parallel_loop3A_614, %parallel_loop3A_615] {strides = array<i32>} : memref<312x128xf32, #tpu.memory_space<vmem>>, vector<16xf32>,
      %parallel_loop3A_617 = vector.broadcast %parallel_loop3A_604 : i32 to vector<16xi32>
      %parallel_loop3A_618 = arith.cmpi slt, %parallel_loop3A_617, %get3A_50 : vector<16xi32>
      %parallel_loop3A_619 = arith.select %parallel_loop3A_618, %bitcast_convert_type3A_48, %gather3A_30 : vector<16xi1>, vector<16xf32>
      %parallel_loop3A_620 = arith.cmpf ogt, %parallel_loop3A_616, %parallel_loop3A_619 : vector<16xf32>
      %parallel_loop3A_621 = arith.extui %parallel_loop3A_620 : vector<16xi1> to vector<16xi32>
      %parallel_loop3A_622 = arith.addi %parallel_loop3A_597, %parallel_loop3A_621 : vector<16xi32>
      %parallel_loop3A_623 = arith.index_cast %parallel_loop3A_595 : i32 to index
      %parallel_loop3A_624 = arith.constant 32 : index
      %parallel_loop3A_625 = tpu.vector_load %arg7[%parallel_loop3A_623, %parallel_loop3A_624] {strides = array<i32>} : memref<312x128xf32, #tpu.memory_space<vmem>>, vector<16xf32>,
      %parallel_loop3A_626 = vector.broadcast %parallel_loop3A_604 : i32 to vector<16xi32>
      %parallel_loop3A_627 = arith.cmpi slt, %parallel_loop3A_626, %get3A_77 : vector<16xi32>
      %parallel_loop3A_628 = arith.select %parallel_loop3A_627, %bitcast_convert_type3A_75, %gather3A_57 : vector<16xi1>, vector<16xf32>
      %parallel_loop3A_629 = arith.cmpf ogt, %parallel_loop3A_625, %parallel_loop3A_628 : vector<16xf32>
      %parallel_loop3A_630 = arith.extui %parallel_loop3A_629 : vector<16xi1> to vector<16xi32>
      %parallel_loop3A_631 = arith.addi %parallel_loop3A_598, %parallel_loop3A_630 : vector<16xi32>
      %parallel_loop3A_632 = arith.index_cast %parallel_loop3A_595 : i32 to index
      %parallel_loop3A_633 = arith.constant 48 : index
      %parallel_loop3A_634 = tpu.vector_load %arg7[%parallel_loop3A_632, %parallel_loop3A_633] {strides = array<i32>} : memref<312x128xf32, #tpu.memory_space<vmem>>, vector<16xf32>,
      %parallel_loop3A_635 = vector.broadcast %parallel_loop3A_604 : i32 to vector<16xi32>
      %parallel_loop3A_636 = arith.cmpi slt, %parallel_loop3A_635, %get3A_104 : vector<16xi32>
      %parallel_loop3A_637 = arith.select %parallel_loop3A_636, %bitcast_convert_type3A_102, %gather3A_84 : vector<16xi1>, vector<16xf32>
      %parallel_loop3A_638 = arith.cmpf ogt, %parallel_loop3A_634, %parallel_loop3A_637 : vector<16xf32>
      %parallel_loop3A_639 = arith.extui %parallel_loop3A_638 : vector<16xi1> to vector<16xi32>
      %parallel_loop3A_640 = arith.addi %parallel_loop3A_599, %parallel_loop3A_639 : vector<16xi32>
      %parallel_loop3A_641 = arith.index_cast %parallel_loop3A_595 : i32 to index
      %parallel_loop3A_642 = arith.constant 64 : index
      %parallel_loop3A_643 = tpu.vector_load %arg7[%parallel_loop3A_641, %parallel_loop3A_642] {strides = array<i32>} : memref<312x128xf32, #tpu.memory_space<vmem>>, vector<16xf32>,
      %parallel_loop3A_644 = vector.broadcast %parallel_loop3A_604 : i32 to vector<16xi32>
      %parallel_loop3A_645 = arith.cmpi slt, %parallel_loop3A_644, %get3A_131 : vector<16xi32>
      %parallel_loop3A_646 = arith.select %parallel_loop3A_645, %bitcast_convert_type3A_129, %gather3A_111 : vector<16xi1>, vector<16xf32>
      %parallel_loop3A_647 = arith.cmpf ogt, %parallel_loop3A_643, %parallel_loop3A_646 : vector<16xf32>
      %parallel_loop3A_648 = arith.extui %parallel_loop3A_647 : vector<16xi1> to vector<16xi32>
      %parallel_loop3A_649 = arith.addi %parallel_loop3A_600, %parallel_loop3A_648 : vector<16xi32>
      %parallel_loop3A_650 = arith.index_cast %parallel_loop3A_595 : i32 to index
      %parallel_loop3A_651 = arith.constant 80 : index
      %parallel_loop3A_652 = tpu.vector_load %arg7[%parallel_loop3A_650, %parallel_loop3A_651] {strides = array<i32>} : memref<312x128xf32, #tpu.memory_space<vmem>>, vector<16xf32>,
      %parallel_loop3A_653 = vector.broadcast %parallel_loop3A_604 : i32 to vector<16xi32>
      %parallel_loop3A_654 = arith.cmpi slt, %parallel_loop3A_653, %get3A_158 : vector<16xi32>
      %parallel_loop3A_655 = arith.select %parallel_loop3A_654, %bitcast_convert_type3A_156, %gather3A_138 : vector<16xi1>, vector<16xf32>
      %parallel_loop3A_656 = arith.cmpf ogt, %parallel_loop3A_652, %parallel_loop3A_655 : vector<16xf32>
      %parallel_loop3A_657 = arith.extui %parallel_loop3A_656 : vector<16xi1> to vector<16xi32>
      %parallel_loop3A_658 = arith.addi %parallel_loop3A_601, %parallel_loop3A_657 : vector<16xi32>
      %parallel_loop3A_659 = arith.index_cast %parallel_loop3A_595 : i32 to index
      %parallel_loop3A_660 = arith.constant 96 : index
      %parallel_loop3A_661 = tpu.vector_load %arg7[%parallel_loop3A_659, %parallel_loop3A_660] {strides = array<i32>} : memref<312x128xf32, #tpu.memory_space<vmem>>, vector<16xf32>,
      %parallel_loop3A_662 = vector.broadcast %parallel_loop3A_604 : i32 to vector<16xi32>
      %parallel_loop3A_663 = arith.cmpi slt, %parallel_loop3A_662, %get3A_185 : vector<16xi32>
      %parallel_loop3A_664 = arith.select %parallel_loop3A_663, %bitcast_convert_type3A_183, %gather3A_165 : vector<16xi1>, vector<16xf32>
      %parallel_loop3A_665 = arith.cmpf ogt, %parallel_loop3A_661, %parallel_loop3A_664 : vector<16xf32>
      %parallel_loop3A_666 = arith.extui %parallel_loop3A_665 : vector<16xi1> to vector<16xi32>
      %parallel_loop3A_667 = arith.addi %parallel_loop3A_602, %parallel_loop3A_666 : vector<16xi32>
      %parallel_loop3A_668 = arith.index_cast %parallel_loop3A_595 : i32 to index
      %parallel_loop3A_669 = arith.constant 112 : index
      %parallel_loop3A_670 = tpu.vector_load %arg7[%parallel_loop3A_668, %parallel_loop3A_669] {strides = array<i32>} : memref<312x128xf32, #tpu.memory_space<vmem>>, vector<16xf32>,
      %parallel_loop3A_671 = vector.broadcast %parallel_loop3A_604 : i32 to vector<16xi32>
      %parallel_loop3A_672 = arith.cmpi slt, %parallel_loop3A_671, %get3A_212 : vector<16xi32>
      %parallel_loop3A_673 = arith.select %parallel_loop3A_672, %bitcast_convert_type3A_210, %gather3A_192 : vector<16xi1>, vector<16xf32>
      %parallel_loop3A_674 = arith.cmpf ogt, %parallel_loop3A_670, %parallel_loop3A_673 : vector<16xf32>
      %parallel_loop3A_675 = arith.extui %parallel_loop3A_674 : vector<16xi1> to vector<16xi32>
      %parallel_loop3A_676 = arith.addi %parallel_loop3A_603, %parallel_loop3A_675 : vector<16xi32>
      scf.yield %parallel_loop3A_613, %parallel_loop3A_622, %parallel_loop3A_631, %parallel_loop3A_640, %parallel_loop3A_649, %parallel_loop3A_658, %parallel_loop3A_667, %parallel_loop3A_676 : vector<16xi32>, vector<16xi32>, vector<16xi32>, vector<16xi32>, vector<16xi32>, vector<16xi32>, vector<16xi32>, vector<16xi32>
    } {sc.loop_unroll_factor = 1 : i64, sc.parallel_access}
    %mul3A_292 = arith.constant 390 : i32
    %mul3A_293 = arith.muli %add3A, %mul3A_292 : i32
    %add3A_294 = arith.constant 0 : i32
    %add3A_295 = arith.addi %add3A_294, %mul3A_293 : i32
    %add3A_296 = arith.constant 117 : i32
    %add3A_297 = arith.addi %add3A_295, %add3A_296 : i32
    %mul3A_298 = arith.constant 8 : i32
    %mul3A_299 = arith.muli %add3A_297, %mul3A_298 : i32
    %dma_start3A_300 = arith.constant 0 : i32
    %dma_start3A_301 = tpu.memref_slice %arg2[%mul3A_299, %dma_start3A_300] : memref<100000x128xf32, #tpu.memory_space<hbm>> -> memref<312x128xf32, #tpu.memory_space<hbm>>
    %dma_start3A_302 = arith.constant 0 : i32
    %dma_start3A_303 = tpu.memref_slice %arg2[%mul3A_299, %dma_start3A_302] : memref<100000x128xf32, #tpu.memory_space<hbm>> -> memref<312x128xf32, #tpu.memory_space<hbm>>
    tpu.enqueue_dma source(%dma_start3A_303 : memref<312x128xf32, #tpu.memory_space<hbm>>) target(%arg7 : memref<312x128xf32, #tpu.memory_space<vmem>>) target_semaphore(%arg13 : memref<!tpu.dma_semaphore, #tpu.memory_space<semaphore_mem>>)
    %dma_wait3A_304 = arith.constant 0 : i32
    %dma_wait3A_305 = tpu.memref_slice %arg2[%mul3A_271, %dma_wait3A_304] : memref<100000x128xf32, #tpu.memory_space<hbm>> -> memref<312x128xf32, #tpu.memory_space<hbm>>
    %dma_wait3A_306 = arith.constant 0 : i32
    %dma_wait3A_307 = tpu.memref_slice %arg2[%mul3A_271, %dma_wait3A_306] : memref<100000x128xf32, #tpu.memory_space<hbm>> -> memref<312x128xf32, #tpu.memory_space<hbm>>
    tpu.wait_dma2 semaphore(%arg12 : memref<!tpu.dma_semaphore, #tpu.memory_space<semaphore_mem>>) src(%dma_wait3A_307 : memref<312x128xf32, #tpu.memory_space<hbm>>) dst(%arg6 : memref<312x128xf32, #tpu.memory_space<vmem>>)
    %mul3A_308 = arith.constant 390 : i32
    %mul3A_309 = arith.muli %add3A, %mul3A_308 : i32
    %add3A_310 = arith.constant 0 : i32
    %add3A_311 = arith.addi %add3A_310, %mul3A_309 : i32
    %add3A_312 = arith.constant 78 : i32
    %add3A_313 = arith.addi %add3A_311, %add3A_312 : i32
    %mul3A_314 = arith.constant 8 : i32
    %mul3A_315 = arith.muli %add3A_313, %mul3A_314 : i32
    %parallel_loop3A_316 = arith.constant 0 : i32
    %parallel_loop3A_317 = arith.constant 312 : i32
    %parallel_loop3A_318 = arith.constant 1 : i32
    %parallel_loop3A_319:8 = scf.for %parallel_loop3A_595 = %parallel_loop3A_316 to %parallel_loop3A_317 step %parallel_loop3A_318 iter_args(%parallel_loop3A_596 = %parallel_loop3A_291#0, %parallel_loop3A_597 = %parallel_loop3A_291#1, %parallel_loop3A_598 = %parallel_loop3A_291#2, %parallel_loop3A_599 = %parallel_loop3A_291#3, %parallel_loop3A_600 = %parallel_loop3A_291#4, %parallel_loop3A_601 = %parallel_loop3A_291#5, %parallel_loop3A_602 = %parallel_loop3A_291#6, %parallel_loop3A_603 = %parallel_loop3A_291#7) -> (vector<16xi32>, vector<16xi32>, vector<16xi32>, vector<16xi32>, vector<16xi32>, vector<16xi32>, vector<16xi32>, vector<16xi32>)  : i32 {
      %parallel_loop3A_604 = arith.addi %mul3A_315, %parallel_loop3A_595 : i32
      %parallel_loop3A_605 = arith.index_cast %parallel_loop3A_595 : i32 to index
      %parallel_loop3A_606 = arith.constant 0 : index
      %parallel_loop3A_607 = tpu.vector_load %arg6[%parallel_loop3A_605, %parallel_loop3A_606] {strides = array<i32>} : memref<312x128xf32, #tpu.memory_space<vmem>>, vector<16xf32>,
      %parallel_loop3A_608 = vector.broadcast %parallel_loop3A_604 : i32 to vector<16xi32>
      %parallel_loop3A_609 = arith.cmpi slt, %parallel_loop3A_608, %get3A_23 : vector<16xi32>
      %parallel_loop3A_610 = arith.select %parallel_loop3A_609, %bitcast_convert_type3A_22, %gather3A : vector<16xi1>, vector<16xf32>
      %parallel_loop3A_611 = arith.cmpf ogt, %parallel_loop3A_607, %parallel_loop3A_610 : vector<16xf32>
      %parallel_loop3A_612 = arith.extui %parallel_loop3A_611 : vector<16xi1> to vector<16xi32>
      %parallel_loop3A_613 = arith.addi %parallel_loop3A_596, %parallel_loop3A_612 : vector<16xi32>
      %parallel_loop3A_614 = arith.index_cast %parallel_loop3A_595 : i32 to index
      %parallel_loop3A_615 = arith.constant 16 : index
      %parallel_loop3A_616 = tpu.vector_load %arg6[%parallel_loop3A_614, %parallel_loop3A_615] {strides = array<i32>} : memref<312x128xf32, #tpu.memory_space<vmem>>, vector<16xf32>,
      %parallel_loop3A_617 = vector.broadcast %parallel_loop3A_604 : i32 to vector<16xi32>
      %parallel_loop3A_618 = arith.cmpi slt, %parallel_loop3A_617, %get3A_50 : vector<16xi32>
      %parallel_loop3A_619 = arith.select %parallel_loop3A_618, %bitcast_convert_type3A_48, %gather3A_30 : vector<16xi1>, vector<16xf32>
      %parallel_loop3A_620 = arith.cmpf ogt, %parallel_loop3A_616, %parallel_loop3A_619 : vector<16xf32>
      %parallel_loop3A_621 = arith.extui %parallel_loop3A_620 : vector<16xi1> to vector<16xi32>
      %parallel_loop3A_622 = arith.addi %parallel_loop3A_597, %parallel_loop3A_621 : vector<16xi32>
      %parallel_loop3A_623 = arith.index_cast %parallel_loop3A_595 : i32 to index
      %parallel_loop3A_624 = arith.constant 32 : index
      %parallel_loop3A_625 = tpu.vector_load %arg6[%parallel_loop3A_623, %parallel_loop3A_624] {strides = array<i32>} : memref<312x128xf32, #tpu.memory_space<vmem>>, vector<16xf32>,
      %parallel_loop3A_626 = vector.broadcast %parallel_loop3A_604 : i32 to vector<16xi32>
      %parallel_loop3A_627 = arith.cmpi slt, %parallel_loop3A_626, %get3A_77 : vector<16xi32>
      %parallel_loop3A_628 = arith.select %parallel_loop3A_627, %bitcast_convert_type3A_75, %gather3A_57 : vector<16xi1>, vector<16xf32>
      %parallel_loop3A_629 = arith.cmpf ogt, %parallel_loop3A_625, %parallel_loop3A_628 : vector<16xf32>
      %parallel_loop3A_630 = arith.extui %parallel_loop3A_629 : vector<16xi1> to vector<16xi32>
      %parallel_loop3A_631 = arith.addi %parallel_loop3A_598, %parallel_loop3A_630 : vector<16xi32>
      %parallel_loop3A_632 = arith.index_cast %parallel_loop3A_595 : i32 to index
      %parallel_loop3A_633 = arith.constant 48 : index
      %parallel_loop3A_634 = tpu.vector_load %arg6[%parallel_loop3A_632, %parallel_loop3A_633] {strides = array<i32>} : memref<312x128xf32, #tpu.memory_space<vmem>>, vector<16xf32>,
      %parallel_loop3A_635 = vector.broadcast %parallel_loop3A_604 : i32 to vector<16xi32>
      %parallel_loop3A_636 = arith.cmpi slt, %parallel_loop3A_635, %get3A_104 : vector<16xi32>
      %parallel_loop3A_637 = arith.select %parallel_loop3A_636, %bitcast_convert_type3A_102, %gather3A_84 : vector<16xi1>, vector<16xf32>
      %parallel_loop3A_638 = arith.cmpf ogt, %parallel_loop3A_634, %parallel_loop3A_637 : vector<16xf32>
      %parallel_loop3A_639 = arith.extui %parallel_loop3A_638 : vector<16xi1> to vector<16xi32>
      %parallel_loop3A_640 = arith.addi %parallel_loop3A_599, %parallel_loop3A_639 : vector<16xi32>
      %parallel_loop3A_641 = arith.index_cast %parallel_loop3A_595 : i32 to index
      %parallel_loop3A_642 = arith.constant 64 : index
      %parallel_loop3A_643 = tpu.vector_load %arg6[%parallel_loop3A_641, %parallel_loop3A_642] {strides = array<i32>} : memref<312x128xf32, #tpu.memory_space<vmem>>, vector<16xf32>,
      %parallel_loop3A_644 = vector.broadcast %parallel_loop3A_604 : i32 to vector<16xi32>
      %parallel_loop3A_645 = arith.cmpi slt, %parallel_loop3A_644, %get3A_131 : vector<16xi32>
      %parallel_loop3A_646 = arith.select %parallel_loop3A_645, %bitcast_convert_type3A_129, %gather3A_111 : vector<16xi1>, vector<16xf32>
      %parallel_loop3A_647 = arith.cmpf ogt, %parallel_loop3A_643, %parallel_loop3A_646 : vector<16xf32>
      %parallel_loop3A_648 = arith.extui %parallel_loop3A_647 : vector<16xi1> to vector<16xi32>
      %parallel_loop3A_649 = arith.addi %parallel_loop3A_600, %parallel_loop3A_648 : vector<16xi32>
      %parallel_loop3A_650 = arith.index_cast %parallel_loop3A_595 : i32 to index
      %parallel_loop3A_651 = arith.constant 80 : index
      %parallel_loop3A_652 = tpu.vector_load %arg6[%parallel_loop3A_650, %parallel_loop3A_651] {strides = array<i32>} : memref<312x128xf32, #tpu.memory_space<vmem>>, vector<16xf32>,
      %parallel_loop3A_653 = vector.broadcast %parallel_loop3A_604 : i32 to vector<16xi32>
      %parallel_loop3A_654 = arith.cmpi slt, %parallel_loop3A_653, %get3A_158 : vector<16xi32>
      %parallel_loop3A_655 = arith.select %parallel_loop3A_654, %bitcast_convert_type3A_156, %gather3A_138 : vector<16xi1>, vector<16xf32>
      %parallel_loop3A_656 = arith.cmpf ogt, %parallel_loop3A_652, %parallel_loop3A_655 : vector<16xf32>
      %parallel_loop3A_657 = arith.extui %parallel_loop3A_656 : vector<16xi1> to vector<16xi32>
      %parallel_loop3A_658 = arith.addi %parallel_loop3A_601, %parallel_loop3A_657 : vector<16xi32>
      %parallel_loop3A_659 = arith.index_cast %parallel_loop3A_595 : i32 to index
      %parallel_loop3A_660 = arith.constant 96 : index
      %parallel_loop3A_661 = tpu.vector_load %arg6[%parallel_loop3A_659, %parallel_loop3A_660] {strides = array<i32>} : memref<312x128xf32, #tpu.memory_space<vmem>>, vector<16xf32>,
      %parallel_loop3A_662 = vector.broadcast %parallel_loop3A_604 : i32 to vector<16xi32>
      %parallel_loop3A_663 = arith.cmpi slt, %parallel_loop3A_662, %get3A_185 : vector<16xi32>
      %parallel_loop3A_664 = arith.select %parallel_loop3A_663, %bitcast_convert_type3A_183, %gather3A_165 : vector<16xi1>, vector<16xf32>
      %parallel_loop3A_665 = arith.cmpf ogt, %parallel_loop3A_661, %parallel_loop3A_664 : vector<16xf32>
      %parallel_loop3A_666 = arith.extui %parallel_loop3A_665 : vector<16xi1> to vector<16xi32>
      %parallel_loop3A_667 = arith.addi %parallel_loop3A_602, %parallel_loop3A_666 : vector<16xi32>
      %parallel_loop3A_668 = arith.index_cast %parallel_loop3A_595 : i32 to index
      %parallel_loop3A_669 = arith.constant 112 : index
      %parallel_loop3A_670 = tpu.vector_load %arg6[%parallel_loop3A_668, %parallel_loop3A_669] {strides = array<i32>} : memref<312x128xf32, #tpu.memory_space<vmem>>, vector<16xf32>,
      %parallel_loop3A_671 = vector.broadcast %parallel_loop3A_604 : i32 to vector<16xi32>
      %parallel_loop3A_672 = arith.cmpi slt, %parallel_loop3A_671, %get3A_212 : vector<16xi32>
      %parallel_loop3A_673 = arith.select %parallel_loop3A_672, %bitcast_convert_type3A_210, %gather3A_192 : vector<16xi1>, vector<16xf32>
      %parallel_loop3A_674 = arith.cmpf ogt, %parallel_loop3A_670, %parallel_loop3A_673 : vector<16xf32>
      %parallel_loop3A_675 = arith.extui %parallel_loop3A_674 : vector<16xi1> to vector<16xi32>
      %parallel_loop3A_676 = arith.addi %parallel_loop3A_603, %parallel_loop3A_675 : vector<16xi32>
      scf.yield %parallel_loop3A_613, %parallel_loop3A_622, %parallel_loop3A_631, %parallel_loop3A_640, %parallel_loop3A_649, %parallel_loop3A_658, %parallel_loop3A_667, %parallel_loop3A_676 : vector<16xi32>, vector<16xi32>, vector<16xi32>, vector<16xi32>, vector<16xi32>, vector<16xi32>, vector<16xi32>, vector<16xi32>
    } {sc.loop_unroll_factor = 1 : i64, sc.parallel_access}
    %mul3A_320 = arith.constant 390 : i32
    %mul3A_321 = arith.muli %add3A, %mul3A_320 : i32
    %add3A_322 = arith.constant 0 : i32
    %add3A_323 = arith.addi %add3A_322, %mul3A_321 : i32
    %add3A_324 = arith.constant 156 : i32
    %add3A_325 = arith.addi %add3A_323, %add3A_324 : i32
    %mul3A_326 = arith.constant 8 : i32
    %mul3A_327 = arith.muli %add3A_325, %mul3A_326 : i32
    %dma_start3A_328 = arith.constant 0 : i32
    %dma_start3A_329 = tpu.memref_slice %arg2[%mul3A_327, %dma_start3A_328] : memref<100000x128xf32, #tpu.memory_space<hbm>> -> memref<312x128xf32, #tpu.memory_space<hbm>>
    %dma_start3A_330 = arith.constant 0 : i32
    %dma_start3A_331 = tpu.memref_slice %arg2[%mul3A_327, %dma_start3A_330] : memref<100000x128xf32, #tpu.memory_space<hbm>> -> memref<312x128xf32, #tpu.memory_space<hbm>>
    tpu.enqueue_dma source(%dma_start3A_331 : memref<312x128xf32, #tpu.memory_space<hbm>>) target(%arg6 : memref<312x128xf32, #tpu.memory_space<vmem>>) target_semaphore(%arg12 : memref<!tpu.dma_semaphore, #tpu.memory_space<semaphore_mem>>)
    %dma_wait3A_332 = arith.constant 0 : i32
    %dma_wait3A_333 = tpu.memref_slice %arg2[%mul3A_299, %dma_wait3A_332] : memref<100000x128xf32, #tpu.memory_space<hbm>> -> memref<312x128xf32, #tpu.memory_space<hbm>>
    %dma_wait3A_334 = arith.constant 0 : i32
    %dma_wait3A_335 = tpu.memref_slice %arg2[%mul3A_299, %dma_wait3A_334] : memref<100000x128xf32, #tpu.memory_space<hbm>> -> memref<312x128xf32, #tpu.memory_space<hbm>>
    tpu.wait_dma2 semaphore(%arg13 : memref<!tpu.dma_semaphore, #tpu.memory_space<semaphore_mem>>) src(%dma_wait3A_335 : memref<312x128xf32, #tpu.memory_space<hbm>>) dst(%arg7 : memref<312x128xf32, #tpu.memory_space<vmem>>)
    %mul3A_336 = arith.constant 390 : i32
    %mul3A_337 = arith.muli %add3A, %mul3A_336 : i32
    %add3A_338 = arith.constant 0 : i32
    %add3A_339 = arith.addi %add3A_338, %mul3A_337 : i32
    %add3A_340 = arith.constant 117 : i32
    %add3A_341 = arith.addi %add3A_339, %add3A_340 : i32
    %mul3A_342 = arith.constant 8 : i32
    %mul3A_343 = arith.muli %add3A_341, %mul3A_342 : i32
    %parallel_loop3A_344 = arith.constant 0 : i32
    %parallel_loop3A_345 = arith.constant 312 : i32
    %parallel_loop3A_346 = arith.constant 1 : i32
    %parallel_loop3A_347:8 = scf.for %parallel_loop3A_595 = %parallel_loop3A_344 to %parallel_loop3A_345 step %parallel_loop3A_346 iter_args(%parallel_loop3A_596 = %parallel_loop3A_319#0, %parallel_loop3A_597 = %parallel_loop3A_319#1, %parallel_loop3A_598 = %parallel_loop3A_319#2, %parallel_loop3A_599 = %parallel_loop3A_319#3, %parallel_loop3A_600 = %parallel_loop3A_319#4, %parallel_loop3A_601 = %parallel_loop3A_319#5, %parallel_loop3A_602 = %parallel_loop3A_319#6, %parallel_loop3A_603 = %parallel_loop3A_319#7) -> (vector<16xi32>, vector<16xi32>, vector<16xi32>, vector<16xi32>, vector<16xi32>, vector<16xi32>, vector<16xi32>, vector<16xi32>)  : i32 {
      %parallel_loop3A_604 = arith.addi %mul3A_343, %parallel_loop3A_595 : i32
      %parallel_loop3A_605 = arith.index_cast %parallel_loop3A_595 : i32 to index
      %parallel_loop3A_606 = arith.constant 0 : index
      %parallel_loop3A_607 = tpu.vector_load %arg7[%parallel_loop3A_605, %parallel_loop3A_606] {strides = array<i32>} : memref<312x128xf32, #tpu.memory_space<vmem>>, vector<16xf32>,
      %parallel_loop3A_608 = vector.broadcast %parallel_loop3A_604 : i32 to vector<16xi32>
      %parallel_loop3A_609 = arith.cmpi slt, %parallel_loop3A_608, %get3A_23 : vector<16xi32>
      %parallel_loop3A_610 = arith.select %parallel_loop3A_609, %bitcast_convert_type3A_22, %gather3A : vector<16xi1>, vector<16xf32>
      %parallel_loop3A_611 = arith.cmpf ogt, %parallel_loop3A_607, %parallel_loop3A_610 : vector<16xf32>
      %parallel_loop3A_612 = arith.extui %parallel_loop3A_611 : vector<16xi1> to vector<16xi32>
      %parallel_loop3A_613 = arith.addi %parallel_loop3A_596, %parallel_loop3A_612 : vector<16xi32>
      %parallel_loop3A_614 = arith.index_cast %parallel_loop3A_595 : i32 to index
      %parallel_loop3A_615 = arith.constant 16 : index
      %parallel_loop3A_616 = tpu.vector_load %arg7[%parallel_loop3A_614, %parallel_loop3A_615] {strides = array<i32>} : memref<312x128xf32, #tpu.memory_space<vmem>>, vector<16xf32>,
      %parallel_loop3A_617 = vector.broadcast %parallel_loop3A_604 : i32 to vector<16xi32>
      %parallel_loop3A_618 = arith.cmpi slt, %parallel_loop3A_617, %get3A_50 : vector<16xi32>
      %parallel_loop3A_619 = arith.select %parallel_loop3A_618, %bitcast_convert_type3A_48, %gather3A_30 : vector<16xi1>, vector<16xf32>
      %parallel_loop3A_620 = arith.cmpf ogt, %parallel_loop3A_616, %parallel_loop3A_619 : vector<16xf32>
      %parallel_loop3A_621 = arith.extui %parallel_loop3A_620 : vector<16xi1> to vector<16xi32>
      %parallel_loop3A_622 = arith.addi %parallel_loop3A_597, %parallel_loop3A_621 : vector<16xi32>
      %parallel_loop3A_623 = arith.index_cast %parallel_loop3A_595 : i32 to index
      %parallel_loop3A_624 = arith.constant 32 : index
      %parallel_loop3A_625 = tpu.vector_load %arg7[%parallel_loop3A_623, %parallel_loop3A_624] {strides = array<i32>} : memref<312x128xf32, #tpu.memory_space<vmem>>, vector<16xf32>,
      %parallel_loop3A_626 = vector.broadcast %parallel_loop3A_604 : i32 to vector<16xi32>
      %parallel_loop3A_627 = arith.cmpi slt, %parallel_loop3A_626, %get3A_77 : vector<16xi32>
      %parallel_loop3A_628 = arith.select %parallel_loop3A_627, %bitcast_convert_type3A_75, %gather3A_57 : vector<16xi1>, vector<16xf32>
      %parallel_loop3A_629 = arith.cmpf ogt, %parallel_loop3A_625, %parallel_loop3A_628 : vector<16xf32>
      %parallel_loop3A_630 = arith.extui %parallel_loop3A_629 : vector<16xi1> to vector<16xi32>
      %parallel_loop3A_631 = arith.addi %parallel_loop3A_598, %parallel_loop3A_630 : vector<16xi32>
      %parallel_loop3A_632 = arith.index_cast %parallel_loop3A_595 : i32 to index
      %parallel_loop3A_633 = arith.constant 48 : index
      %parallel_loop3A_634 = tpu.vector_load %arg7[%parallel_loop3A_632, %parallel_loop3A_633] {strides = array<i32>} : memref<312x128xf32, #tpu.memory_space<vmem>>, vector<16xf32>,
      %parallel_loop3A_635 = vector.broadcast %parallel_loop3A_604 : i32 to vector<16xi32>
      %parallel_loop3A_636 = arith.cmpi slt, %parallel_loop3A_635, %get3A_104 : vector<16xi32>
      %parallel_loop3A_637 = arith.select %parallel_loop3A_636, %bitcast_convert_type3A_102, %gather3A_84 : vector<16xi1>, vector<16xf32>
      %parallel_loop3A_638 = arith.cmpf ogt, %parallel_loop3A_634, %parallel_loop3A_637 : vector<16xf32>
      %parallel_loop3A_639 = arith.extui %parallel_loop3A_638 : vector<16xi1> to vector<16xi32>
      %parallel_loop3A_640 = arith.addi %parallel_loop3A_599, %parallel_loop3A_639 : vector<16xi32>
      %parallel_loop3A_641 = arith.index_cast %parallel_loop3A_595 : i32 to index
      %parallel_loop3A_642 = arith.constant 64 : index
      %parallel_loop3A_643 = tpu.vector_load %arg7[%parallel_loop3A_641, %parallel_loop3A_642] {strides = array<i32>} : memref<312x128xf32, #tpu.memory_space<vmem>>, vector<16xf32>,
      %parallel_loop3A_644 = vector.broadcast %parallel_loop3A_604 : i32 to vector<16xi32>
      %parallel_loop3A_645 = arith.cmpi slt, %parallel_loop3A_644, %get3A_131 : vector<16xi32>
      %parallel_loop3A_646 = arith.select %parallel_loop3A_645, %bitcast_convert_type3A_129, %gather3A_111 : vector<16xi1>, vector<16xf32>
      %parallel_loop3A_647 = arith.cmpf ogt, %parallel_loop3A_643, %parallel_loop3A_646 : vector<16xf32>
      %parallel_loop3A_648 = arith.extui %parallel_loop3A_647 : vector<16xi1> to vector<16xi32>
      %parallel_loop3A_649 = arith.addi %parallel_loop3A_600, %parallel_loop3A_648 : vector<16xi32>
      %parallel_loop3A_650 = arith.index_cast %parallel_loop3A_595 : i32 to index
      %parallel_loop3A_651 = arith.constant 80 : index
      %parallel_loop3A_652 = tpu.vector_load %arg7[%parallel_loop3A_650, %parallel_loop3A_651] {strides = array<i32>} : memref<312x128xf32, #tpu.memory_space<vmem>>, vector<16xf32>,
      %parallel_loop3A_653 = vector.broadcast %parallel_loop3A_604 : i32 to vector<16xi32>
      %parallel_loop3A_654 = arith.cmpi slt, %parallel_loop3A_653, %get3A_158 : vector<16xi32>
      %parallel_loop3A_655 = arith.select %parallel_loop3A_654, %bitcast_convert_type3A_156, %gather3A_138 : vector<16xi1>, vector<16xf32>
      %parallel_loop3A_656 = arith.cmpf ogt, %parallel_loop3A_652, %parallel_loop3A_655 : vector<16xf32>
      %parallel_loop3A_657 = arith.extui %parallel_loop3A_656 : vector<16xi1> to vector<16xi32>
      %parallel_loop3A_658 = arith.addi %parallel_loop3A_601, %parallel_loop3A_657 : vector<16xi32>
      %parallel_loop3A_659 = arith.index_cast %parallel_loop3A_595 : i32 to index
      %parallel_loop3A_660 = arith.constant 96 : index
      %parallel_loop3A_661 = tpu.vector_load %arg7[%parallel_loop3A_659, %parallel_loop3A_660] {strides = array<i32>} : memref<312x128xf32, #tpu.memory_space<vmem>>, vector<16xf32>,
      %parallel_loop3A_662 = vector.broadcast %parallel_loop3A_604 : i32 to vector<16xi32>
      %parallel_loop3A_663 = arith.cmpi slt, %parallel_loop3A_662, %get3A_185 : vector<16xi32>
      %parallel_loop3A_664 = arith.select %parallel_loop3A_663, %bitcast_convert_type3A_183, %gather3A_165 : vector<16xi1>, vector<16xf32>
      %parallel_loop3A_665 = arith.cmpf ogt, %parallel_loop3A_661, %parallel_loop3A_664 : vector<16xf32>
      %parallel_loop3A_666 = arith.extui %parallel_loop3A_665 : vector<16xi1> to vector<16xi32>
      %parallel_loop3A_667 = arith.addi %parallel_loop3A_602, %parallel_loop3A_666 : vector<16xi32>
      %parallel_loop3A_668 = arith.index_cast %parallel_loop3A_595 : i32 to index
      %parallel_loop3A_669 = arith.constant 112 : index
      %parallel_loop3A_670 = tpu.vector_load %arg7[%parallel_loop3A_668, %parallel_loop3A_669] {strides = array<i32>} : memref<312x128xf32, #tpu.memory_space<vmem>>, vector<16xf32>,
      %parallel_loop3A_671 = vector.broadcast %parallel_loop3A_604 : i32 to vector<16xi32>
      %parallel_loop3A_672 = arith.cmpi slt, %parallel_loop3A_671, %get3A_212 : vector<16xi32>
      %parallel_loop3A_673 = arith.select %parallel_loop3A_672, %bitcast_convert_type3A_210, %gather3A_192 : vector<16xi1>, vector<16xf32>
      %parallel_loop3A_674 = arith.cmpf ogt, %parallel_loop3A_670, %parallel_loop3A_673 : vector<16xf32>
      %parallel_loop3A_675 = arith.extui %parallel_loop3A_674 : vector<16xi1> to vector<16xi32>
      %parallel_loop3A_676 = arith.addi %parallel_loop3A_603, %parallel_loop3A_675 : vector<16xi32>
      scf.yield %parallel_loop3A_613, %parallel_loop3A_622, %parallel_loop3A_631, %parallel_loop3A_640, %parallel_loop3A_649, %parallel_loop3A_658, %parallel_loop3A_667, %parallel_loop3A_676 : vector<16xi32>, vector<16xi32>, vector<16xi32>, vector<16xi32>, vector<16xi32>, vector<16xi32>, vector<16xi32>, vector<16xi32>
    } {sc.loop_unroll_factor = 1 : i64, sc.parallel_access}
    %mul3A_348 = arith.constant 390 : i32
    %mul3A_349 = arith.muli %add3A, %mul3A_348 : i32
    %add3A_350 = arith.constant 0 : i32
    %add3A_351 = arith.addi %add3A_350, %mul3A_349 : i32
    %add3A_352 = arith.constant 195 : i32
    %add3A_353 = arith.addi %add3A_351, %add3A_352 : i32
    %mul3A_354 = arith.constant 8 : i32
    %mul3A_355 = arith.muli %add3A_353, %mul3A_354 : i32
    %dma_start3A_356 = arith.constant 0 : i32
    %dma_start3A_357 = tpu.memref_slice %arg2[%mul3A_355, %dma_start3A_356] : memref<100000x128xf32, #tpu.memory_space<hbm>> -> memref<312x128xf32, #tpu.memory_space<hbm>>
    %dma_start3A_358 = arith.constant 0 : i32
    %dma_start3A_359 = tpu.memref_slice %arg2[%mul3A_355, %dma_start3A_358] : memref<100000x128xf32, #tpu.memory_space<hbm>> -> memref<312x128xf32, #tpu.memory_space<hbm>>
    tpu.enqueue_dma source(%dma_start3A_359 : memref<312x128xf32, #tpu.memory_space<hbm>>) target(%arg7 : memref<312x128xf32, #tpu.memory_space<vmem>>) target_semaphore(%arg13 : memref<!tpu.dma_semaphore, #tpu.memory_space<semaphore_mem>>)
    %dma_wait3A_360 = arith.constant 0 : i32
    %dma_wait3A_361 = tpu.memref_slice %arg2[%mul3A_327, %dma_wait3A_360] : memref<100000x128xf32, #tpu.memory_space<hbm>> -> memref<312x128xf32, #tpu.memory_space<hbm>>
    %dma_wait3A_362 = arith.constant 0 : i32
    %dma_wait3A_363 = tpu.memref_slice %arg2[%mul3A_327, %dma_wait3A_362] : memref<100000x128xf32, #tpu.memory_space<hbm>> -> memref<312x128xf32, #tpu.memory_space<hbm>>
    tpu.wait_dma2 semaphore(%arg12 : memref<!tpu.dma_semaphore, #tpu.memory_space<semaphore_mem>>) src(%dma_wait3A_363 : memref<312x128xf32, #tpu.memory_space<hbm>>) dst(%arg6 : memref<312x128xf32, #tpu.memory_space<vmem>>)
    %mul3A_364 = arith.constant 390 : i32
    %mul3A_365 = arith.muli %add3A, %mul3A_364 : i32
    %add3A_366 = arith.constant 0 : i32
    %add3A_367 = arith.addi %add3A_366, %mul3A_365 : i32
    %add3A_368 = arith.constant 156 : i32
    %add3A_369 = arith.addi %add3A_367, %add3A_368 : i32
    %mul3A_370 = arith.constant 8 : i32
    %mul3A_371 = arith.muli %add3A_369, %mul3A_370 : i32
    %parallel_loop3A_372 = arith.constant 0 : i32
    %parallel_loop3A_373 = arith.constant 312 : i32
    %parallel_loop3A_374 = arith.constant 1 : i32
    %parallel_loop3A_375:8 = scf.for %parallel_loop3A_595 = %parallel_loop3A_372 to %parallel_loop3A_373 step %parallel_loop3A_374 iter_args(%parallel_loop3A_596 = %parallel_loop3A_347#0, %parallel_loop3A_597 = %parallel_loop3A_347#1, %parallel_loop3A_598 = %parallel_loop3A_347#2, %parallel_loop3A_599 = %parallel_loop3A_347#3, %parallel_loop3A_600 = %parallel_loop3A_347#4, %parallel_loop3A_601 = %parallel_loop3A_347#5, %parallel_loop3A_602 = %parallel_loop3A_347#6, %parallel_loop3A_603 = %parallel_loop3A_347#7) -> (vector<16xi32>, vector<16xi32>, vector<16xi32>, vector<16xi32>, vector<16xi32>, vector<16xi32>, vector<16xi32>, vector<16xi32>)  : i32 {
      %parallel_loop3A_604 = arith.addi %mul3A_371, %parallel_loop3A_595 : i32
      %parallel_loop3A_605 = arith.index_cast %parallel_loop3A_595 : i32 to index
      %parallel_loop3A_606 = arith.constant 0 : index
      %parallel_loop3A_607 = tpu.vector_load %arg6[%parallel_loop3A_605, %parallel_loop3A_606] {strides = array<i32>} : memref<312x128xf32, #tpu.memory_space<vmem>>, vector<16xf32>,
      %parallel_loop3A_608 = vector.broadcast %parallel_loop3A_604 : i32 to vector<16xi32>
      %parallel_loop3A_609 = arith.cmpi slt, %parallel_loop3A_608, %get3A_23 : vector<16xi32>
      %parallel_loop3A_610 = arith.select %parallel_loop3A_609, %bitcast_convert_type3A_22, %gather3A : vector<16xi1>, vector<16xf32>
      %parallel_loop3A_611 = arith.cmpf ogt, %parallel_loop3A_607, %parallel_loop3A_610 : vector<16xf32>
      %parallel_loop3A_612 = arith.extui %parallel_loop3A_611 : vector<16xi1> to vector<16xi32>
      %parallel_loop3A_613 = arith.addi %parallel_loop3A_596, %parallel_loop3A_612 : vector<16xi32>
      %parallel_loop3A_614 = arith.index_cast %parallel_loop3A_595 : i32 to index
      %parallel_loop3A_615 = arith.constant 16 : index
      %parallel_loop3A_616 = tpu.vector_load %arg6[%parallel_loop3A_614, %parallel_loop3A_615] {strides = array<i32>} : memref<312x128xf32, #tpu.memory_space<vmem>>, vector<16xf32>,
      %parallel_loop3A_617 = vector.broadcast %parallel_loop3A_604 : i32 to vector<16xi32>
      %parallel_loop3A_618 = arith.cmpi slt, %parallel_loop3A_617, %get3A_50 : vector<16xi32>
      %parallel_loop3A_619 = arith.select %parallel_loop3A_618, %bitcast_convert_type3A_48, %gather3A_30 : vector<16xi1>, vector<16xf32>
      %parallel_loop3A_620 = arith.cmpf ogt, %parallel_loop3A_616, %parallel_loop3A_619 : vector<16xf32>
      %parallel_loop3A_621 = arith.extui %parallel_loop3A_620 : vector<16xi1> to vector<16xi32>
      %parallel_loop3A_622 = arith.addi %parallel_loop3A_597, %parallel_loop3A_621 : vector<16xi32>
      %parallel_loop3A_623 = arith.index_cast %parallel_loop3A_595 : i32 to index
      %parallel_loop3A_624 = arith.constant 32 : index
      %parallel_loop3A_625 = tpu.vector_load %arg6[%parallel_loop3A_623, %parallel_loop3A_624] {strides = array<i32>} : memref<312x128xf32, #tpu.memory_space<vmem>>, vector<16xf32>,
      %parallel_loop3A_626 = vector.broadcast %parallel_loop3A_604 : i32 to vector<16xi32>
      %parallel_loop3A_627 = arith.cmpi slt, %parallel_loop3A_626, %get3A_77 : vector<16xi32>
      %parallel_loop3A_628 = arith.select %parallel_loop3A_627, %bitcast_convert_type3A_75, %gather3A_57 : vector<16xi1>, vector<16xf32>
      %parallel_loop3A_629 = arith.cmpf ogt, %parallel_loop3A_625, %parallel_loop3A_628 : vector<16xf32>
      %parallel_loop3A_630 = arith.extui %parallel_loop3A_629 : vector<16xi1> to vector<16xi32>
      %parallel_loop3A_631 = arith.addi %parallel_loop3A_598, %parallel_loop3A_630 : vector<16xi32>
      %parallel_loop3A_632 = arith.index_cast %parallel_loop3A_595 : i32 to index
      %parallel_loop3A_633 = arith.constant 48 : index
      %parallel_loop3A_634 = tpu.vector_load %arg6[%parallel_loop3A_632, %parallel_loop3A_633] {strides = array<i32>} : memref<312x128xf32, #tpu.memory_space<vmem>>, vector<16xf32>,
      %parallel_loop3A_635 = vector.broadcast %parallel_loop3A_604 : i32 to vector<16xi32>
      %parallel_loop3A_636 = arith.cmpi slt, %parallel_loop3A_635, %get3A_104 : vector<16xi32>
      %parallel_loop3A_637 = arith.select %parallel_loop3A_636, %bitcast_convert_type3A_102, %gather3A_84 : vector<16xi1>, vector<16xf32>
      %parallel_loop3A_638 = arith.cmpf ogt, %parallel_loop3A_634, %parallel_loop3A_637 : vector<16xf32>
      %parallel_loop3A_639 = arith.extui %parallel_loop3A_638 : vector<16xi1> to vector<16xi32>
      %parallel_loop3A_640 = arith.addi %parallel_loop3A_599, %parallel_loop3A_639 : vector<16xi32>
      %parallel_loop3A_641 = arith.index_cast %parallel_loop3A_595 : i32 to index
      %parallel_loop3A_642 = arith.constant 64 : index
      %parallel_loop3A_643 = tpu.vector_load %arg6[%parallel_loop3A_641, %parallel_loop3A_642] {strides = array<i32>} : memref<312x128xf32, #tpu.memory_space<vmem>>, vector<16xf32>,
      %parallel_loop3A_644 = vector.broadcast %parallel_loop3A_604 : i32 to vector<16xi32>
      %parallel_loop3A_645 = arith.cmpi slt, %parallel_loop3A_644, %get3A_131 : vector<16xi32>
      %parallel_loop3A_646 = arith.select %parallel_loop3A_645, %bitcast_convert_type3A_129, %gather3A_111 : vector<16xi1>, vector<16xf32>
      %parallel_loop3A_647 = arith.cmpf ogt, %parallel_loop3A_643, %parallel_loop3A_646 : vector<16xf32>
      %parallel_loop3A_648 = arith.extui %parallel_loop3A_647 : vector<16xi1> to vector<16xi32>
      %parallel_loop3A_649 = arith.addi %parallel_loop3A_600, %parallel_loop3A_648 : vector<16xi32>
      %parallel_loop3A_650 = arith.index_cast %parallel_loop3A_595 : i32 to index
      %parallel_loop3A_651 = arith.constant 80 : index
      %parallel_loop3A_652 = tpu.vector_load %arg6[%parallel_loop3A_650, %parallel_loop3A_651] {strides = array<i32>} : memref<312x128xf32, #tpu.memory_space<vmem>>, vector<16xf32>,
      %parallel_loop3A_653 = vector.broadcast %parallel_loop3A_604 : i32 to vector<16xi32>
      %parallel_loop3A_654 = arith.cmpi slt, %parallel_loop3A_653, %get3A_158 : vector<16xi32>
      %parallel_loop3A_655 = arith.select %parallel_loop3A_654, %bitcast_convert_type3A_156, %gather3A_138 : vector<16xi1>, vector<16xf32>
      %parallel_loop3A_656 = arith.cmpf ogt, %parallel_loop3A_652, %parallel_loop3A_655 : vector<16xf32>
      %parallel_loop3A_657 = arith.extui %parallel_loop3A_656 : vector<16xi1> to vector<16xi32>
      %parallel_loop3A_658 = arith.addi %parallel_loop3A_601, %parallel_loop3A_657 : vector<16xi32>
      %parallel_loop3A_659 = arith.index_cast %parallel_loop3A_595 : i32 to index
      %parallel_loop3A_660 = arith.constant 96 : index
      %parallel_loop3A_661 = tpu.vector_load %arg6[%parallel_loop3A_659, %parallel_loop3A_660] {strides = array<i32>} : memref<312x128xf32, #tpu.memory_space<vmem>>, vector<16xf32>,
      %parallel_loop3A_662 = vector.broadcast %parallel_loop3A_604 : i32 to vector<16xi32>
      %parallel_loop3A_663 = arith.cmpi slt, %parallel_loop3A_662, %get3A_185 : vector<16xi32>
      %parallel_loop3A_664 = arith.select %parallel_loop3A_663, %bitcast_convert_type3A_183, %gather3A_165 : vector<16xi1>, vector<16xf32>
      %parallel_loop3A_665 = arith.cmpf ogt, %parallel_loop3A_661, %parallel_loop3A_664 : vector<16xf32>
      %parallel_loop3A_666 = arith.extui %parallel_loop3A_665 : vector<16xi1> to vector<16xi32>
      %parallel_loop3A_667 = arith.addi %parallel_loop3A_602, %parallel_loop3A_666 : vector<16xi32>
      %parallel_loop3A_668 = arith.index_cast %parallel_loop3A_595 : i32 to index
      %parallel_loop3A_669 = arith.constant 112 : index
      %parallel_loop3A_670 = tpu.vector_load %arg6[%parallel_loop3A_668, %parallel_loop3A_669] {strides = array<i32>} : memref<312x128xf32, #tpu.memory_space<vmem>>, vector<16xf32>,
      %parallel_loop3A_671 = vector.broadcast %parallel_loop3A_604 : i32 to vector<16xi32>
      %parallel_loop3A_672 = arith.cmpi slt, %parallel_loop3A_671, %get3A_212 : vector<16xi32>
      %parallel_loop3A_673 = arith.select %parallel_loop3A_672, %bitcast_convert_type3A_210, %gather3A_192 : vector<16xi1>, vector<16xf32>
      %parallel_loop3A_674 = arith.cmpf ogt, %parallel_loop3A_670, %parallel_loop3A_673 : vector<16xf32>
      %parallel_loop3A_675 = arith.extui %parallel_loop3A_674 : vector<16xi1> to vector<16xi32>
      %parallel_loop3A_676 = arith.addi %parallel_loop3A_603, %parallel_loop3A_675 : vector<16xi32>
      scf.yield %parallel_loop3A_613, %parallel_loop3A_622, %parallel_loop3A_631, %parallel_loop3A_640, %parallel_loop3A_649, %parallel_loop3A_658, %parallel_loop3A_667, %parallel_loop3A_676 : vector<16xi32>, vector<16xi32>, vector<16xi32>, vector<16xi32>, vector<16xi32>, vector<16xi32>, vector<16xi32>, vector<16xi32>
    } {sc.loop_unroll_factor = 1 : i64, sc.parallel_access}
    %mul3A_376 = arith.constant 390 : i32
    %mul3A_377 = arith.muli %add3A, %mul3A_376 : i32
    %add3A_378 = arith.constant 0 : i32
    %add3A_379 = arith.addi %add3A_378, %mul3A_377 : i32
    %add3A_380 = arith.constant 234 : i32
    %add3A_381 = arith.addi %add3A_379, %add3A_380 : i32
    %mul3A_382 = arith.constant 8 : i32
    %mul3A_383 = arith.muli %add3A_381, %mul3A_382 : i32
    %dma_start3A_384 = arith.constant 0 : i32
    %dma_start3A_385 = tpu.memref_slice %arg2[%mul3A_383, %dma_start3A_384] : memref<100000x128xf32, #tpu.memory_space<hbm>> -> memref<312x128xf32, #tpu.memory_space<hbm>>
    %dma_start3A_386 = arith.constant 0 : i32
    %dma_start3A_387 = tpu.memref_slice %arg2[%mul3A_383, %dma_start3A_386] : memref<100000x128xf32, #tpu.memory_space<hbm>> -> memref<312x128xf32, #tpu.memory_space<hbm>>
    tpu.enqueue_dma source(%dma_start3A_387 : memref<312x128xf32, #tpu.memory_space<hbm>>) target(%arg6 : memref<312x128xf32, #tpu.memory_space<vmem>>) target_semaphore(%arg12 : memref<!tpu.dma_semaphore, #tpu.memory_space<semaphore_mem>>)
    %dma_wait3A_388 = arith.constant 0 : i32
    %dma_wait3A_389 = tpu.memref_slice %arg2[%mul3A_355, %dma_wait3A_388] : memref<100000x128xf32, #tpu.memory_space<hbm>> -> memref<312x128xf32, #tpu.memory_space<hbm>>
    %dma_wait3A_390 = arith.constant 0 : i32
    %dma_wait3A_391 = tpu.memref_slice %arg2[%mul3A_355, %dma_wait3A_390] : memref<100000x128xf32, #tpu.memory_space<hbm>> -> memref<312x128xf32, #tpu.memory_space<hbm>>
    tpu.wait_dma2 semaphore(%arg13 : memref<!tpu.dma_semaphore, #tpu.memory_space<semaphore_mem>>) src(%dma_wait3A_391 : memref<312x128xf32, #tpu.memory_space<hbm>>) dst(%arg7 : memref<312x128xf32, #tpu.memory_space<vmem>>)
    %mul3A_392 = arith.constant 390 : i32
    %mul3A_393 = arith.muli %add3A, %mul3A_392 : i32
    %add3A_394 = arith.constant 0 : i32
    %add3A_395 = arith.addi %add3A_394, %mul3A_393 : i32
    %add3A_396 = arith.constant 195 : i32
    %add3A_397 = arith.addi %add3A_395, %add3A_396 : i32
    %mul3A_398 = arith.constant 8 : i32
    %mul3A_399 = arith.muli %add3A_397, %mul3A_398 : i32
    %parallel_loop3A_400 = arith.constant 0 : i32
    %parallel_loop3A_401 = arith.constant 312 : i32
    %parallel_loop3A_402 = arith.constant 1 : i32
    %parallel_loop3A_403:8 = scf.for %parallel_loop3A_595 = %parallel_loop3A_400 to %parallel_loop3A_401 step %parallel_loop3A_402 iter_args(%parallel_loop3A_596 = %parallel_loop3A_375#0, %parallel_loop3A_597 = %parallel_loop3A_375#1, %parallel_loop3A_598 = %parallel_loop3A_375#2, %parallel_loop3A_599 = %parallel_loop3A_375#3, %parallel_loop3A_600 = %parallel_loop3A_375#4, %parallel_loop3A_601 = %parallel_loop3A_375#5, %parallel_loop3A_602 = %parallel_loop3A_375#6, %parallel_loop3A_603 = %parallel_loop3A_375#7) -> (vector<16xi32>, vector<16xi32>, vector<16xi32>, vector<16xi32>, vector<16xi32>, vector<16xi32>, vector<16xi32>, vector<16xi32>)  : i32 {
      %parallel_loop3A_604 = arith.addi %mul3A_399, %parallel_loop3A_595 : i32
      %parallel_loop3A_605 = arith.index_cast %parallel_loop3A_595 : i32 to index
      %parallel_loop3A_606 = arith.constant 0 : index
      %parallel_loop3A_607 = tpu.vector_load %arg7[%parallel_loop3A_605, %parallel_loop3A_606] {strides = array<i32>} : memref<312x128xf32, #tpu.memory_space<vmem>>, vector<16xf32>,
      %parallel_loop3A_608 = vector.broadcast %parallel_loop3A_604 : i32 to vector<16xi32>
      %parallel_loop3A_609 = arith.cmpi slt, %parallel_loop3A_608, %get3A_23 : vector<16xi32>
      %parallel_loop3A_610 = arith.select %parallel_loop3A_609, %bitcast_convert_type3A_22, %gather3A : vector<16xi1>, vector<16xf32>
      %parallel_loop3A_611 = arith.cmpf ogt, %parallel_loop3A_607, %parallel_loop3A_610 : vector<16xf32>
      %parallel_loop3A_612 = arith.extui %parallel_loop3A_611 : vector<16xi1> to vector<16xi32>
      %parallel_loop3A_613 = arith.addi %parallel_loop3A_596, %parallel_loop3A_612 : vector<16xi32>
      %parallel_loop3A_614 = arith.index_cast %parallel_loop3A_595 : i32 to index
      %parallel_loop3A_615 = arith.constant 16 : index
      %parallel_loop3A_616 = tpu.vector_load %arg7[%parallel_loop3A_614, %parallel_loop3A_615] {strides = array<i32>} : memref<312x128xf32, #tpu.memory_space<vmem>>, vector<16xf32>,
      %parallel_loop3A_617 = vector.broadcast %parallel_loop3A_604 : i32 to vector<16xi32>
      %parallel_loop3A_618 = arith.cmpi slt, %parallel_loop3A_617, %get3A_50 : vector<16xi32>
      %parallel_loop3A_619 = arith.select %parallel_loop3A_618, %bitcast_convert_type3A_48, %gather3A_30 : vector<16xi1>, vector<16xf32>
      %parallel_loop3A_620 = arith.cmpf ogt, %parallel_loop3A_616, %parallel_loop3A_619 : vector<16xf32>
      %parallel_loop3A_621 = arith.extui %parallel_loop3A_620 : vector<16xi1> to vector<16xi32>
      %parallel_loop3A_622 = arith.addi %parallel_loop3A_597, %parallel_loop3A_621 : vector<16xi32>
      %parallel_loop3A_623 = arith.index_cast %parallel_loop3A_595 : i32 to index
      %parallel_loop3A_624 = arith.constant 32 : index
      %parallel_loop3A_625 = tpu.vector_load %arg7[%parallel_loop3A_623, %parallel_loop3A_624] {strides = array<i32>} : memref<312x128xf32, #tpu.memory_space<vmem>>, vector<16xf32>,
      %parallel_loop3A_626 = vector.broadcast %parallel_loop3A_604 : i32 to vector<16xi32>
      %parallel_loop3A_627 = arith.cmpi slt, %parallel_loop3A_626, %get3A_77 : vector<16xi32>
      %parallel_loop3A_628 = arith.select %parallel_loop3A_627, %bitcast_convert_type3A_75, %gather3A_57 : vector<16xi1>, vector<16xf32>
      %parallel_loop3A_629 = arith.cmpf ogt, %parallel_loop3A_625, %parallel_loop3A_628 : vector<16xf32>
      %parallel_loop3A_630 = arith.extui %parallel_loop3A_629 : vector<16xi1> to vector<16xi32>
      %parallel_loop3A_631 = arith.addi %parallel_loop3A_598, %parallel_loop3A_630 : vector<16xi32>
      %parallel_loop3A_632 = arith.index_cast %parallel_loop3A_595 : i32 to index
      %parallel_loop3A_633 = arith.constant 48 : index
      %parallel_loop3A_634 = tpu.vector_load %arg7[%parallel_loop3A_632, %parallel_loop3A_633] {strides = array<i32>} : memref<312x128xf32, #tpu.memory_space<vmem>>, vector<16xf32>,
      %parallel_loop3A_635 = vector.broadcast %parallel_loop3A_604 : i32 to vector<16xi32>
      %parallel_loop3A_636 = arith.cmpi slt, %parallel_loop3A_635, %get3A_104 : vector<16xi32>
      %parallel_loop3A_637 = arith.select %parallel_loop3A_636, %bitcast_convert_type3A_102, %gather3A_84 : vector<16xi1>, vector<16xf32>
      %parallel_loop3A_638 = arith.cmpf ogt, %parallel_loop3A_634, %parallel_loop3A_637 : vector<16xf32>
      %parallel_loop3A_639 = arith.extui %parallel_loop3A_638 : vector<16xi1> to vector<16xi32>
      %parallel_loop3A_640 = arith.addi %parallel_loop3A_599, %parallel_loop3A_639 : vector<16xi32>
      %parallel_loop3A_641 = arith.index_cast %parallel_loop3A_595 : i32 to index
      %parallel_loop3A_642 = arith.constant 64 : index
      %parallel_loop3A_643 = tpu.vector_load %arg7[%parallel_loop3A_641, %parallel_loop3A_642] {strides = array<i32>} : memref<312x128xf32, #tpu.memory_space<vmem>>, vector<16xf32>,
      %parallel_loop3A_644 = vector.broadcast %parallel_loop3A_604 : i32 to vector<16xi32>
      %parallel_loop3A_645 = arith.cmpi slt, %parallel_loop3A_644, %get3A_131 : vector<16xi32>
      %parallel_loop3A_646 = arith.select %parallel_loop3A_645, %bitcast_convert_type3A_129, %gather3A_111 : vector<16xi1>, vector<16xf32>
      %parallel_loop3A_647 = arith.cmpf ogt, %parallel_loop3A_643, %parallel_loop3A_646 : vector<16xf32>
      %parallel_loop3A_648 = arith.extui %parallel_loop3A_647 : vector<16xi1> to vector<16xi32>
      %parallel_loop3A_649 = arith.addi %parallel_loop3A_600, %parallel_loop3A_648 : vector<16xi32>
      %parallel_loop3A_650 = arith.index_cast %parallel_loop3A_595 : i32 to index
      %parallel_loop3A_651 = arith.constant 80 : index
      %parallel_loop3A_652 = tpu.vector_load %arg7[%parallel_loop3A_650, %parallel_loop3A_651] {strides = array<i32>} : memref<312x128xf32, #tpu.memory_space<vmem>>, vector<16xf32>,
      %parallel_loop3A_653 = vector.broadcast %parallel_loop3A_604 : i32 to vector<16xi32>
      %parallel_loop3A_654 = arith.cmpi slt, %parallel_loop3A_653, %get3A_158 : vector<16xi32>
      %parallel_loop3A_655 = arith.select %parallel_loop3A_654, %bitcast_convert_type3A_156, %gather3A_138 : vector<16xi1>, vector<16xf32>
      %parallel_loop3A_656 = arith.cmpf ogt, %parallel_loop3A_652, %parallel_loop3A_655 : vector<16xf32>
      %parallel_loop3A_657 = arith.extui %parallel_loop3A_656 : vector<16xi1> to vector<16xi32>
      %parallel_loop3A_658 = arith.addi %parallel_loop3A_601, %parallel_loop3A_657 : vector<16xi32>
      %parallel_loop3A_659 = arith.index_cast %parallel_loop3A_595 : i32 to index
      %parallel_loop3A_660 = arith.constant 96 : index
      %parallel_loop3A_661 = tpu.vector_load %arg7[%parallel_loop3A_659, %parallel_loop3A_660] {strides = array<i32>} : memref<312x128xf32, #tpu.memory_space<vmem>>, vector<16xf32>,
      %parallel_loop3A_662 = vector.broadcast %parallel_loop3A_604 : i32 to vector<16xi32>
      %parallel_loop3A_663 = arith.cmpi slt, %parallel_loop3A_662, %get3A_185 : vector<16xi32>
      %parallel_loop3A_664 = arith.select %parallel_loop3A_663, %bitcast_convert_type3A_183, %gather3A_165 : vector<16xi1>, vector<16xf32>
      %parallel_loop3A_665 = arith.cmpf ogt, %parallel_loop3A_661, %parallel_loop3A_664 : vector<16xf32>
      %parallel_loop3A_666 = arith.extui %parallel_loop3A_665 : vector<16xi1> to vector<16xi32>
      %parallel_loop3A_667 = arith.addi %parallel_loop3A_602, %parallel_loop3A_666 : vector<16xi32>
      %parallel_loop3A_668 = arith.index_cast %parallel_loop3A_595 : i32 to index
      %parallel_loop3A_669 = arith.constant 112 : index
      %parallel_loop3A_670 = tpu.vector_load %arg7[%parallel_loop3A_668, %parallel_loop3A_669] {strides = array<i32>} : memref<312x128xf32, #tpu.memory_space<vmem>>, vector<16xf32>,
      %parallel_loop3A_671 = vector.broadcast %parallel_loop3A_604 : i32 to vector<16xi32>
      %parallel_loop3A_672 = arith.cmpi slt, %parallel_loop3A_671, %get3A_212 : vector<16xi32>
      %parallel_loop3A_673 = arith.select %parallel_loop3A_672, %bitcast_convert_type3A_210, %gather3A_192 : vector<16xi1>, vector<16xf32>
      %parallel_loop3A_674 = arith.cmpf ogt, %parallel_loop3A_670, %parallel_loop3A_673 : vector<16xf32>
      %parallel_loop3A_675 = arith.extui %parallel_loop3A_674 : vector<16xi1> to vector<16xi32>
      %parallel_loop3A_676 = arith.addi %parallel_loop3A_603, %parallel_loop3A_675 : vector<16xi32>
      scf.yield %parallel_loop3A_613, %parallel_loop3A_622, %parallel_loop3A_631, %parallel_loop3A_640, %parallel_loop3A_649, %parallel_loop3A_658, %parallel_loop3A_667, %parallel_loop3A_676 : vector<16xi32>, vector<16xi32>, vector<16xi32>, vector<16xi32>, vector<16xi32>, vector<16xi32>, vector<16xi32>, vector<16xi32>
    } {sc.loop_unroll_factor = 1 : i64, sc.parallel_access}
    %mul3A_404 = arith.constant 390 : i32
    %mul3A_405 = arith.muli %add3A, %mul3A_404 : i32
    %add3A_406 = arith.constant 0 : i32
    %add3A_407 = arith.addi %add3A_406, %mul3A_405 : i32
    %add3A_408 = arith.constant 273 : i32
    %add3A_409 = arith.addi %add3A_407, %add3A_408 : i32
    %mul3A_410 = arith.constant 8 : i32
    %mul3A_411 = arith.muli %add3A_409, %mul3A_410 : i32
    %dma_start3A_412 = arith.constant 0 : i32
    %dma_start3A_413 = tpu.memref_slice %arg2[%mul3A_411, %dma_start3A_412] : memref<100000x128xf32, #tpu.memory_space<hbm>> -> memref<312x128xf32, #tpu.memory_space<hbm>>
    %dma_start3A_414 = arith.constant 0 : i32
    %dma_start3A_415 = tpu.memref_slice %arg2[%mul3A_411, %dma_start3A_414] : memref<100000x128xf32, #tpu.memory_space<hbm>> -> memref<312x128xf32, #tpu.memory_space<hbm>>
    tpu.enqueue_dma source(%dma_start3A_415 : memref<312x128xf32, #tpu.memory_space<hbm>>) target(%arg7 : memref<312x128xf32, #tpu.memory_space<vmem>>) target_semaphore(%arg13 : memref<!tpu.dma_semaphore, #tpu.memory_space<semaphore_mem>>)
    %dma_wait3A_416 = arith.constant 0 : i32
    %dma_wait3A_417 = tpu.memref_slice %arg2[%mul3A_383, %dma_wait3A_416] : memref<100000x128xf32, #tpu.memory_space<hbm>> -> memref<312x128xf32, #tpu.memory_space<hbm>>
    %dma_wait3A_418 = arith.constant 0 : i32
    %dma_wait3A_419 = tpu.memref_slice %arg2[%mul3A_383, %dma_wait3A_418] : memref<100000x128xf32, #tpu.memory_space<hbm>> -> memref<312x128xf32, #tpu.memory_space<hbm>>
    tpu.wait_dma2 semaphore(%arg12 : memref<!tpu.dma_semaphore, #tpu.memory_space<semaphore_mem>>) src(%dma_wait3A_419 : memref<312x128xf32, #tpu.memory_space<hbm>>) dst(%arg6 : memref<312x128xf32, #tpu.memory_space<vmem>>)
    %mul3A_420 = arith.constant 390 : i32
    %mul3A_421 = arith.muli %add3A, %mul3A_420 : i32
    %add3A_422 = arith.constant 0 : i32
    %add3A_423 = arith.addi %add3A_422, %mul3A_421 : i32
    %add3A_424 = arith.constant 234 : i32
    %add3A_425 = arith.addi %add3A_423, %add3A_424 : i32
    %mul3A_426 = arith.constant 8 : i32
    %mul3A_427 = arith.muli %add3A_425, %mul3A_426 : i32
    %parallel_loop3A_428 = arith.constant 0 : i32
    %parallel_loop3A_429 = arith.constant 312 : i32
    %parallel_loop3A_430 = arith.constant 1 : i32
    %parallel_loop3A_431:8 = scf.for %parallel_loop3A_595 = %parallel_loop3A_428 to %parallel_loop3A_429 step %parallel_loop3A_430 iter_args(%parallel_loop3A_596 = %parallel_loop3A_403#0, %parallel_loop3A_597 = %parallel_loop3A_403#1, %parallel_loop3A_598 = %parallel_loop3A_403#2, %parallel_loop3A_599 = %parallel_loop3A_403#3, %parallel_loop3A_600 = %parallel_loop3A_403#4, %parallel_loop3A_601 = %parallel_loop3A_403#5, %parallel_loop3A_602 = %parallel_loop3A_403#6, %parallel_loop3A_603 = %parallel_loop3A_403#7) -> (vector<16xi32>, vector<16xi32>, vector<16xi32>, vector<16xi32>, vector<16xi32>, vector<16xi32>, vector<16xi32>, vector<16xi32>)  : i32 {
      %parallel_loop3A_604 = arith.addi %mul3A_427, %parallel_loop3A_595 : i32
      %parallel_loop3A_605 = arith.index_cast %parallel_loop3A_595 : i32 to index
      %parallel_loop3A_606 = arith.constant 0 : index
      %parallel_loop3A_607 = tpu.vector_load %arg6[%parallel_loop3A_605, %parallel_loop3A_606] {strides = array<i32>} : memref<312x128xf32, #tpu.memory_space<vmem>>, vector<16xf32>,
      %parallel_loop3A_608 = vector.broadcast %parallel_loop3A_604 : i32 to vector<16xi32>
      %parallel_loop3A_609 = arith.cmpi slt, %parallel_loop3A_608, %get3A_23 : vector<16xi32>
      %parallel_loop3A_610 = arith.select %parallel_loop3A_609, %bitcast_convert_type3A_22, %gather3A : vector<16xi1>, vector<16xf32>
      %parallel_loop3A_611 = arith.cmpf ogt, %parallel_loop3A_607, %parallel_loop3A_610 : vector<16xf32>
      %parallel_loop3A_612 = arith.extui %parallel_loop3A_611 : vector<16xi1> to vector<16xi32>
      %parallel_loop3A_613 = arith.addi %parallel_loop3A_596, %parallel_loop3A_612 : vector<16xi32>
      %parallel_loop3A_614 = arith.index_cast %parallel_loop3A_595 : i32 to index
      %parallel_loop3A_615 = arith.constant 16 : index
      %parallel_loop3A_616 = tpu.vector_load %arg6[%parallel_loop3A_614, %parallel_loop3A_615] {strides = array<i32>} : memref<312x128xf32, #tpu.memory_space<vmem>>, vector<16xf32>,
      %parallel_loop3A_617 = vector.broadcast %parallel_loop3A_604 : i32 to vector<16xi32>
      %parallel_loop3A_618 = arith.cmpi slt, %parallel_loop3A_617, %get3A_50 : vector<16xi32>
      %parallel_loop3A_619 = arith.select %parallel_loop3A_618, %bitcast_convert_type3A_48, %gather3A_30 : vector<16xi1>, vector<16xf32>
      %parallel_loop3A_620 = arith.cmpf ogt, %parallel_loop3A_616, %parallel_loop3A_619 : vector<16xf32>
      %parallel_loop3A_621 = arith.extui %parallel_loop3A_620 : vector<16xi1> to vector<16xi32>
      %parallel_loop3A_622 = arith.addi %parallel_loop3A_597, %parallel_loop3A_621 : vector<16xi32>
      %parallel_loop3A_623 = arith.index_cast %parallel_loop3A_595 : i32 to index
      %parallel_loop3A_624 = arith.constant 32 : index
      %parallel_loop3A_625 = tpu.vector_load %arg6[%parallel_loop3A_623, %parallel_loop3A_624] {strides = array<i32>} : memref<312x128xf32, #tpu.memory_space<vmem>>, vector<16xf32>,
      %parallel_loop3A_626 = vector.broadcast %parallel_loop3A_604 : i32 to vector<16xi32>
      %parallel_loop3A_627 = arith.cmpi slt, %parallel_loop3A_626, %get3A_77 : vector<16xi32>
      %parallel_loop3A_628 = arith.select %parallel_loop3A_627, %bitcast_convert_type3A_75, %gather3A_57 : vector<16xi1>, vector<16xf32>
      %parallel_loop3A_629 = arith.cmpf ogt, %parallel_loop3A_625, %parallel_loop3A_628 : vector<16xf32>
      %parallel_loop3A_630 = arith.extui %parallel_loop3A_629 : vector<16xi1> to vector<16xi32>
      %parallel_loop3A_631 = arith.addi %parallel_loop3A_598, %parallel_loop3A_630 : vector<16xi32>
      %parallel_loop3A_632 = arith.index_cast %parallel_loop3A_595 : i32 to index
      %parallel_loop3A_633 = arith.constant 48 : index
      %parallel_loop3A_634 = tpu.vector_load %arg6[%parallel_loop3A_632, %parallel_loop3A_633] {strides = array<i32>} : memref<312x128xf32, #tpu.memory_space<vmem>>, vector<16xf32>,
      %parallel_loop3A_635 = vector.broadcast %parallel_loop3A_604 : i32 to vector<16xi32>
      %parallel_loop3A_636 = arith.cmpi slt, %parallel_loop3A_635, %get3A_104 : vector<16xi32>
      %parallel_loop3A_637 = arith.select %parallel_loop3A_636, %bitcast_convert_type3A_102, %gather3A_84 : vector<16xi1>, vector<16xf32>
      %parallel_loop3A_638 = arith.cmpf ogt, %parallel_loop3A_634, %parallel_loop3A_637 : vector<16xf32>
      %parallel_loop3A_639 = arith.extui %parallel_loop3A_638 : vector<16xi1> to vector<16xi32>
      %parallel_loop3A_640 = arith.addi %parallel_loop3A_599, %parallel_loop3A_639 : vector<16xi32>
      %parallel_loop3A_641 = arith.index_cast %parallel_loop3A_595 : i32 to index
      %parallel_loop3A_642 = arith.constant 64 : index
      %parallel_loop3A_643 = tpu.vector_load %arg6[%parallel_loop3A_641, %parallel_loop3A_642] {strides = array<i32>} : memref<312x128xf32, #tpu.memory_space<vmem>>, vector<16xf32>,
      %parallel_loop3A_644 = vector.broadcast %parallel_loop3A_604 : i32 to vector<16xi32>
      %parallel_loop3A_645 = arith.cmpi slt, %parallel_loop3A_644, %get3A_131 : vector<16xi32>
      %parallel_loop3A_646 = arith.select %parallel_loop3A_645, %bitcast_convert_type3A_129, %gather3A_111 : vector<16xi1>, vector<16xf32>
      %parallel_loop3A_647 = arith.cmpf ogt, %parallel_loop3A_643, %parallel_loop3A_646 : vector<16xf32>
      %parallel_loop3A_648 = arith.extui %parallel_loop3A_647 : vector<16xi1> to vector<16xi32>
      %parallel_loop3A_649 = arith.addi %parallel_loop3A_600, %parallel_loop3A_648 : vector<16xi32>
      %parallel_loop3A_650 = arith.index_cast %parallel_loop3A_595 : i32 to index
      %parallel_loop3A_651 = arith.constant 80 : index
      %parallel_loop3A_652 = tpu.vector_load %arg6[%parallel_loop3A_650, %parallel_loop3A_651] {strides = array<i32>} : memref<312x128xf32, #tpu.memory_space<vmem>>, vector<16xf32>,
      %parallel_loop3A_653 = vector.broadcast %parallel_loop3A_604 : i32 to vector<16xi32>
      %parallel_loop3A_654 = arith.cmpi slt, %parallel_loop3A_653, %get3A_158 : vector<16xi32>
      %parallel_loop3A_655 = arith.select %parallel_loop3A_654, %bitcast_convert_type3A_156, %gather3A_138 : vector<16xi1>, vector<16xf32>
      %parallel_loop3A_656 = arith.cmpf ogt, %parallel_loop3A_652, %parallel_loop3A_655 : vector<16xf32>
      %parallel_loop3A_657 = arith.extui %parallel_loop3A_656 : vector<16xi1> to vector<16xi32>
      %parallel_loop3A_658 = arith.addi %parallel_loop3A_601, %parallel_loop3A_657 : vector<16xi32>
      %parallel_loop3A_659 = arith.index_cast %parallel_loop3A_595 : i32 to index
      %parallel_loop3A_660 = arith.constant 96 : index
      %parallel_loop3A_661 = tpu.vector_load %arg6[%parallel_loop3A_659, %parallel_loop3A_660] {strides = array<i32>} : memref<312x128xf32, #tpu.memory_space<vmem>>, vector<16xf32>,
      %parallel_loop3A_662 = vector.broadcast %parallel_loop3A_604 : i32 to vector<16xi32>
      %parallel_loop3A_663 = arith.cmpi slt, %parallel_loop3A_662, %get3A_185 : vector<16xi32>
      %parallel_loop3A_664 = arith.select %parallel_loop3A_663, %bitcast_convert_type3A_183, %gather3A_165 : vector<16xi1>, vector<16xf32>
      %parallel_loop3A_665 = arith.cmpf ogt, %parallel_loop3A_661, %parallel_loop3A_664 : vector<16xf32>
      %parallel_loop3A_666 = arith.extui %parallel_loop3A_665 : vector<16xi1> to vector<16xi32>
      %parallel_loop3A_667 = arith.addi %parallel_loop3A_602, %parallel_loop3A_666 : vector<16xi32>
      %parallel_loop3A_668 = arith.index_cast %parallel_loop3A_595 : i32 to index
      %parallel_loop3A_669 = arith.constant 112 : index
      %parallel_loop3A_670 = tpu.vector_load %arg6[%parallel_loop3A_668, %parallel_loop3A_669] {strides = array<i32>} : memref<312x128xf32, #tpu.memory_space<vmem>>, vector<16xf32>,
      %parallel_loop3A_671 = vector.broadcast %parallel_loop3A_604 : i32 to vector<16xi32>
      %parallel_loop3A_672 = arith.cmpi slt, %parallel_loop3A_671, %get3A_212 : vector<16xi32>
      %parallel_loop3A_673 = arith.select %parallel_loop3A_672, %bitcast_convert_type3A_210, %gather3A_192 : vector<16xi1>, vector<16xf32>
      %parallel_loop3A_674 = arith.cmpf ogt, %parallel_loop3A_670, %parallel_loop3A_673 : vector<16xf32>
      %parallel_loop3A_675 = arith.extui %parallel_loop3A_674 : vector<16xi1> to vector<16xi32>
      %parallel_loop3A_676 = arith.addi %parallel_loop3A_603, %parallel_loop3A_675 : vector<16xi32>
      scf.yield %parallel_loop3A_613, %parallel_loop3A_622, %parallel_loop3A_631, %parallel_loop3A_640, %parallel_loop3A_649, %parallel_loop3A_658, %parallel_loop3A_667, %parallel_loop3A_676 : vector<16xi32>, vector<16xi32>, vector<16xi32>, vector<16xi32>, vector<16xi32>, vector<16xi32>, vector<16xi32>, vector<16xi32>
    } {sc.loop_unroll_factor = 1 : i64, sc.parallel_access}
    %mul3A_432 = arith.constant 390 : i32
    %mul3A_433 = arith.muli %add3A, %mul3A_432 : i32
    %add3A_434 = arith.constant 0 : i32
    %add3A_435 = arith.addi %add3A_434, %mul3A_433 : i32
    %add3A_436 = arith.constant 312 : i32
    %add3A_437 = arith.addi %add3A_435, %add3A_436 : i32
    %mul3A_438 = arith.constant 8 : i32
    %mul3A_439 = arith.muli %add3A_437, %mul3A_438 : i32
    %dma_start3A_440 = arith.constant 0 : i32
    %dma_start3A_441 = tpu.memref_slice %arg2[%mul3A_439, %dma_start3A_440] : memref<100000x128xf32, #tpu.memory_space<hbm>> -> memref<312x128xf32, #tpu.memory_space<hbm>>
    %dma_start3A_442 = arith.constant 0 : i32
    %dma_start3A_443 = tpu.memref_slice %arg2[%mul3A_439, %dma_start3A_442] : memref<100000x128xf32, #tpu.memory_space<hbm>> -> memref<312x128xf32, #tpu.memory_space<hbm>>
    tpu.enqueue_dma source(%dma_start3A_443 : memref<312x128xf32, #tpu.memory_space<hbm>>) target(%arg6 : memref<312x128xf32, #tpu.memory_space<vmem>>) target_semaphore(%arg12 : memref<!tpu.dma_semaphore, #tpu.memory_space<semaphore_mem>>)
    %dma_wait3A_444 = arith.constant 0 : i32
    %dma_wait3A_445 = tpu.memref_slice %arg2[%mul3A_411, %dma_wait3A_444] : memref<100000x128xf32, #tpu.memory_space<hbm>> -> memref<312x128xf32, #tpu.memory_space<hbm>>
    %dma_wait3A_446 = arith.constant 0 : i32
    %dma_wait3A_447 = tpu.memref_slice %arg2[%mul3A_411, %dma_wait3A_446] : memref<100000x128xf32, #tpu.memory_space<hbm>> -> memref<312x128xf32, #tpu.memory_space<hbm>>
    tpu.wait_dma2 semaphore(%arg13 : memref<!tpu.dma_semaphore, #tpu.memory_space<semaphore_mem>>) src(%dma_wait3A_447 : memref<312x128xf32, #tpu.memory_space<hbm>>) dst(%arg7 : memref<312x128xf32, #tpu.memory_space<vmem>>)
    %mul3A_448 = arith.constant 390 : i32
    %mul3A_449 = arith.muli %add3A, %mul3A_448 : i32
    %add3A_450 = arith.constant 0 : i32
    %add3A_451 = arith.addi %add3A_450, %mul3A_449 : i32
    %add3A_452 = arith.constant 273 : i32
    %add3A_453 = arith.addi %add3A_451, %add3A_452 : i32
    %mul3A_454 = arith.constant 8 : i32
    %mul3A_455 = arith.muli %add3A_453, %mul3A_454 : i32
    %parallel_loop3A_456 = arith.constant 0 : i32
    %parallel_loop3A_457 = arith.constant 312 : i32
    %parallel_loop3A_458 = arith.constant 1 : i32
    %parallel_loop3A_459:8 = scf.for %parallel_loop3A_595 = %parallel_loop3A_456 to %parallel_loop3A_457 step %parallel_loop3A_458 iter_args(%parallel_loop3A_596 = %parallel_loop3A_431#0, %parallel_loop3A_597 = %parallel_loop3A_431#1, %parallel_loop3A_598 = %parallel_loop3A_431#2, %parallel_loop3A_599 = %parallel_loop3A_431#3, %parallel_loop3A_600 = %parallel_loop3A_431#4, %parallel_loop3A_601 = %parallel_loop3A_431#5, %parallel_loop3A_602 = %parallel_loop3A_431#6, %parallel_loop3A_603 = %parallel_loop3A_431#7) -> (vector<16xi32>, vector<16xi32>, vector<16xi32>, vector<16xi32>, vector<16xi32>, vector<16xi32>, vector<16xi32>, vector<16xi32>)  : i32 {
      %parallel_loop3A_604 = arith.addi %mul3A_455, %parallel_loop3A_595 : i32
      %parallel_loop3A_605 = arith.index_cast %parallel_loop3A_595 : i32 to index
      %parallel_loop3A_606 = arith.constant 0 : index
      %parallel_loop3A_607 = tpu.vector_load %arg7[%parallel_loop3A_605, %parallel_loop3A_606] {strides = array<i32>} : memref<312x128xf32, #tpu.memory_space<vmem>>, vector<16xf32>,
      %parallel_loop3A_608 = vector.broadcast %parallel_loop3A_604 : i32 to vector<16xi32>
      %parallel_loop3A_609 = arith.cmpi slt, %parallel_loop3A_608, %get3A_23 : vector<16xi32>
      %parallel_loop3A_610 = arith.select %parallel_loop3A_609, %bitcast_convert_type3A_22, %gather3A : vector<16xi1>, vector<16xf32>
      %parallel_loop3A_611 = arith.cmpf ogt, %parallel_loop3A_607, %parallel_loop3A_610 : vector<16xf32>
      %parallel_loop3A_612 = arith.extui %parallel_loop3A_611 : vector<16xi1> to vector<16xi32>
      %parallel_loop3A_613 = arith.addi %parallel_loop3A_596, %parallel_loop3A_612 : vector<16xi32>
      %parallel_loop3A_614 = arith.index_cast %parallel_loop3A_595 : i32 to index
      %parallel_loop3A_615 = arith.constant 16 : index
      %parallel_loop3A_616 = tpu.vector_load %arg7[%parallel_loop3A_614, %parallel_loop3A_615] {strides = array<i32>} : memref<312x128xf32, #tpu.memory_space<vmem>>, vector<16xf32>,
      %parallel_loop3A_617 = vector.broadcast %parallel_loop3A_604 : i32 to vector<16xi32>
      %parallel_loop3A_618 = arith.cmpi slt, %parallel_loop3A_617, %get3A_50 : vector<16xi32>
      %parallel_loop3A_619 = arith.select %parallel_loop3A_618, %bitcast_convert_type3A_48, %gather3A_30 : vector<16xi1>, vector<16xf32>
      %parallel_loop3A_620 = arith.cmpf ogt, %parallel_loop3A_616, %parallel_loop3A_619 : vector<16xf32>
      %parallel_loop3A_621 = arith.extui %parallel_loop3A_620 : vector<16xi1> to vector<16xi32>
      %parallel_loop3A_622 = arith.addi %parallel_loop3A_597, %parallel_loop3A_621 : vector<16xi32>
      %parallel_loop3A_623 = arith.index_cast %parallel_loop3A_595 : i32 to index
      %parallel_loop3A_624 = arith.constant 32 : index
      %parallel_loop3A_625 = tpu.vector_load %arg7[%parallel_loop3A_623, %parallel_loop3A_624] {strides = array<i32>} : memref<312x128xf32, #tpu.memory_space<vmem>>, vector<16xf32>,
      %parallel_loop3A_626 = vector.broadcast %parallel_loop3A_604 : i32 to vector<16xi32>
      %parallel_loop3A_627 = arith.cmpi slt, %parallel_loop3A_626, %get3A_77 : vector<16xi32>
      %parallel_loop3A_628 = arith.select %parallel_loop3A_627, %bitcast_convert_type3A_75, %gather3A_57 : vector<16xi1>, vector<16xf32>
      %parallel_loop3A_629 = arith.cmpf ogt, %parallel_loop3A_625, %parallel_loop3A_628 : vector<16xf32>
      %parallel_loop3A_630 = arith.extui %parallel_loop3A_629 : vector<16xi1> to vector<16xi32>
      %parallel_loop3A_631 = arith.addi %parallel_loop3A_598, %parallel_loop3A_630 : vector<16xi32>
      %parallel_loop3A_632 = arith.index_cast %parallel_loop3A_595 : i32 to index
      %parallel_loop3A_633 = arith.constant 48 : index
      %parallel_loop3A_634 = tpu.vector_load %arg7[%parallel_loop3A_632, %parallel_loop3A_633] {strides = array<i32>} : memref<312x128xf32, #tpu.memory_space<vmem>>, vector<16xf32>,
      %parallel_loop3A_635 = vector.broadcast %parallel_loop3A_604 : i32 to vector<16xi32>
      %parallel_loop3A_636 = arith.cmpi slt, %parallel_loop3A_635, %get3A_104 : vector<16xi32>
      %parallel_loop3A_637 = arith.select %parallel_loop3A_636, %bitcast_convert_type3A_102, %gather3A_84 : vector<16xi1>, vector<16xf32>
      %parallel_loop3A_638 = arith.cmpf ogt, %parallel_loop3A_634, %parallel_loop3A_637 : vector<16xf32>
      %parallel_loop3A_639 = arith.extui %parallel_loop3A_638 : vector<16xi1> to vector<16xi32>
      %parallel_loop3A_640 = arith.addi %parallel_loop3A_599, %parallel_loop3A_639 : vector<16xi32>
      %parallel_loop3A_641 = arith.index_cast %parallel_loop3A_595 : i32 to index
      %parallel_loop3A_642 = arith.constant 64 : index
      %parallel_loop3A_643 = tpu.vector_load %arg7[%parallel_loop3A_641, %parallel_loop3A_642] {strides = array<i32>} : memref<312x128xf32, #tpu.memory_space<vmem>>, vector<16xf32>,
      %parallel_loop3A_644 = vector.broadcast %parallel_loop3A_604 : i32 to vector<16xi32>
      %parallel_loop3A_645 = arith.cmpi slt, %parallel_loop3A_644, %get3A_131 : vector<16xi32>
      %parallel_loop3A_646 = arith.select %parallel_loop3A_645, %bitcast_convert_type3A_129, %gather3A_111 : vector<16xi1>, vector<16xf32>
      %parallel_loop3A_647 = arith.cmpf ogt, %parallel_loop3A_643, %parallel_loop3A_646 : vector<16xf32>
      %parallel_loop3A_648 = arith.extui %parallel_loop3A_647 : vector<16xi1> to vector<16xi32>
      %parallel_loop3A_649 = arith.addi %parallel_loop3A_600, %parallel_loop3A_648 : vector<16xi32>
      %parallel_loop3A_650 = arith.index_cast %parallel_loop3A_595 : i32 to index
      %parallel_loop3A_651 = arith.constant 80 : index
      %parallel_loop3A_652 = tpu.vector_load %arg7[%parallel_loop3A_650, %parallel_loop3A_651] {strides = array<i32>} : memref<312x128xf32, #tpu.memory_space<vmem>>, vector<16xf32>,
      %parallel_loop3A_653 = vector.broadcast %parallel_loop3A_604 : i32 to vector<16xi32>
      %parallel_loop3A_654 = arith.cmpi slt, %parallel_loop3A_653, %get3A_158 : vector<16xi32>
      %parallel_loop3A_655 = arith.select %parallel_loop3A_654, %bitcast_convert_type3A_156, %gather3A_138 : vector<16xi1>, vector<16xf32>
      %parallel_loop3A_656 = arith.cmpf ogt, %parallel_loop3A_652, %parallel_loop3A_655 : vector<16xf32>
      %parallel_loop3A_657 = arith.extui %parallel_loop3A_656 : vector<16xi1> to vector<16xi32>
      %parallel_loop3A_658 = arith.addi %parallel_loop3A_601, %parallel_loop3A_657 : vector<16xi32>
      %parallel_loop3A_659 = arith.index_cast %parallel_loop3A_595 : i32 to index
      %parallel_loop3A_660 = arith.constant 96 : index
      %parallel_loop3A_661 = tpu.vector_load %arg7[%parallel_loop3A_659, %parallel_loop3A_660] {strides = array<i32>} : memref<312x128xf32, #tpu.memory_space<vmem>>, vector<16xf32>,
      %parallel_loop3A_662 = vector.broadcast %parallel_loop3A_604 : i32 to vector<16xi32>
      %parallel_loop3A_663 = arith.cmpi slt, %parallel_loop3A_662, %get3A_185 : vector<16xi32>
      %parallel_loop3A_664 = arith.select %parallel_loop3A_663, %bitcast_convert_type3A_183, %gather3A_165 : vector<16xi1>, vector<16xf32>
      %parallel_loop3A_665 = arith.cmpf ogt, %parallel_loop3A_661, %parallel_loop3A_664 : vector<16xf32>
      %parallel_loop3A_666 = arith.extui %parallel_loop3A_665 : vector<16xi1> to vector<16xi32>
      %parallel_loop3A_667 = arith.addi %parallel_loop3A_602, %parallel_loop3A_666 : vector<16xi32>
      %parallel_loop3A_668 = arith.index_cast %parallel_loop3A_595 : i32 to index
      %parallel_loop3A_669 = arith.constant 112 : index
      %parallel_loop3A_670 = tpu.vector_load %arg7[%parallel_loop3A_668, %parallel_loop3A_669] {strides = array<i32>} : memref<312x128xf32, #tpu.memory_space<vmem>>, vector<16xf32>,
      %parallel_loop3A_671 = vector.broadcast %parallel_loop3A_604 : i32 to vector<16xi32>
      %parallel_loop3A_672 = arith.cmpi slt, %parallel_loop3A_671, %get3A_212 : vector<16xi32>
      %parallel_loop3A_673 = arith.select %parallel_loop3A_672, %bitcast_convert_type3A_210, %gather3A_192 : vector<16xi1>, vector<16xf32>
      %parallel_loop3A_674 = arith.cmpf ogt, %parallel_loop3A_670, %parallel_loop3A_673 : vector<16xf32>
      %parallel_loop3A_675 = arith.extui %parallel_loop3A_674 : vector<16xi1> to vector<16xi32>
      %parallel_loop3A_676 = arith.addi %parallel_loop3A_603, %parallel_loop3A_675 : vector<16xi32>
      scf.yield %parallel_loop3A_613, %parallel_loop3A_622, %parallel_loop3A_631, %parallel_loop3A_640, %parallel_loop3A_649, %parallel_loop3A_658, %parallel_loop3A_667, %parallel_loop3A_676 : vector<16xi32>, vector<16xi32>, vector<16xi32>, vector<16xi32>, vector<16xi32>, vector<16xi32>, vector<16xi32>, vector<16xi32>
    } {sc.loop_unroll_factor = 1 : i64, sc.parallel_access}
    %mul3A_460 = arith.constant 390 : i32
    %mul3A_461 = arith.muli %add3A, %mul3A_460 : i32
    %add3A_462 = arith.constant 0 : i32
    %add3A_463 = arith.addi %add3A_462, %mul3A_461 : i32
    %add3A_464 = arith.constant 351 : i32
    %add3A_465 = arith.addi %add3A_463, %add3A_464 : i32
    %mul3A_466 = arith.constant 8 : i32
    %mul3A_467 = arith.muli %add3A_465, %mul3A_466 : i32
    %dma_start3A_468 = arith.constant 0 : i32
    %dma_start3A_469 = tpu.memref_slice %arg2[%mul3A_467, %dma_start3A_468] : memref<100000x128xf32, #tpu.memory_space<hbm>> -> memref<312x128xf32, #tpu.memory_space<hbm>>
    %dma_start3A_470 = arith.constant 0 : i32
    %dma_start3A_471 = tpu.memref_slice %arg2[%mul3A_467, %dma_start3A_470] : memref<100000x128xf32, #tpu.memory_space<hbm>> -> memref<312x128xf32, #tpu.memory_space<hbm>>
    tpu.enqueue_dma source(%dma_start3A_471 : memref<312x128xf32, #tpu.memory_space<hbm>>) target(%arg7 : memref<312x128xf32, #tpu.memory_space<vmem>>) target_semaphore(%arg13 : memref<!tpu.dma_semaphore, #tpu.memory_space<semaphore_mem>>)
    %dma_wait3A_472 = arith.constant 0 : i32
    %dma_wait3A_473 = tpu.memref_slice %arg2[%mul3A_439, %dma_wait3A_472] : memref<100000x128xf32, #tpu.memory_space<hbm>> -> memref<312x128xf32, #tpu.memory_space<hbm>>
    %dma_wait3A_474 = arith.constant 0 : i32
    %dma_wait3A_475 = tpu.memref_slice %arg2[%mul3A_439, %dma_wait3A_474] : memref<100000x128xf32, #tpu.memory_space<hbm>> -> memref<312x128xf32, #tpu.memory_space<hbm>>
    tpu.wait_dma2 semaphore(%arg12 : memref<!tpu.dma_semaphore, #tpu.memory_space<semaphore_mem>>) src(%dma_wait3A_475 : memref<312x128xf32, #tpu.memory_space<hbm>>) dst(%arg6 : memref<312x128xf32, #tpu.memory_space<vmem>>)
    %mul3A_476 = arith.constant 390 : i32
    %mul3A_477 = arith.muli %add3A, %mul3A_476 : i32
    %add3A_478 = arith.constant 0 : i32
    %add3A_479 = arith.addi %add3A_478, %mul3A_477 : i32
    %add3A_480 = arith.constant 312 : i32
    %add3A_481 = arith.addi %add3A_479, %add3A_480 : i32
    %mul3A_482 = arith.constant 8 : i32
    %mul3A_483 = arith.muli %add3A_481, %mul3A_482 : i32
    %parallel_loop3A_484 = arith.constant 0 : i32
    %parallel_loop3A_485 = arith.constant 312 : i32
    %parallel_loop3A_486 = arith.constant 1 : i32
    %parallel_loop3A_487:8 = scf.for %parallel_loop3A_595 = %parallel_loop3A_484 to %parallel_loop3A_485 step %parallel_loop3A_486 iter_args(%parallel_loop3A_596 = %parallel_loop3A_459#0, %parallel_loop3A_597 = %parallel_loop3A_459#1, %parallel_loop3A_598 = %parallel_loop3A_459#2, %parallel_loop3A_599 = %parallel_loop3A_459#3, %parallel_loop3A_600 = %parallel_loop3A_459#4, %parallel_loop3A_601 = %parallel_loop3A_459#5, %parallel_loop3A_602 = %parallel_loop3A_459#6, %parallel_loop3A_603 = %parallel_loop3A_459#7) -> (vector<16xi32>, vector<16xi32>, vector<16xi32>, vector<16xi32>, vector<16xi32>, vector<16xi32>, vector<16xi32>, vector<16xi32>)  : i32 {
      %parallel_loop3A_604 = arith.addi %mul3A_483, %parallel_loop3A_595 : i32
      %parallel_loop3A_605 = arith.index_cast %parallel_loop3A_595 : i32 to index
      %parallel_loop3A_606 = arith.constant 0 : index
      %parallel_loop3A_607 = tpu.vector_load %arg6[%parallel_loop3A_605, %parallel_loop3A_606] {strides = array<i32>} : memref<312x128xf32, #tpu.memory_space<vmem>>, vector<16xf32>,
      %parallel_loop3A_608 = vector.broadcast %parallel_loop3A_604 : i32 to vector<16xi32>
      %parallel_loop3A_609 = arith.cmpi slt, %parallel_loop3A_608, %get3A_23 : vector<16xi32>
      %parallel_loop3A_610 = arith.select %parallel_loop3A_609, %bitcast_convert_type3A_22, %gather3A : vector<16xi1>, vector<16xf32>
      %parallel_loop3A_611 = arith.cmpf ogt, %parallel_loop3A_607, %parallel_loop3A_610 : vector<16xf32>
      %parallel_loop3A_612 = arith.extui %parallel_loop3A_611 : vector<16xi1> to vector<16xi32>
      %parallel_loop3A_613 = arith.addi %parallel_loop3A_596, %parallel_loop3A_612 : vector<16xi32>
      %parallel_loop3A_614 = arith.index_cast %parallel_loop3A_595 : i32 to index
      %parallel_loop3A_615 = arith.constant 16 : index
      %parallel_loop3A_616 = tpu.vector_load %arg6[%parallel_loop3A_614, %parallel_loop3A_615] {strides = array<i32>} : memref<312x128xf32, #tpu.memory_space<vmem>>, vector<16xf32>,
      %parallel_loop3A_617 = vector.broadcast %parallel_loop3A_604 : i32 to vector<16xi32>
      %parallel_loop3A_618 = arith.cmpi slt, %parallel_loop3A_617, %get3A_50 : vector<16xi32>
      %parallel_loop3A_619 = arith.select %parallel_loop3A_618, %bitcast_convert_type3A_48, %gather3A_30 : vector<16xi1>, vector<16xf32>
      %parallel_loop3A_620 = arith.cmpf ogt, %parallel_loop3A_616, %parallel_loop3A_619 : vector<16xf32>
      %parallel_loop3A_621 = arith.extui %parallel_loop3A_620 : vector<16xi1> to vector<16xi32>
      %parallel_loop3A_622 = arith.addi %parallel_loop3A_597, %parallel_loop3A_621 : vector<16xi32>
      %parallel_loop3A_623 = arith.index_cast %parallel_loop3A_595 : i32 to index
      %parallel_loop3A_624 = arith.constant 32 : index
      %parallel_loop3A_625 = tpu.vector_load %arg6[%parallel_loop3A_623, %parallel_loop3A_624] {strides = array<i32>} : memref<312x128xf32, #tpu.memory_space<vmem>>, vector<16xf32>,
      %parallel_loop3A_626 = vector.broadcast %parallel_loop3A_604 : i32 to vector<16xi32>
      %parallel_loop3A_627 = arith.cmpi slt, %parallel_loop3A_626, %get3A_77 : vector<16xi32>
      %parallel_loop3A_628 = arith.select %parallel_loop3A_627, %bitcast_convert_type3A_75, %gather3A_57 : vector<16xi1>, vector<16xf32>
      %parallel_loop3A_629 = arith.cmpf ogt, %parallel_loop3A_625, %parallel_loop3A_628 : vector<16xf32>
      %parallel_loop3A_630 = arith.extui %parallel_loop3A_629 : vector<16xi1> to vector<16xi32>
      %parallel_loop3A_631 = arith.addi %parallel_loop3A_598, %parallel_loop3A_630 : vector<16xi32>
      %parallel_loop3A_632 = arith.index_cast %parallel_loop3A_595 : i32 to index
      %parallel_loop3A_633 = arith.constant 48 : index
      %parallel_loop3A_634 = tpu.vector_load %arg6[%parallel_loop3A_632, %parallel_loop3A_633] {strides = array<i32>} : memref<312x128xf32, #tpu.memory_space<vmem>>, vector<16xf32>,
      %parallel_loop3A_635 = vector.broadcast %parallel_loop3A_604 : i32 to vector<16xi32>
      %parallel_loop3A_636 = arith.cmpi slt, %parallel_loop3A_635, %get3A_104 : vector<16xi32>
      %parallel_loop3A_637 = arith.select %parallel_loop3A_636, %bitcast_convert_type3A_102, %gather3A_84 : vector<16xi1>, vector<16xf32>
      %parallel_loop3A_638 = arith.cmpf ogt, %parallel_loop3A_634, %parallel_loop3A_637 : vector<16xf32>
      %parallel_loop3A_639 = arith.extui %parallel_loop3A_638 : vector<16xi1> to vector<16xi32>
      %parallel_loop3A_640 = arith.addi %parallel_loop3A_599, %parallel_loop3A_639 : vector<16xi32>
      %parallel_loop3A_641 = arith.index_cast %parallel_loop3A_595 : i32 to index
      %parallel_loop3A_642 = arith.constant 64 : index
      %parallel_loop3A_643 = tpu.vector_load %arg6[%parallel_loop3A_641, %parallel_loop3A_642] {strides = array<i32>} : memref<312x128xf32, #tpu.memory_space<vmem>>, vector<16xf32>,
      %parallel_loop3A_644 = vector.broadcast %parallel_loop3A_604 : i32 to vector<16xi32>
      %parallel_loop3A_645 = arith.cmpi slt, %parallel_loop3A_644, %get3A_131 : vector<16xi32>
      %parallel_loop3A_646 = arith.select %parallel_loop3A_645, %bitcast_convert_type3A_129, %gather3A_111 : vector<16xi1>, vector<16xf32>
      %parallel_loop3A_647 = arith.cmpf ogt, %parallel_loop3A_643, %parallel_loop3A_646 : vector<16xf32>
      %parallel_loop3A_648 = arith.extui %parallel_loop3A_647 : vector<16xi1> to vector<16xi32>
      %parallel_loop3A_649 = arith.addi %parallel_loop3A_600, %parallel_loop3A_648 : vector<16xi32>
      %parallel_loop3A_650 = arith.index_cast %parallel_loop3A_595 : i32 to index
      %parallel_loop3A_651 = arith.constant 80 : index
      %parallel_loop3A_652 = tpu.vector_load %arg6[%parallel_loop3A_650, %parallel_loop3A_651] {strides = array<i32>} : memref<312x128xf32, #tpu.memory_space<vmem>>, vector<16xf32>,
      %parallel_loop3A_653 = vector.broadcast %parallel_loop3A_604 : i32 to vector<16xi32>
      %parallel_loop3A_654 = arith.cmpi slt, %parallel_loop3A_653, %get3A_158 : vector<16xi32>
      %parallel_loop3A_655 = arith.select %parallel_loop3A_654, %bitcast_convert_type3A_156, %gather3A_138 : vector<16xi1>, vector<16xf32>
      %parallel_loop3A_656 = arith.cmpf ogt, %parallel_loop3A_652, %parallel_loop3A_655 : vector<16xf32>
      %parallel_loop3A_657 = arith.extui %parallel_loop3A_656 : vector<16xi1> to vector<16xi32>
      %parallel_loop3A_658 = arith.addi %parallel_loop3A_601, %parallel_loop3A_657 : vector<16xi32>
      %parallel_loop3A_659 = arith.index_cast %parallel_loop3A_595 : i32 to index
      %parallel_loop3A_660 = arith.constant 96 : index
      %parallel_loop3A_661 = tpu.vector_load %arg6[%parallel_loop3A_659, %parallel_loop3A_660] {strides = array<i32>} : memref<312x128xf32, #tpu.memory_space<vmem>>, vector<16xf32>,
      %parallel_loop3A_662 = vector.broadcast %parallel_loop3A_604 : i32 to vector<16xi32>
      %parallel_loop3A_663 = arith.cmpi slt, %parallel_loop3A_662, %get3A_185 : vector<16xi32>
      %parallel_loop3A_664 = arith.select %parallel_loop3A_663, %bitcast_convert_type3A_183, %gather3A_165 : vector<16xi1>, vector<16xf32>
      %parallel_loop3A_665 = arith.cmpf ogt, %parallel_loop3A_661, %parallel_loop3A_664 : vector<16xf32>
      %parallel_loop3A_666 = arith.extui %parallel_loop3A_665 : vector<16xi1> to vector<16xi32>
      %parallel_loop3A_667 = arith.addi %parallel_loop3A_602, %parallel_loop3A_666 : vector<16xi32>
      %parallel_loop3A_668 = arith.index_cast %parallel_loop3A_595 : i32 to index
      %parallel_loop3A_669 = arith.constant 112 : index
      %parallel_loop3A_670 = tpu.vector_load %arg6[%parallel_loop3A_668, %parallel_loop3A_669] {strides = array<i32>} : memref<312x128xf32, #tpu.memory_space<vmem>>, vector<16xf32>,
      %parallel_loop3A_671 = vector.broadcast %parallel_loop3A_604 : i32 to vector<16xi32>
      %parallel_loop3A_672 = arith.cmpi slt, %parallel_loop3A_671, %get3A_212 : vector<16xi32>
      %parallel_loop3A_673 = arith.select %parallel_loop3A_672, %bitcast_convert_type3A_210, %gather3A_192 : vector<16xi1>, vector<16xf32>
      %parallel_loop3A_674 = arith.cmpf ogt, %parallel_loop3A_670, %parallel_loop3A_673 : vector<16xf32>
      %parallel_loop3A_675 = arith.extui %parallel_loop3A_674 : vector<16xi1> to vector<16xi32>
      %parallel_loop3A_676 = arith.addi %parallel_loop3A_603, %parallel_loop3A_675 : vector<16xi32>
      scf.yield %parallel_loop3A_613, %parallel_loop3A_622, %parallel_loop3A_631, %parallel_loop3A_640, %parallel_loop3A_649, %parallel_loop3A_658, %parallel_loop3A_667, %parallel_loop3A_676 : vector<16xi32>, vector<16xi32>, vector<16xi32>, vector<16xi32>, vector<16xi32>, vector<16xi32>, vector<16xi32>, vector<16xi32>
    } {sc.loop_unroll_factor = 1 : i64, sc.parallel_access}
    %dma_wait3A_488 = arith.constant 0 : i32
    %dma_wait3A_489 = tpu.memref_slice %arg2[%mul3A_467, %dma_wait3A_488] : memref<100000x128xf32, #tpu.memory_space<hbm>> -> memref<312x128xf32, #tpu.memory_space<hbm>>
    %dma_wait3A_490 = arith.constant 0 : i32
    %dma_wait3A_491 = tpu.memref_slice %arg2[%mul3A_467, %dma_wait3A_490] : memref<100000x128xf32, #tpu.memory_space<hbm>> -> memref<312x128xf32, #tpu.memory_space<hbm>>
    tpu.wait_dma2 semaphore(%arg13 : memref<!tpu.dma_semaphore, #tpu.memory_space<semaphore_mem>>) src(%dma_wait3A_491 : memref<312x128xf32, #tpu.memory_space<hbm>>) dst(%arg7 : memref<312x128xf32, #tpu.memory_space<vmem>>)
    %mul3A_492 = arith.constant 390 : i32
    %mul3A_493 = arith.muli %add3A, %mul3A_492 : i32
    %add3A_494 = arith.constant 0 : i32
    %add3A_495 = arith.addi %add3A_494, %mul3A_493 : i32
    %add3A_496 = arith.constant 351 : i32
    %add3A_497 = arith.addi %add3A_495, %add3A_496 : i32
    %mul3A_498 = arith.constant 8 : i32
    %mul3A_499 = arith.muli %add3A_497, %mul3A_498 : i32
    %parallel_loop3A_500 = arith.constant 0 : i32
    %parallel_loop3A_501 = arith.constant 312 : i32
    %parallel_loop3A_502 = arith.constant 1 : i32
    %parallel_loop3A_503:8 = scf.for %parallel_loop3A_595 = %parallel_loop3A_500 to %parallel_loop3A_501 step %parallel_loop3A_502 iter_args(%parallel_loop3A_596 = %parallel_loop3A_487#0, %parallel_loop3A_597 = %parallel_loop3A_487#1, %parallel_loop3A_598 = %parallel_loop3A_487#2, %parallel_loop3A_599 = %parallel_loop3A_487#3, %parallel_loop3A_600 = %parallel_loop3A_487#4, %parallel_loop3A_601 = %parallel_loop3A_487#5, %parallel_loop3A_602 = %parallel_loop3A_487#6, %parallel_loop3A_603 = %parallel_loop3A_487#7) -> (vector<16xi32>, vector<16xi32>, vector<16xi32>, vector<16xi32>, vector<16xi32>, vector<16xi32>, vector<16xi32>, vector<16xi32>)  : i32 {
      %parallel_loop3A_604 = arith.addi %mul3A_499, %parallel_loop3A_595 : i32
      %parallel_loop3A_605 = arith.index_cast %parallel_loop3A_595 : i32 to index
      %parallel_loop3A_606 = arith.constant 0 : index
      %parallel_loop3A_607 = tpu.vector_load %arg7[%parallel_loop3A_605, %parallel_loop3A_606] {strides = array<i32>} : memref<312x128xf32, #tpu.memory_space<vmem>>, vector<16xf32>,
      %parallel_loop3A_608 = vector.broadcast %parallel_loop3A_604 : i32 to vector<16xi32>
      %parallel_loop3A_609 = arith.cmpi slt, %parallel_loop3A_608, %get3A_23 : vector<16xi32>
      %parallel_loop3A_610 = arith.select %parallel_loop3A_609, %bitcast_convert_type3A_22, %gather3A : vector<16xi1>, vector<16xf32>
      %parallel_loop3A_611 = arith.cmpf ogt, %parallel_loop3A_607, %parallel_loop3A_610 : vector<16xf32>
      %parallel_loop3A_612 = arith.extui %parallel_loop3A_611 : vector<16xi1> to vector<16xi32>
      %parallel_loop3A_613 = arith.addi %parallel_loop3A_596, %parallel_loop3A_612 : vector<16xi32>
      %parallel_loop3A_614 = arith.index_cast %parallel_loop3A_595 : i32 to index
      %parallel_loop3A_615 = arith.constant 16 : index
      %parallel_loop3A_616 = tpu.vector_load %arg7[%parallel_loop3A_614, %parallel_loop3A_615] {strides = array<i32>} : memref<312x128xf32, #tpu.memory_space<vmem>>, vector<16xf32>,
      %parallel_loop3A_617 = vector.broadcast %parallel_loop3A_604 : i32 to vector<16xi32>
      %parallel_loop3A_618 = arith.cmpi slt, %parallel_loop3A_617, %get3A_50 : vector<16xi32>
      %parallel_loop3A_619 = arith.select %parallel_loop3A_618, %bitcast_convert_type3A_48, %gather3A_30 : vector<16xi1>, vector<16xf32>
      %parallel_loop3A_620 = arith.cmpf ogt, %parallel_loop3A_616, %parallel_loop3A_619 : vector<16xf32>
      %parallel_loop3A_621 = arith.extui %parallel_loop3A_620 : vector<16xi1> to vector<16xi32>
      %parallel_loop3A_622 = arith.addi %parallel_loop3A_597, %parallel_loop3A_621 : vector<16xi32>
      %parallel_loop3A_623 = arith.index_cast %parallel_loop3A_595 : i32 to index
      %parallel_loop3A_624 = arith.constant 32 : index
      %parallel_loop3A_625 = tpu.vector_load %arg7[%parallel_loop3A_623, %parallel_loop3A_624] {strides = array<i32>} : memref<312x128xf32, #tpu.memory_space<vmem>>, vector<16xf32>,
      %parallel_loop3A_626 = vector.broadcast %parallel_loop3A_604 : i32 to vector<16xi32>
      %parallel_loop3A_627 = arith.cmpi slt, %parallel_loop3A_626, %get3A_77 : vector<16xi32>
      %parallel_loop3A_628 = arith.select %parallel_loop3A_627, %bitcast_convert_type3A_75, %gather3A_57 : vector<16xi1>, vector<16xf32>
      %parallel_loop3A_629 = arith.cmpf ogt, %parallel_loop3A_625, %parallel_loop3A_628 : vector<16xf32>
      %parallel_loop3A_630 = arith.extui %parallel_loop3A_629 : vector<16xi1> to vector<16xi32>
      %parallel_loop3A_631 = arith.addi %parallel_loop3A_598, %parallel_loop3A_630 : vector<16xi32>
      %parallel_loop3A_632 = arith.index_cast %parallel_loop3A_595 : i32 to index
      %parallel_loop3A_633 = arith.constant 48 : index
      %parallel_loop3A_634 = tpu.vector_load %arg7[%parallel_loop3A_632, %parallel_loop3A_633] {strides = array<i32>} : memref<312x128xf32, #tpu.memory_space<vmem>>, vector<16xf32>,
      %parallel_loop3A_635 = vector.broadcast %parallel_loop3A_604 : i32 to vector<16xi32>
      %parallel_loop3A_636 = arith.cmpi slt, %parallel_loop3A_635, %get3A_104 : vector<16xi32>
      %parallel_loop3A_637 = arith.select %parallel_loop3A_636, %bitcast_convert_type3A_102, %gather3A_84 : vector<16xi1>, vector<16xf32>
      %parallel_loop3A_638 = arith.cmpf ogt, %parallel_loop3A_634, %parallel_loop3A_637 : vector<16xf32>
      %parallel_loop3A_639 = arith.extui %parallel_loop3A_638 : vector<16xi1> to vector<16xi32>
      %parallel_loop3A_640 = arith.addi %parallel_loop3A_599, %parallel_loop3A_639 : vector<16xi32>
      %parallel_loop3A_641 = arith.index_cast %parallel_loop3A_595 : i32 to index
      %parallel_loop3A_642 = arith.constant 64 : index
      %parallel_loop3A_643 = tpu.vector_load %arg7[%parallel_loop3A_641, %parallel_loop3A_642] {strides = array<i32>} : memref<312x128xf32, #tpu.memory_space<vmem>>, vector<16xf32>,
      %parallel_loop3A_644 = vector.broadcast %parallel_loop3A_604 : i32 to vector<16xi32>
      %parallel_loop3A_645 = arith.cmpi slt, %parallel_loop3A_644, %get3A_131 : vector<16xi32>
      %parallel_loop3A_646 = arith.select %parallel_loop3A_645, %bitcast_convert_type3A_129, %gather3A_111 : vector<16xi1>, vector<16xf32>
      %parallel_loop3A_647 = arith.cmpf ogt, %parallel_loop3A_643, %parallel_loop3A_646 : vector<16xf32>
      %parallel_loop3A_648 = arith.extui %parallel_loop3A_647 : vector<16xi1> to vector<16xi32>
      %parallel_loop3A_649 = arith.addi %parallel_loop3A_600, %parallel_loop3A_648 : vector<16xi32>
      %parallel_loop3A_650 = arith.index_cast %parallel_loop3A_595 : i32 to index
      %parallel_loop3A_651 = arith.constant 80 : index
      %parallel_loop3A_652 = tpu.vector_load %arg7[%parallel_loop3A_650, %parallel_loop3A_651] {strides = array<i32>} : memref<312x128xf32, #tpu.memory_space<vmem>>, vector<16xf32>,
      %parallel_loop3A_653 = vector.broadcast %parallel_loop3A_604 : i32 to vector<16xi32>
      %parallel_loop3A_654 = arith.cmpi slt, %parallel_loop3A_653, %get3A_158 : vector<16xi32>
      %parallel_loop3A_655 = arith.select %parallel_loop3A_654, %bitcast_convert_type3A_156, %gather3A_138 : vector<16xi1>, vector<16xf32>
      %parallel_loop3A_656 = arith.cmpf ogt, %parallel_loop3A_652, %parallel_loop3A_655 : vector<16xf32>
      %parallel_loop3A_657 = arith.extui %parallel_loop3A_656 : vector<16xi1> to vector<16xi32>
      %parallel_loop3A_658 = arith.addi %parallel_loop3A_601, %parallel_loop3A_657 : vector<16xi32>
      %parallel_loop3A_659 = arith.index_cast %parallel_loop3A_595 : i32 to index
      %parallel_loop3A_660 = arith.constant 96 : index
      %parallel_loop3A_661 = tpu.vector_load %arg7[%parallel_loop3A_659, %parallel_loop3A_660] {strides = array<i32>} : memref<312x128xf32, #tpu.memory_space<vmem>>, vector<16xf32>,
      %parallel_loop3A_662 = vector.broadcast %parallel_loop3A_604 : i32 to vector<16xi32>
      %parallel_loop3A_663 = arith.cmpi slt, %parallel_loop3A_662, %get3A_185 : vector<16xi32>
      %parallel_loop3A_664 = arith.select %parallel_loop3A_663, %bitcast_convert_type3A_183, %gather3A_165 : vector<16xi1>, vector<16xf32>
      %parallel_loop3A_665 = arith.cmpf ogt, %parallel_loop3A_661, %parallel_loop3A_664 : vector<16xf32>
      %parallel_loop3A_666 = arith.extui %parallel_loop3A_665 : vector<16xi1> to vector<16xi32>
      %parallel_loop3A_667 = arith.addi %parallel_loop3A_602, %parallel_loop3A_666 : vector<16xi32>
      %parallel_loop3A_668 = arith.index_cast %parallel_loop3A_595 : i32 to index
      %parallel_loop3A_669 = arith.constant 112 : index
      %parallel_loop3A_670 = tpu.vector_load %arg7[%parallel_loop3A_668, %parallel_loop3A_669] {strides = array<i32>} : memref<312x128xf32, #tpu.memory_space<vmem>>, vector<16xf32>,
      %parallel_loop3A_671 = vector.broadcast %parallel_loop3A_604 : i32 to vector<16xi32>
      %parallel_loop3A_672 = arith.cmpi slt, %parallel_loop3A_671, %get3A_212 : vector<16xi32>
      %parallel_loop3A_673 = arith.select %parallel_loop3A_672, %bitcast_convert_type3A_210, %gather3A_192 : vector<16xi1>, vector<16xf32>
      %parallel_loop3A_674 = arith.cmpf ogt, %parallel_loop3A_670, %parallel_loop3A_673 : vector<16xf32>
      %parallel_loop3A_675 = arith.extui %parallel_loop3A_674 : vector<16xi1> to vector<16xi32>
      %parallel_loop3A_676 = arith.addi %parallel_loop3A_603, %parallel_loop3A_675 : vector<16xi32>
      scf.yield %parallel_loop3A_613, %parallel_loop3A_622, %parallel_loop3A_631, %parallel_loop3A_640, %parallel_loop3A_649, %parallel_loop3A_658, %parallel_loop3A_667, %parallel_loop3A_676 : vector<16xi32>, vector<16xi32>, vector<16xi32>, vector<16xi32>, vector<16xi32>, vector<16xi32>, vector<16xi32>, vector<16xi32>
    } {sc.loop_unroll_factor = 1 : i64, sc.parallel_access}
    %lt3A = arith.constant 20 : i32
    %lt3A_504 = arith.cmpi slt, %add3A, %lt3A : i32
    %broadcast_in_dim3A_505 = vector.broadcast %lt3A_504 : i1 to vector<16xi1>
    %dma_wait3A_506 = arith.constant 0 : i32
    %dma_wait3A_507 = tpu.memref_slice %arg2[%mul3A_232, %dma_wait3A_506] : memref<100000x128xf32, #tpu.memory_space<hbm>> -> memref<8x128xf32, #tpu.memory_space<hbm>>
    %dma_wait3A_508 = arith.constant 0 : i32
    %dma_wait3A_509 = tpu.memref_slice %arg2[%mul3A_232, %dma_wait3A_508] : memref<100000x128xf32, #tpu.memory_space<hbm>> -> memref<8x128xf32, #tpu.memory_space<hbm>>
    tpu.wait_dma2 semaphore(%arg14 : memref<!tpu.dma_semaphore, #tpu.memory_space<semaphore_mem>>) src(%dma_wait3A_509 : memref<8x128xf32, #tpu.memory_space<hbm>>) dst(%arg10 : memref<8x128xf32, #tpu.memory_space<vmem>>)
    %jit3A_510 = arith.constant 0x7F800000 : f32
    %broadcast_in_dim3A_511 = vector.broadcast %jit3A_510 : f32 to vector<16xf32>
    %select_n3A_512 = arith.select %broadcast_in_dim3A_505, %bitcast_convert_type3A_22, %broadcast_in_dim3A_511 : vector<16xi1>, vector<16xf32>
    %jit3A_513 = arith.constant 0x7F800000 : f32
    %broadcast_in_dim3A_514 = vector.broadcast %jit3A_513 : f32 to vector<16xf32>
    %select_n3A_515 = arith.select %broadcast_in_dim3A_505, %bitcast_convert_type3A_48, %broadcast_in_dim3A_514 : vector<16xi1>, vector<16xf32>
    %jit3A_516 = arith.constant 0x7F800000 : f32
    %broadcast_in_dim3A_517 = vector.broadcast %jit3A_516 : f32 to vector<16xf32>
    %select_n3A_518 = arith.select %broadcast_in_dim3A_505, %bitcast_convert_type3A_75, %broadcast_in_dim3A_517 : vector<16xi1>, vector<16xf32>
    %jit3A_519 = arith.constant 0x7F800000 : f32
    %broadcast_in_dim3A_520 = vector.broadcast %jit3A_519 : f32 to vector<16xf32>
    %select_n3A_521 = arith.select %broadcast_in_dim3A_505, %bitcast_convert_type3A_102, %broadcast_in_dim3A_520 : vector<16xi1>, vector<16xf32>
    %jit3A_522 = arith.constant 0x7F800000 : f32
    %broadcast_in_dim3A_523 = vector.broadcast %jit3A_522 : f32 to vector<16xf32>
    %select_n3A_524 = arith.select %broadcast_in_dim3A_505, %bitcast_convert_type3A_129, %broadcast_in_dim3A_523 : vector<16xi1>, vector<16xf32>
    %jit3A_525 = arith.constant 0x7F800000 : f32
    %broadcast_in_dim3A_526 = vector.broadcast %jit3A_525 : f32 to vector<16xf32>
    %select_n3A_527 = arith.select %broadcast_in_dim3A_505, %bitcast_convert_type3A_156, %broadcast_in_dim3A_526 : vector<16xi1>, vector<16xf32>
    %jit3A_528 = arith.constant 0x7F800000 : f32
    %broadcast_in_dim3A_529 = vector.broadcast %jit3A_528 : f32 to vector<16xf32>
    %select_n3A_530 = arith.select %broadcast_in_dim3A_505, %bitcast_convert_type3A_183, %broadcast_in_dim3A_529 : vector<16xi1>, vector<16xf32>
    %jit3A_531 = arith.constant 0x7F800000 : f32
    %broadcast_in_dim3A_532 = vector.broadcast %jit3A_531 : f32 to vector<16xf32>
    %select_n3A_533 = arith.select %broadcast_in_dim3A_505, %bitcast_convert_type3A_210, %broadcast_in_dim3A_532 : vector<16xi1>, vector<16xf32>
    %jit3A_534 = arith.constant 0x7F800000 : f32
    %broadcast_in_dim3A_535 = vector.broadcast %jit3A_534 : f32 to vector<16xf32>
    %select_n3A_536 = arith.select %broadcast_in_dim3A_505, %gather3A, %broadcast_in_dim3A_535 : vector<16xi1>, vector<16xf32>
    %jit3A_537 = arith.constant 0x7F800000 : f32
    %broadcast_in_dim3A_538 = vector.broadcast %jit3A_537 : f32 to vector<16xf32>
    %select_n3A_539 = arith.select %broadcast_in_dim3A_505, %gather3A_30, %broadcast_in_dim3A_538 : vector<16xi1>, vector<16xf32>
    %jit3A_540 = arith.constant 0x7F800000 : f32
    %broadcast_in_dim3A_541 = vector.broadcast %jit3A_540 : f32 to vector<16xf32>
    %select_n3A_542 = arith.select %broadcast_in_dim3A_505, %gather3A_57, %broadcast_in_dim3A_541 : vector<16xi1>, vector<16xf32>
    %jit3A_543 = arith.constant 0x7F800000 : f32
    %broadcast_in_dim3A_544 = vector.broadcast %jit3A_543 : f32 to vector<16xf32>
    %select_n3A_545 = arith.select %broadcast_in_dim3A_505, %gather3A_84, %broadcast_in_dim3A_544 : vector<16xi1>, vector<16xf32>
    %jit3A_546 = arith.constant 0x7F800000 : f32
    %broadcast_in_dim3A_547 = vector.broadcast %jit3A_546 : f32 to vector<16xf32>
    %select_n3A_548 = arith.select %broadcast_in_dim3A_505, %gather3A_111, %broadcast_in_dim3A_547 : vector<16xi1>, vector<16xf32>
    %jit3A_549 = arith.constant 0x7F800000 : f32
    %broadcast_in_dim3A_550 = vector.broadcast %jit3A_549 : f32 to vector<16xf32>
    %select_n3A_551 = arith.select %broadcast_in_dim3A_505, %gather3A_138, %broadcast_in_dim3A_550 : vector<16xi1>, vector<16xf32>
    %jit3A_552 = arith.constant 0x7F800000 : f32
    %broadcast_in_dim3A_553 = vector.broadcast %jit3A_552 : f32 to vector<16xf32>
    %select_n3A_554 = arith.select %broadcast_in_dim3A_505, %gather3A_165, %broadcast_in_dim3A_553 : vector<16xi1>, vector<16xf32>
    %jit3A_555 = arith.constant 0x7F800000 : f32
    %broadcast_in_dim3A_556 = vector.broadcast %jit3A_555 : f32 to vector<16xf32>
    %select_n3A_557 = arith.select %broadcast_in_dim3A_505, %gather3A_192, %broadcast_in_dim3A_556 : vector<16xi1>, vector<16xf32>
    %parallel_loop3A_558 = arith.constant 0 : i32
    %parallel_loop3A_559 = arith.constant 8 : i32
    %parallel_loop3A_560 = arith.constant 1 : i32
    %parallel_loop3A_561:8 = scf.for %parallel_loop3A_595 = %parallel_loop3A_558 to %parallel_loop3A_559 step %parallel_loop3A_560 iter_args(%parallel_loop3A_596 = %parallel_loop3A_503#0, %parallel_loop3A_597 = %parallel_loop3A_503#1, %parallel_loop3A_598 = %parallel_loop3A_503#2, %parallel_loop3A_599 = %parallel_loop3A_503#3, %parallel_loop3A_600 = %parallel_loop3A_503#4, %parallel_loop3A_601 = %parallel_loop3A_503#5, %parallel_loop3A_602 = %parallel_loop3A_503#6, %parallel_loop3A_603 = %parallel_loop3A_503#7) -> (vector<16xi32>, vector<16xi32>, vector<16xi32>, vector<16xi32>, vector<16xi32>, vector<16xi32>, vector<16xi32>, vector<16xi32>)  : i32 {
      %parallel_loop3A_604 = arith.addi %mul3A_232, %parallel_loop3A_595 : i32
      %parallel_loop3A_605 = arith.index_cast %parallel_loop3A_595 : i32 to index
      %parallel_loop3A_606 = arith.constant 0 : index
      %parallel_loop3A_607 = tpu.vector_load %arg10[%parallel_loop3A_605, %parallel_loop3A_606] {strides = array<i32>} : memref<8x128xf32, #tpu.memory_space<vmem>>, vector<16xf32>,
      %parallel_loop3A_608 = vector.broadcast %parallel_loop3A_604 : i32 to vector<16xi32>
      %parallel_loop3A_609 = arith.cmpi slt, %parallel_loop3A_608, %get3A_23 : vector<16xi32>
      %parallel_loop3A_610 = arith.select %parallel_loop3A_609, %select_n3A_512, %select_n3A_536 : vector<16xi1>, vector<16xf32>
      %parallel_loop3A_611 = arith.cmpf ogt, %parallel_loop3A_607, %parallel_loop3A_610 : vector<16xf32>
      %parallel_loop3A_612 = arith.extui %parallel_loop3A_611 : vector<16xi1> to vector<16xi32>
      %parallel_loop3A_613 = arith.addi %parallel_loop3A_596, %parallel_loop3A_612 : vector<16xi32>
      %parallel_loop3A_614 = arith.index_cast %parallel_loop3A_595 : i32 to index
      %parallel_loop3A_615 = arith.constant 16 : index
      %parallel_loop3A_616 = tpu.vector_load %arg10[%parallel_loop3A_614, %parallel_loop3A_615] {strides = array<i32>} : memref<8x128xf32, #tpu.memory_space<vmem>>, vector<16xf32>,
      %parallel_loop3A_617 = vector.broadcast %parallel_loop3A_604 : i32 to vector<16xi32>
      %parallel_loop3A_618 = arith.cmpi slt, %parallel_loop3A_617, %get3A_50 : vector<16xi32>
      %parallel_loop3A_619 = arith.select %parallel_loop3A_618, %select_n3A_515, %select_n3A_539 : vector<16xi1>, vector<16xf32>
      %parallel_loop3A_620 = arith.cmpf ogt, %parallel_loop3A_616, %parallel_loop3A_619 : vector<16xf32>
      %parallel_loop3A_621 = arith.extui %parallel_loop3A_620 : vector<16xi1> to vector<16xi32>
      %parallel_loop3A_622 = arith.addi %parallel_loop3A_597, %parallel_loop3A_621 : vector<16xi32>
      %parallel_loop3A_623 = arith.index_cast %parallel_loop3A_595 : i32 to index
      %parallel_loop3A_624 = arith.constant 32 : index
      %parallel_loop3A_625 = tpu.vector_load %arg10[%parallel_loop3A_623, %parallel_loop3A_624] {strides = array<i32>} : memref<8x128xf32, #tpu.memory_space<vmem>>, vector<16xf32>,
      %parallel_loop3A_626 = vector.broadcast %parallel_loop3A_604 : i32 to vector<16xi32>
      %parallel_loop3A_627 = arith.cmpi slt, %parallel_loop3A_626, %get3A_77 : vector<16xi32>
      %parallel_loop3A_628 = arith.select %parallel_loop3A_627, %select_n3A_518, %select_n3A_542 : vector<16xi1>, vector<16xf32>
      %parallel_loop3A_629 = arith.cmpf ogt, %parallel_loop3A_625, %parallel_loop3A_628 : vector<16xf32>
      %parallel_loop3A_630 = arith.extui %parallel_loop3A_629 : vector<16xi1> to vector<16xi32>
      %parallel_loop3A_631 = arith.addi %parallel_loop3A_598, %parallel_loop3A_630 : vector<16xi32>
      %parallel_loop3A_632 = arith.index_cast %parallel_loop3A_595 : i32 to index
      %parallel_loop3A_633 = arith.constant 48 : index
      %parallel_loop3A_634 = tpu.vector_load %arg10[%parallel_loop3A_632, %parallel_loop3A_633] {strides = array<i32>} : memref<8x128xf32, #tpu.memory_space<vmem>>, vector<16xf32>,
      %parallel_loop3A_635 = vector.broadcast %parallel_loop3A_604 : i32 to vector<16xi32>
      %parallel_loop3A_636 = arith.cmpi slt, %parallel_loop3A_635, %get3A_104 : vector<16xi32>
      %parallel_loop3A_637 = arith.select %parallel_loop3A_636, %select_n3A_521, %select_n3A_545 : vector<16xi1>, vector<16xf32>
      %parallel_loop3A_638 = arith.cmpf ogt, %parallel_loop3A_634, %parallel_loop3A_637 : vector<16xf32>
      %parallel_loop3A_639 = arith.extui %parallel_loop3A_638 : vector<16xi1> to vector<16xi32>
      %parallel_loop3A_640 = arith.addi %parallel_loop3A_599, %parallel_loop3A_639 : vector<16xi32>
      %parallel_loop3A_641 = arith.index_cast %parallel_loop3A_595 : i32 to index
      %parallel_loop3A_642 = arith.constant 64 : index
      %parallel_loop3A_643 = tpu.vector_load %arg10[%parallel_loop3A_641, %parallel_loop3A_642] {strides = array<i32>} : memref<8x128xf32, #tpu.memory_space<vmem>>, vector<16xf32>,
      %parallel_loop3A_644 = vector.broadcast %parallel_loop3A_604 : i32 to vector<16xi32>
      %parallel_loop3A_645 = arith.cmpi slt, %parallel_loop3A_644, %get3A_131 : vector<16xi32>
      %parallel_loop3A_646 = arith.select %parallel_loop3A_645, %select_n3A_524, %select_n3A_548 : vector<16xi1>, vector<16xf32>
      %parallel_loop3A_647 = arith.cmpf ogt, %parallel_loop3A_643, %parallel_loop3A_646 : vector<16xf32>
      %parallel_loop3A_648 = arith.extui %parallel_loop3A_647 : vector<16xi1> to vector<16xi32>
      %parallel_loop3A_649 = arith.addi %parallel_loop3A_600, %parallel_loop3A_648 : vector<16xi32>
      %parallel_loop3A_650 = arith.index_cast %parallel_loop3A_595 : i32 to index
      %parallel_loop3A_651 = arith.constant 80 : index
      %parallel_loop3A_652 = tpu.vector_load %arg10[%parallel_loop3A_650, %parallel_loop3A_651] {strides = array<i32>} : memref<8x128xf32, #tpu.memory_space<vmem>>, vector<16xf32>,
      %parallel_loop3A_653 = vector.broadcast %parallel_loop3A_604 : i32 to vector<16xi32>
      %parallel_loop3A_654 = arith.cmpi slt, %parallel_loop3A_653, %get3A_158 : vector<16xi32>
      %parallel_loop3A_655 = arith.select %parallel_loop3A_654, %select_n3A_527, %select_n3A_551 : vector<16xi1>, vector<16xf32>
      %parallel_loop3A_656 = arith.cmpf ogt, %parallel_loop3A_652, %parallel_loop3A_655 : vector<16xf32>
      %parallel_loop3A_657 = arith.extui %parallel_loop3A_656 : vector<16xi1> to vector<16xi32>
      %parallel_loop3A_658 = arith.addi %parallel_loop3A_601, %parallel_loop3A_657 : vector<16xi32>
      %parallel_loop3A_659 = arith.index_cast %parallel_loop3A_595 : i32 to index
      %parallel_loop3A_660 = arith.constant 96 : index
      %parallel_loop3A_661 = tpu.vector_load %arg10[%parallel_loop3A_659, %parallel_loop3A_660] {strides = array<i32>} : memref<8x128xf32, #tpu.memory_space<vmem>>, vector<16xf32>,
      %parallel_loop3A_662 = vector.broadcast %parallel_loop3A_604 : i32 to vector<16xi32>
      %parallel_loop3A_663 = arith.cmpi slt, %parallel_loop3A_662, %get3A_185 : vector<16xi32>
      %parallel_loop3A_664 = arith.select %parallel_loop3A_663, %select_n3A_530, %select_n3A_554 : vector<16xi1>, vector<16xf32>
      %parallel_loop3A_665 = arith.cmpf ogt, %parallel_loop3A_661, %parallel_loop3A_664 : vector<16xf32>
      %parallel_loop3A_666 = arith.extui %parallel_loop3A_665 : vector<16xi1> to vector<16xi32>
      %parallel_loop3A_667 = arith.addi %parallel_loop3A_602, %parallel_loop3A_666 : vector<16xi32>
      %parallel_loop3A_668 = arith.index_cast %parallel_loop3A_595 : i32 to index
      %parallel_loop3A_669 = arith.constant 112 : index
      %parallel_loop3A_670 = tpu.vector_load %arg10[%parallel_loop3A_668, %parallel_loop3A_669] {strides = array<i32>} : memref<8x128xf32, #tpu.memory_space<vmem>>, vector<16xf32>,
      %parallel_loop3A_671 = vector.broadcast %parallel_loop3A_604 : i32 to vector<16xi32>
      %parallel_loop3A_672 = arith.cmpi slt, %parallel_loop3A_671, %get3A_212 : vector<16xi32>
      %parallel_loop3A_673 = arith.select %parallel_loop3A_672, %select_n3A_533, %select_n3A_557 : vector<16xi1>, vector<16xf32>
      %parallel_loop3A_674 = arith.cmpf ogt, %parallel_loop3A_670, %parallel_loop3A_673 : vector<16xf32>
      %parallel_loop3A_675 = arith.extui %parallel_loop3A_674 : vector<16xi1> to vector<16xi32>
      %parallel_loop3A_676 = arith.addi %parallel_loop3A_603, %parallel_loop3A_675 : vector<16xi32>
      scf.yield %parallel_loop3A_613, %parallel_loop3A_622, %parallel_loop3A_631, %parallel_loop3A_640, %parallel_loop3A_649, %parallel_loop3A_658, %parallel_loop3A_667, %parallel_loop3A_676 : vector<16xi32>, vector<16xi32>, vector<16xi32>, vector<16xi32>, vector<16xi32>, vector<16xi32>, vector<16xi32>, vector<16xi32>
    } {sc.loop_unroll_factor = 1 : i64, sc.parallel_access}
    %swap3A = arith.constant 0 : i32
    %swap3A_562 = arith.index_cast %swap3A : i32 to index
    %swap3A_563 = arith.constant 0 : index
    %swap3A_564 = tpu.vector_load %arg11[%swap3A_562, %swap3A_563] {strides = array<i32>} : memref<8x128xi32, #tpu.memory_space<vmem>>, vector<16xi32>,
    tpu.vector_store %arg11[%swap3A_562, %swap3A_563], %parallel_loop3A_561#0 {strides = array<i32>} : memref<8x128xi32, #tpu.memory_space<vmem>>, vector<16xi32>,
    %swap3A_565 = arith.constant 0 : i32
    %swap3A_566 = arith.index_cast %swap3A_565 : i32 to index
    %swap3A_567 = arith.constant 16 : index
    %swap3A_568 = tpu.vector_load %arg11[%swap3A_566, %swap3A_567] {strides = array<i32>} : memref<8x128xi32, #tpu.memory_space<vmem>>, vector<16xi32>,
    tpu.vector_store %arg11[%swap3A_566, %swap3A_567], %parallel_loop3A_561#1 {strides = array<i32>} : memref<8x128xi32, #tpu.memory_space<vmem>>, vector<16xi32>,
    %swap3A_569 = arith.constant 0 : i32
    %swap3A_570 = arith.index_cast %swap3A_569 : i32 to index
    %swap3A_571 = arith.constant 32 : index
    %swap3A_572 = tpu.vector_load %arg11[%swap3A_570, %swap3A_571] {strides = array<i32>} : memref<8x128xi32, #tpu.memory_space<vmem>>, vector<16xi32>,
    tpu.vector_store %arg11[%swap3A_570, %swap3A_571], %parallel_loop3A_561#2 {strides = array<i32>} : memref<8x128xi32, #tpu.memory_space<vmem>>, vector<16xi32>,
    %swap3A_573 = arith.constant 0 : i32
    %swap3A_574 = arith.index_cast %swap3A_573 : i32 to index
    %swap3A_575 = arith.constant 48 : index
    %swap3A_576 = tpu.vector_load %arg11[%swap3A_574, %swap3A_575] {strides = array<i32>} : memref<8x128xi32, #tpu.memory_space<vmem>>, vector<16xi32>,
    tpu.vector_store %arg11[%swap3A_574, %swap3A_575], %parallel_loop3A_561#3 {strides = array<i32>} : memref<8x128xi32, #tpu.memory_space<vmem>>, vector<16xi32>,
    %swap3A_577 = arith.constant 0 : i32
    %swap3A_578 = arith.index_cast %swap3A_577 : i32 to index
    %swap3A_579 = arith.constant 64 : index
    %swap3A_580 = tpu.vector_load %arg11[%swap3A_578, %swap3A_579] {strides = array<i32>} : memref<8x128xi32, #tpu.memory_space<vmem>>, vector<16xi32>,
    tpu.vector_store %arg11[%swap3A_578, %swap3A_579], %parallel_loop3A_561#4 {strides = array<i32>} : memref<8x128xi32, #tpu.memory_space<vmem>>, vector<16xi32>,
    %swap3A_581 = arith.constant 0 : i32
    %swap3A_582 = arith.index_cast %swap3A_581 : i32 to index
    %swap3A_583 = arith.constant 80 : index
    %swap3A_584 = tpu.vector_load %arg11[%swap3A_582, %swap3A_583] {strides = array<i32>} : memref<8x128xi32, #tpu.memory_space<vmem>>, vector<16xi32>,
    tpu.vector_store %arg11[%swap3A_582, %swap3A_583], %parallel_loop3A_561#5 {strides = array<i32>} : memref<8x128xi32, #tpu.memory_space<vmem>>, vector<16xi32>,
    %swap3A_585 = arith.constant 0 : i32
    %swap3A_586 = arith.index_cast %swap3A_585 : i32 to index
    %swap3A_587 = arith.constant 96 : index
    %swap3A_588 = tpu.vector_load %arg11[%swap3A_586, %swap3A_587] {strides = array<i32>} : memref<8x128xi32, #tpu.memory_space<vmem>>, vector<16xi32>,
    tpu.vector_store %arg11[%swap3A_586, %swap3A_587], %parallel_loop3A_561#6 {strides = array<i32>} : memref<8x128xi32, #tpu.memory_space<vmem>>, vector<16xi32>,
    %swap3A_589 = arith.constant 0 : i32
    %swap3A_590 = arith.index_cast %swap3A_589 : i32 to index
    %swap3A_591 = arith.constant 112 : index
    %swap3A_592 = tpu.vector_load %arg11[%swap3A_590, %swap3A_591] {strides = array<i32>} : memref<8x128xi32, #tpu.memory_space<vmem>>, vector<16xi32>,
    tpu.vector_store %arg11[%swap3A_590, %swap3A_591], %parallel_loop3A_561#7 {strides = array<i32>} : memref<8x128xi32, #tpu.memory_space<vmem>>, vector<16xi32>,
    %mul3A_593 = arith.constant 128 : i32
    %mul3A_594 = arith.muli %add3A, %mul3A_593 : i32
    %multiple_of3A = tpu.assume_multiple %mul3A_594, 128 : i32
    "tpu.region"() ({
      %run_scoped3A = tpu.sem_alloc : memref<!tpu.dma_semaphore, #tpu.memory_space<semaphore_mem>>
      %dma_start3A_595 = arith.constant 0 : i32
      %dma_start3A_596 = tpu.memref_slice %arg5[%dma_start3A_595, %multiple_of3A] : memref<8x4096xi32, #tpu.memory_space<hbm>> -> memref<8x128xi32, #tpu.memory_space<hbm>>
      %dma_start3A_597 = arith.constant 0 : i32
      %dma_start3A_598 = tpu.memref_slice %arg5[%dma_start3A_597, %multiple_of3A] : memref<8x4096xi32, #tpu.memory_space<hbm>> -> memref<8x128xi32, #tpu.memory_space<hbm>>
      tpu.enqueue_dma source(%arg11 : memref<8x128xi32, #tpu.memory_space<vmem>>) target(%dma_start3A_598 : memref<8x128xi32, #tpu.memory_space<hbm>>) target_semaphore(%run_scoped3A : memref<!tpu.dma_semaphore, #tpu.memory_space<semaphore_mem>>)
      %dma_wait3A_599 = arith.constant 0 : i32
      %dma_wait3A_600 = tpu.memref_slice %arg5[%dma_wait3A_599, %multiple_of3A] : memref<8x4096xi32, #tpu.memory_space<hbm>> -> memref<8x128xi32, #tpu.memory_space<hbm>>
      %dma_wait3A_601 = arith.constant 0 : i32
      %dma_wait3A_602 = tpu.memref_slice %arg5[%dma_wait3A_601, %multiple_of3A] : memref<8x4096xi32, #tpu.memory_space<hbm>> -> memref<8x128xi32, #tpu.memory_space<hbm>>
      tpu.wait_dma2 semaphore(%run_scoped3A : memref<!tpu.dma_semaphore, #tpu.memory_space<semaphore_mem>>) src(%arg11 : memref<8x128xi32, #tpu.memory_space<vmem>>) dst(%dma_wait3A_602 : memref<8x128xi32, #tpu.memory_space<hbm>>)
      tpu.yield
    }) : () -> ()
    return
  }
}

module attributes {stable_mosaic.version = 14 : i64} {
  func.func @_tc_stage2(%arg0: memref<8x4096xi32, #tpu.memory_space<vmem>>, %arg1: memref<8x128xi32, #tpu.memory_space<vmem>>, %arg2: memref<1x1xf32, #tpu.memory_space<vmem>>) attributes {dimension_semantics = [], scalar_prefetch = 0 : i64, scratch_operands = 0 : i64, tpu.core_type = #tpu.core_type<tc>} {
    %get3A = arith.constant 0 : index
    %get3A_0 = arith.constant 0 : index
    %get3A_1 = vector.load %arg0[%get3A, %get3A_0] : memref<8x4096xi32, #tpu.memory_space<vmem>>, vector<1x128xi32>
    %get3A_2 = arith.constant 0 : index
    %get3A_3 = arith.constant 128 : index
    %get3A_4 = vector.load %arg0[%get3A_2, %get3A_3] : memref<8x4096xi32, #tpu.memory_space<vmem>>, vector<1x128xi32>
    %add3A = arith.addi %get3A_1, %get3A_4 : vector<1x128xi32>
    %get3A_5 = arith.constant 0 : index
    %get3A_6 = arith.constant 256 : index
    %get3A_7 = vector.load %arg0[%get3A_5, %get3A_6] : memref<8x4096xi32, #tpu.memory_space<vmem>>, vector<1x128xi32>
    %add3A_8 = arith.addi %add3A, %get3A_7 : vector<1x128xi32>
    %get3A_9 = arith.constant 0 : index
    %get3A_10 = arith.constant 384 : index
    %get3A_11 = vector.load %arg0[%get3A_9, %get3A_10] : memref<8x4096xi32, #tpu.memory_space<vmem>>, vector<1x128xi32>
    %add3A_12 = arith.addi %add3A_8, %get3A_11 : vector<1x128xi32>
    %get3A_13 = arith.constant 0 : index
    %get3A_14 = arith.constant 512 : index
    %get3A_15 = vector.load %arg0[%get3A_13, %get3A_14] : memref<8x4096xi32, #tpu.memory_space<vmem>>, vector<1x128xi32>
    %add3A_16 = arith.addi %add3A_12, %get3A_15 : vector<1x128xi32>
    %get3A_17 = arith.constant 0 : index
    %get3A_18 = arith.constant 640 : index
    %get3A_19 = vector.load %arg0[%get3A_17, %get3A_18] : memref<8x4096xi32, #tpu.memory_space<vmem>>, vector<1x128xi32>
    %add3A_20 = arith.addi %add3A_16, %get3A_19 : vector<1x128xi32>
    %get3A_21 = arith.constant 0 : index
    %get3A_22 = arith.constant 768 : index
    %get3A_23 = vector.load %arg0[%get3A_21, %get3A_22] : memref<8x4096xi32, #tpu.memory_space<vmem>>, vector<1x128xi32>
    %add3A_24 = arith.addi %add3A_20, %get3A_23 : vector<1x128xi32>
    %get3A_25 = arith.constant 0 : index
    %get3A_26 = arith.constant 896 : index
    %get3A_27 = vector.load %arg0[%get3A_25, %get3A_26] : memref<8x4096xi32, #tpu.memory_space<vmem>>, vector<1x128xi32>
    %add3A_28 = arith.addi %add3A_24, %get3A_27 : vector<1x128xi32>
    %get3A_29 = arith.constant 0 : index
    %get3A_30 = arith.constant 1024 : index
    %get3A_31 = vector.load %arg0[%get3A_29, %get3A_30] : memref<8x4096xi32, #tpu.memory_space<vmem>>, vector<1x128xi32>
    %add3A_32 = arith.addi %add3A_28, %get3A_31 : vector<1x128xi32>
    %get3A_33 = arith.constant 0 : index
    %get3A_34 = arith.constant 1152 : index
    %get3A_35 = vector.load %arg0[%get3A_33, %get3A_34] : memref<8x4096xi32, #tpu.memory_space<vmem>>, vector<1x128xi32>
    %add3A_36 = arith.addi %add3A_32, %get3A_35 : vector<1x128xi32>
    %get3A_37 = arith.constant 0 : index
    %get3A_38 = arith.constant 1280 : index
    %get3A_39 = vector.load %arg0[%get3A_37, %get3A_38] : memref<8x4096xi32, #tpu.memory_space<vmem>>, vector<1x128xi32>
    %add3A_40 = arith.addi %add3A_36, %get3A_39 : vector<1x128xi32>
    %get3A_41 = arith.constant 0 : index
    %get3A_42 = arith.constant 1408 : index
    %get3A_43 = vector.load %arg0[%get3A_41, %get3A_42] : memref<8x4096xi32, #tpu.memory_space<vmem>>, vector<1x128xi32>
    %add3A_44 = arith.addi %add3A_40, %get3A_43 : vector<1x128xi32>
    %get3A_45 = arith.constant 0 : index
    %get3A_46 = arith.constant 1536 : index
    %get3A_47 = vector.load %arg0[%get3A_45, %get3A_46] : memref<8x4096xi32, #tpu.memory_space<vmem>>, vector<1x128xi32>
    %add3A_48 = arith.addi %add3A_44, %get3A_47 : vector<1x128xi32>
    %get3A_49 = arith.constant 0 : index
    %get3A_50 = arith.constant 1664 : index
    %get3A_51 = vector.load %arg0[%get3A_49, %get3A_50] : memref<8x4096xi32, #tpu.memory_space<vmem>>, vector<1x128xi32>
    %add3A_52 = arith.addi %add3A_48, %get3A_51 : vector<1x128xi32>
    %get3A_53 = arith.constant 0 : index
    %get3A_54 = arith.constant 1792 : index
    %get3A_55 = vector.load %arg0[%get3A_53, %get3A_54] : memref<8x4096xi32, #tpu.memory_space<vmem>>, vector<1x128xi32>
    %add3A_56 = arith.addi %add3A_52, %get3A_55 : vector<1x128xi32>
    %get3A_57 = arith.constant 0 : index
    %get3A_58 = arith.constant 1920 : index
    %get3A_59 = vector.load %arg0[%get3A_57, %get3A_58] : memref<8x4096xi32, #tpu.memory_space<vmem>>, vector<1x128xi32>
    %add3A_60 = arith.addi %add3A_56, %get3A_59 : vector<1x128xi32>
    %get3A_61 = arith.constant 0 : index
    %get3A_62 = arith.constant 2048 : index
    %get3A_63 = vector.load %arg0[%get3A_61, %get3A_62] : memref<8x4096xi32, #tpu.memory_space<vmem>>, vector<1x128xi32>
    %add3A_64 = arith.addi %add3A_60, %get3A_63 : vector<1x128xi32>
    %get3A_65 = arith.constant 0 : index
    %get3A_66 = arith.constant 2176 : index
    %get3A_67 = vector.load %arg0[%get3A_65, %get3A_66] : memref<8x4096xi32, #tpu.memory_space<vmem>>, vector<1x128xi32>
    %add3A_68 = arith.addi %add3A_64, %get3A_67 : vector<1x128xi32>
    %get3A_69 = arith.constant 0 : index
    %get3A_70 = arith.constant 2304 : index
    %get3A_71 = vector.load %arg0[%get3A_69, %get3A_70] : memref<8x4096xi32, #tpu.memory_space<vmem>>, vector<1x128xi32>
    %add3A_72 = arith.addi %add3A_68, %get3A_71 : vector<1x128xi32>
    %get3A_73 = arith.constant 0 : index
    %get3A_74 = arith.constant 2432 : index
    %get3A_75 = vector.load %arg0[%get3A_73, %get3A_74] : memref<8x4096xi32, #tpu.memory_space<vmem>>, vector<1x128xi32>
    %add3A_76 = arith.addi %add3A_72, %get3A_75 : vector<1x128xi32>
    %get3A_77 = arith.constant 0 : index
    %get3A_78 = arith.constant 2560 : index
    %get3A_79 = vector.load %arg0[%get3A_77, %get3A_78] : memref<8x4096xi32, #tpu.memory_space<vmem>>, vector<1x128xi32>
    %add3A_80 = arith.addi %add3A_76, %get3A_79 : vector<1x128xi32>
    %get3A_81 = arith.constant 0 : index
    %get3A_82 = arith.constant 2688 : index
    %get3A_83 = vector.load %arg0[%get3A_81, %get3A_82] : memref<8x4096xi32, #tpu.memory_space<vmem>>, vector<1x128xi32>
    %add3A_84 = arith.addi %add3A_80, %get3A_83 : vector<1x128xi32>
    %get3A_85 = arith.constant 0 : index
    %get3A_86 = arith.constant 2816 : index
    %get3A_87 = vector.load %arg0[%get3A_85, %get3A_86] : memref<8x4096xi32, #tpu.memory_space<vmem>>, vector<1x128xi32>
    %add3A_88 = arith.addi %add3A_84, %get3A_87 : vector<1x128xi32>
    %get3A_89 = arith.constant 0 : index
    %get3A_90 = arith.constant 2944 : index
    %get3A_91 = vector.load %arg0[%get3A_89, %get3A_90] : memref<8x4096xi32, #tpu.memory_space<vmem>>, vector<1x128xi32>
    %add3A_92 = arith.addi %add3A_88, %get3A_91 : vector<1x128xi32>
    %get3A_93 = arith.constant 0 : index
    %get3A_94 = arith.constant 3072 : index
    %get3A_95 = vector.load %arg0[%get3A_93, %get3A_94] : memref<8x4096xi32, #tpu.memory_space<vmem>>, vector<1x128xi32>
    %add3A_96 = arith.addi %add3A_92, %get3A_95 : vector<1x128xi32>
    %get3A_97 = arith.constant 0 : index
    %get3A_98 = arith.constant 3200 : index
    %get3A_99 = vector.load %arg0[%get3A_97, %get3A_98] : memref<8x4096xi32, #tpu.memory_space<vmem>>, vector<1x128xi32>
    %add3A_100 = arith.addi %add3A_96, %get3A_99 : vector<1x128xi32>
    %get3A_101 = arith.constant 0 : index
    %get3A_102 = arith.constant 3328 : index
    %get3A_103 = vector.load %arg0[%get3A_101, %get3A_102] : memref<8x4096xi32, #tpu.memory_space<vmem>>, vector<1x128xi32>
    %add3A_104 = arith.addi %add3A_100, %get3A_103 : vector<1x128xi32>
    %get3A_105 = arith.constant 0 : index
    %get3A_106 = arith.constant 3456 : index
    %get3A_107 = vector.load %arg0[%get3A_105, %get3A_106] : memref<8x4096xi32, #tpu.memory_space<vmem>>, vector<1x128xi32>
    %add3A_108 = arith.addi %add3A_104, %get3A_107 : vector<1x128xi32>
    %get3A_109 = arith.constant 0 : index
    %get3A_110 = arith.constant 3584 : index
    %get3A_111 = vector.load %arg0[%get3A_109, %get3A_110] : memref<8x4096xi32, #tpu.memory_space<vmem>>, vector<1x128xi32>
    %add3A_112 = arith.addi %add3A_108, %get3A_111 : vector<1x128xi32>
    %get3A_113 = arith.constant 0 : index
    %get3A_114 = arith.constant 3712 : index
    %get3A_115 = vector.load %arg0[%get3A_113, %get3A_114] : memref<8x4096xi32, #tpu.memory_space<vmem>>, vector<1x128xi32>
    %add3A_116 = arith.addi %add3A_112, %get3A_115 : vector<1x128xi32>
    %get3A_117 = arith.constant 0 : index
    %get3A_118 = arith.constant 3840 : index
    %get3A_119 = vector.load %arg0[%get3A_117, %get3A_118] : memref<8x4096xi32, #tpu.memory_space<vmem>>, vector<1x128xi32>
    %add3A_120 = arith.addi %add3A_116, %get3A_119 : vector<1x128xi32>
    %get3A_121 = arith.constant 0 : index
    %get3A_122 = arith.constant 3968 : index
    %get3A_123 = vector.load %arg0[%get3A_121, %get3A_122] : memref<8x4096xi32, #tpu.memory_space<vmem>>, vector<1x128xi32>
    %add3A_124 = arith.addi %add3A_120, %get3A_123 : vector<1x128xi32>
    %get3A_125 = arith.constant 0 : index
    %get3A_126 = arith.constant 0 : index
    %get3A_127 = vector.load %arg1[%get3A_125, %get3A_126] : memref<8x128xi32, #tpu.memory_space<vmem>>, vector<1x128xi32>
    %lt3A = arith.cmpi slt, %add3A_124, %get3A_127 : vector<1x128xi32>
    %convert_element_type3A = arith.extui %lt3A : vector<1x128xi1> to vector<1x128xi32>
    %convert_element_type3A_128 = arith.sitofp %convert_element_type3A : vector<1x128xi32> to vector<1x128xf32>
    %reduce_sum3A = vector.shape_cast %convert_element_type3A_128 : vector<1x128xf32> to vector<1x1x128xf32>
    %reduce_sum3A_129 = arith.constant dense<0.000000e+00> : vector<1xf32>
    %reduce_sum3A_130 = vector.multi_reduction <add>, %reduce_sum3A, %reduce_sum3A_129 [1, 2] : vector<1x1x128xf32> to vector<1xf32>
    %reduce_sum3A_131 = vector.shape_cast %reduce_sum3A_130 : vector<1xf32> to vector<1x1x1xf32>
    %reduce_sum3A_132 = vector.extract %reduce_sum3A_131[0, 0, 0] : f32 from vector<1x1x1xf32>
    %mul3A = arith.constant 7.812500e-03 : f32
    %mul3A_133 = arith.mulf %reduce_sum3A_132, %mul3A : f32
    %broadcast_in_dim3A = vector.broadcast %mul3A_133 : f32 to vector<1x1xf32>
    %swap3A = arith.constant 0 : index
    %swap3A_134 = arith.constant 0 : index
    %swap3A_135 = vector.load %arg2[%swap3A, %swap3A_134] : memref<1x1xf32, #tpu.memory_space<vmem>>, vector<1x1xf32>
    tpu.vector_store %arg2[%swap3A, %swap3A_134], %broadcast_in_dim3A {strides = array<i32>} : memref<1x1xf32, #tpu.memory_space<vmem>>, vector<1x1xf32>,
    return
  }
}

</mosaic_0001>

<sc_bundles>
// kernel: _run.4.cloned.1.call-start
scs
__scs_entry_jumppad:
0x0: {  	(pc) =	sbr.rel $0x88, $3  }
0x1: {  	(tag) =	ssettag $0x0;
	lr =	simm.s32 $0x1  }
0x2: {  	[smem:$0x3F9E] =	sst lr;
	_ =	strace $0xD0000000  }
0x3: {  	_ = 	snop  }
0x4: {  	_ = 	snop  }
0x5: {  	_ = 	snop  }
0x6: {  	_ = 	snop  }
0x7: {  	_ = 	snop  }
__scs_overlays_trampoline_lowered:
0x8: {  	[smem:$0x3FAD] =	sst s0  }
0x9: {  	[smem:$0x3FAE] =	sst s1  }
0xa: {  	[smem:$0x3FAF] =	sst s2  }
0xb: {  	[smem:$0x3FB0] =	sst s3  }
0xc: {  	[smem:$0x3FB1] =	sst s4  }
0xd: {  	[smem:$0x3FB2] =	sst s5  }
0xe: {  	[smem:$0x3FB3] =	sst s6  }
0xf: {  	[smem:$0x3FB4] =	sst s7  }
0x10: {  	[smem:$0x3FB5] =	sst s8  }
0x11: {  	[smem:$0x3FB6] =	sst s9;
	s0 =	simm.s32 @!p0 $0x0  }
0x12: {  	s1 =	sld [smem:$0x3F9C];
	s0 =	simm.s32 @p0 $0x1  }
0x13: {  	[smem:$0x3FB7] =	sst s0;
	s0 =	simm.s32 @!p1 $0x0  }
0x14: {  	s2 =	sld [smem:$0x3F9B];
	s0 =	simm.s32 @p1 $0x1  }
0x15: {  	[smem:$0x3FB8] =	sst s0;
	s0 =	simm.s32 @!p2 $0x0  }
0x16: {  	s3 =	sld [smem:$0x3FDB];
	s0 =	simm.s32 @p2 $0x1  }
0x17: {  	s4 =	simm.s32 $0x1BF5;
	[smem:$0x3FBA] =	sst s0  }
0x18: {  	s0 =	sld [smem:$0x3F9D];
	_ =	swait.ge [sflag:s4], $0x0  }
0x19: {  	s7 =	sld [smem:$0x3F9E]  }
0x1a: {  	s8 =	sadd.s32 $0xFFFFE003, lr  }
0x1b: {  	s9 =	sadd.s32 $0xFFFFFEF7, lr;
	s5 =	simm.s32 $0xFFFFFFFF;
	p2 =	slt.u32 s8, $0xFFFFF086  }
0x1c: {  	p1 =	slt.u32 s9, $0xF7A;
	s5 =	simm.s32 @!p2 $0x0  }
0x1d: {  	s5 =	simm.s32 @p1 $0x1;
	p0 =	seq.s32 s7, s2  }
0x1e: {  	s7 =	smul.u32 @!p0 $0xF7A, s2;
	p2 =	seq.s32 @!p0 s5, $0x0  }
0x1f: {  	s9 =	smul.u32 $0xF7A, s1;
	s8 =	simm.s32 @!p0 $0x1BF5;
	p2 =	por !p2, p0  }
0x20: {  	[sflag:s8] =	ssyncset.s32 @!p0 $0xFFFFF086;
	s6 =	sadd.s32 @!p0 s3, s7;
	s7 =	simm.s32 @!p0 $0x108  }
0x21: {  	s3 =	sadd.s32 s3, s9;
	s6 =	sadd.s32 @!p0 $0x88, s6;
	s7 =	simm.s32 @p2 $0x1082  }
0x22: {  	[simem:s7], [sflag:s8] =	dma.local @!p0 [hbm:s6], $0xF7A  }
0x23: {  	s9 =	sor.u32 $0xD0000000, s2;
	s6 =	simm.s32 $0x108;
	_ =	swait.ge @!p0 [sflag:s8], $0x0  }
0x24: {  	s3 =	sadd.s32 $0x88, s3;
	s6 =	simm.s32 @!p1 $0x1082;
	[sflag:s4] =	ssyncset.s32 $0xFFFFF086  }
0x25: {  	[simem:s6], [sflag:s4] =	dma.local [hbm:s3], $0xF7A  }
0x26: {  	[smem:$0x3F9E] =	sst s1;
	(tag) =	ssettag s2;
	_ =	strace s9  }
0x27: {  	s1 =	sld [smem:$0x3FAE]  }
0x28: {  	s2 =	sld [smem:$0x3FAF]  }
0x29: {  	s4 =	sld [smem:$0x3FB1]  }
0x2a: {  	p0 =	seq.s32 s5, $0x0;
	s5 =	sld [smem:$0x3FB2]  }
0x2b: {  	s6 =	sld [smem:$0x3FB3]  }
0x2c: {  	s7 =	sld [smem:$0x3FB4]  }
0x2d: {  	s3 =	simm.s32 $0x108;
	s8 =	sld [smem:$0x3FB5]  }
0x2e: {  	s3 =	simm.s32 @!p0 $0x1082;
	s9 =	sld [smem:$0x3FB6]  }
0x2f: {  	lr =	sadd.s32 s0, s3;
	s0 =	sld [smem:$0x3FAD]  }
0x30: {  	s3 =	sld [smem:$0x3FB0]  }
0x31: {  	[smem:$0x3FB9] =	sst s10  }
0x32: {  	s10 =	sld [smem:$0x3FB7];
	_ =	sdelay $0x3  }
0x33: {  	p0 =	seq.s32 s10, $0x1;
	s10 =	sld [smem:$0x3FB9];
	_ =	sdelay $0x3  }
0x34: {  	[smem:$0x3FB9] =	sst s10  }
0x35: {  	s10 =	sld [smem:$0x3FB8];
	_ =	sdelay $0x3  }
0x36: {  	p1 =	seq.s32 s10, $0x1;
	s10 =	sld [smem:$0x3FB9];
	_ =	sdelay $0x3  }
0x37: {  	[smem:$0x3FB9] =	sst s10  }
0x38: {  	s10 =	sld [smem:$0x3FBA]  }
0x39: {  	_ = 	snop;
	(pc) =	sbr.ind lr, $3  }
0x3a: {  	_ = 	snop  }
0x3b: {  	_ = 	snop  }
0x3c: {  	p2 =	seq.s32 s10, $0x1;
	s10 =	sld [smem:$0x3FB9]  }
0x3d: {  	_ =	shalt  }
0x3e: {  	_ =	shalt  }
0x3f: {  	_ =	shalt  }
0x40: {  	_ =	shalt  }
0x41: {  	_ =	shalt  }
0x42: {  	_ =	shalt  }
0x43: {  	_ =	shalt  }
0x44: {  	_ =	shalt  }
0x45: {  	_ =	shalt  }
0x46: {  	_ =	shalt  }
0x47: {  	_ =	shalt  }
0x48: {  	_ =	shalt  }
0x49: {  	_ =	shalt  }
0x4a: {  	_ =	shalt  }
0x4b: {  	_ =	shalt  }
0x4c: {  	_ =	shalt  }
0x4d: {  	_ =	shalt  }
0x4e: {  	_ =	shalt  }
0x4f: {  	_ =	shalt  }
0x50: {  	_ =	shalt  }
0x51: {  	_ =	shalt  }
0x52: {  	_ =	shalt  }
0x53: {  	_ =	shalt  }
0x54: {  	_ =	shalt  }
0x55: {  	_ =	shalt  }
0x56: {  	_ =	shalt  }
0x57: {  	_ =	shalt  }
0x58: {  	_ =	shalt  }
0x59: {  	_ =	shalt  }
0x5a: {  	_ =	shalt  }
0x5b: {  	_ =	shalt  }
0x5c: {  	_ =	shalt  }
0x5d: {  	_ =	shalt  }
0x5e: {  	_ =	shalt  }
0x5f: {  	_ =	shalt  }
0x60: {  	_ =	shalt  }
0x61: {  	_ =	shalt  }
0x62: {  	_ =	shalt  }
0x63: {  	_ =	shalt  }
0x64: {  	_ =	shalt  }
0x65: {  	_ =	shalt  }
0x66: {  	_ =	shalt  }
0x67: {  	_ =	shalt  }
0x68: {  	_ =	shalt  }
0x69: {  	_ =	shalt  }
0x6a: {  	_ =	shalt  }
0x6b: {  	_ =	shalt  }
0x6c: {  	_ =	shalt  }
0x6d: {  	_ =	shalt  }
0x6e: {  	_ =	shalt  }
0x6f: {  	_ =	shalt  }
0x70: {  	_ =	shalt  }
0x71: {  	_ =	shalt  }
0x72: {  	_ =	shalt  }
0x73: {  	_ =	shalt  }
0x74: {  	_ =	shalt  }
0x75: {  	_ =	shalt  }
0x76: {  	_ =	shalt  }
0x77: {  	_ =	shalt  }
0x78: {  	_ =	shalt  }
0x79: {  	_ =	shalt  }
0x7a: {  	_ =	shalt  }
0x7b: {  	_ =	shalt  }
0x7c: {  	_ =	shalt  }
0x7d: {  	_ =	shalt  }
0x7e: {  	_ =	shalt  }
0x7f: {  	_ =	shalt  }
0x80: {  	_ =	shalt  }
0x81: {  	_ =	shalt  }
0x82: {  	_ =	shalt  }
0x83: {  	_ =	shalt  }
0x84: {  	_ =	shalt  }
0x85: {  	_ =	shalt  }
0x86: {  	_ =	shalt  }
0x87: {  	_ =	shalt  }
.Lfunc_end0:
.L_simem_size_0:
called_computation_lowered:
.L_overlay_start_0:
0x88: {  	s2 =	sld [smem:$0x3FD9]  }
0x89: {  	s3 =	sld [smem:$0x3FFE];
	_ =	sdelay $0x1  }
0x8a: {  	s1 =	srdreg.scid  }
0x8b: {  	s0 =	sand.u32 $0x1, s1  }
0x8c: {  	s17 =	sshll.u32 s0, $0xA;
	s2 =	sadd.s32 s3, s2  }
0x8d: {  	s2 =	sadd.s32 s2, s17  }
0x8e: {  	[smem:$0x3FC5] =	sst s2  }
0x8f: {  	_ = 	snop  }
0x90: {  	s2 =	sld [smem:$0x3FC9]  }
0x91: {  	s18 =	sld [smem:$0x3FC8];
	(tm) =	ssettm $0x1  }
0x92: {  	s4 =	sld [smem:$0x3FFB];
	_ =	sdelay $0x3  }
0x93: {  	_ =	strace s4  }
0x94: {  	s4 =	sld [smem:$0x3FFC];
	_ =	sdelay $0x3  }
0x95: {  	_ =	strace s4  }
0x96: {  	s4 =	sld [smem:$0x3FFD];
	_ =	sdelay $0x3  }
0x97: {  	_ =	strace s4  }
0x98: {  	_ =	strace $0x8FFFFFFF  }
0x99: {  	s19 =	sld [smem:$0x3FDB];
	_ =	sdelay $0x1  }
0x9a: {  	s5 =	simm.s32 $_scs_section_size  }
0x9b: {  	s6 =	simm.s32 $_size__tile_overlayer_lowered;
	s7 =	simm.s32 $_tile_overlayer_lowered  }
0x9c: {  	s22 =	simm.s32 $0x1BFF;
	s21 =	sshll.u32 s7, $0x1;
	s4 =	sadd.s32 s5, s19  }
0x9d: {  	s8 =	simm.s32 $0x0;
	s20 =	sshll.u32 s6, $0x1;
	s6 =	sadd.s32 s21, s4  }
0x9e: {  	[timem:s8], [sflag:s22] =	dma.local [hbm:s6], s20  }
0x9f: {  	_ =	swait.ge [sflag:s22], s20  }
0xa0: {  	s5 =	ssub.s32 $0x0, s20;
	[sflag:s22] =	ssyncset.done $0x0  }
0xa1: {  	[sflag:s22] =	ssyncadd.s32 s5;
	_ =	sdelay $0x1  }
0xa2: {  	s23 =	simm.s32 $0x1B8B  }
0xa3: {  	_ =	swait.ge [sflag:s23], $0x1  }
0xa4: {  	[sflag:s23] =	ssyncset.done $0x0  }
0xa5: {  	s25 =	simm.s32 $0x1B8E;
	s24 =	sld [smem:$0x3FFE];
	[sflag:s23] =	ssyncadd.s32 $0xFFFFFFFF  }
0xa6: {  	s26 =	simm.s32 $execute0_lowered;
	[smem:$0x3FD2] =	sst s25  }
0xa7: {  	s6 =	sshll.u32 s26, $0x1;
	_ =	strace $0x80000046;
	[dreg:$0x1] =	wrdreg $0xFFFFFFFF  }
0xa8: {  	s28 =	simm.s32 $_size_execute0_lowered;
	s4 =	sadd.s32 s4, s6;
	[dreg:$0x0] =	wrdreg $0x0  }
0xa9: {  	s6 =	sshll.u32 s28, $0x1;
	[dreg:$0x2] =	wrdreg s4  }
0xaa: {  	[dreg:$0x3] =	wrdreg s6  }
0xab: {  	[dreg:$0x4] =	wrdreg $0xC0  }
0xac: {  	_ =	task [dreg:s8], $0x5FFFF  }
0xad: {  	[dreg:$0x1] =	wrdreg $0xFFFFFFFF  }
0xae: {  	[dreg:$0x0] =	wrdreg $0x60  }
0xaf: {  	[dreg:$0x2] =	wrdreg s2  }
0xb0: {  	[dreg:$0x3] =	wrdreg s18  }
0xb1: {  	[dreg:$0x4] =	wrdreg s24  }
0xb2: {  	[dreg:$0x5] =	wrdreg $0x9  }
0xb3: {  	_ =	task.clear_ibuf [dreg:s8], $0x6FFFF;
	_ =	strace $0x90000046  }
0xb4: {  	s29 =	simm.s32 $0x9;
	_ =	strace $0x80000048  }
0xb5: {  	_ =	swait.ge [sflag:s29], $0x1  }
0xb6: {  	[sflag:s29] =	ssyncadd.s32 $0xFFFFFFFF  }
0xb7: {  	_ =	strace $0x90000048  }
0xb8: {  	_ =	sfence  }
0xb9: {  	s30 =	sld [smem:$0x0];
	_ =	sdelay $0x2  }
0xba: {  	s31 =	sshll.u32 s1, $0xD;
	s1 =	sshrl.u32 s1, $0x2  }
0xbb: {  	s3 =	sand.u32 $0x4000, s31;
	s1 =	sadd.s32 s1, s30  }
0xbc: {  	s0 =	sor.u32 s3, s0;
	s1 =	sshll.u32 s1, $0x11  }
0xbd: {  	s0 =	sor.u32 s1, s0  }
0xbe: {  	s0 =	sadd.s32 $0x8F2B, s0  }
0xbf: {  	[sflag:s0] =	ssyncadd.remote.s32 $0x1  }
0xc0: {  	_ =	sfence.sel $0xFFFF  }
0xc1: {  	[dreg:$0x0] =	wrdreg $0xFFFFFFFF;
	(pc) =	sbr.abs _section_cstart, $3  }
0xc2: {  	[dreg:$0x1] =	wrdreg $0xFFFFFFFF  }
0xc3: {  	_ =	task.clear_ibuf [dreg:s8], $0x2FFFF;
	_ =	strace $0x9FFFFFFF  }
0xc4: {  	(tm) =	ssettm $0x7FFFFFFF  }
0xc5: {  	_ =	shalt  }
tec
execute0_lowered:
.L_overlay_start_1:
0x0: {  	(tag) =	ssettag $0x1  }
0x1: {  	s7 =	rddreg [dreg:$0x0]  }
0x2: {  	s0 =	rddreg [dreg:$0x2]  }
0x3: {  	s1 =	srdreg.scid;
	s8 =	stileid.u32  }
0x4: {  	s4 =	simm.s32 $0x0;
	s31 =	simm.s32 $0x4;
	s30 =	simm.s32 $0x2  }
0x5: {  	s1 =	sand.u32 $0x1, s1;
	s2 =	sshll.u32 s8, $0x1;
	[smem:$0x7FF] =	sst s4  }
0x6: {  	s26 =	smul.u32 $0x1860, s8;
	p0 =	slt.u32 s8, $0xA;
	s2 =	sor.u32 s1, s2  }
0x7: {  	_ =	strace $0x80000047;
	s6 =	ssub.s32 $0x2, s1;
	s1 =	smul.u32 $0xC30, s1  }
0x8: {  	s3 =	sshll.u32 s2, $0x7;
	s5 =	smin.u32 s2, $0x13;
	s2 =	smul.u32 $0xC300, s2  }
0x9: {  	s20 =	sshrl.u32 s6, $0x1;
	s5 =	sshll.u32 s5, $0x3;
	s0 =	sadd.s32 s3, s0  }
0xa: {  	s3 =	ssub.s32 s6, s20;
	s18 =	sadd.s32 s1, s26;
	s1 =	simm.s32 $0x1  }
0xb: {  	s5 =	sor.u32 $0x18600, s5;
	s6 =	sadd.s32 s7, s2;
	s17 =	sadd.s32 $0x800, s0  }
0xc: {  	s19 =	smax.u32 s3, $0x1;
	s20 =	sadd.s32 $0x138, s18;
	s26 =	sadd.s32 $0x888, s18  }
0xd: {  	s28 =	sadd.s32 $0x9C0, s18;
	s29 =	sadd.s32 $0xAF8, s18;
	s3 =	simm.s32 $0x3  }
0xe: {  	s0 =	simm.s32 $0x9C00;
	s21 =	sshll.u32 s5, $0x4;
	s22 =	sadd.s32 $0x1380, s6  }
0xf: {  	s23 =	sadd.s32 $0x2700, s6;
	s24 =	sadd.s32 $0x3A80, s6;
	s25 =	sadd.s32 $0x4E00, s6  }
0x10: {  	v0 =	vlaneseq.u32;
	s12 =	sadd.s32 $0x6180, s6;
	s13 =	sadd.s32 $0x7500, s6;
	[dreg:$0x5] =	wrdreg s22  }
0x11: {  	v0 =	vmul.u32 $0x81, v0;
	s14 =	sadd.s32 $0x8880, s6;
	s15 =	sadd.s32 $0x9C00, s6;
	[dreg:$0x6] =	wrdreg s23  }
0x12: {  	s16 =	sadd.s32 $0xAF80, s6;
	s2 =	sadd.s32 s7, s21;
	[dreg:$0x7] =	wrdreg s24  }
0x13: {  	v1 =	vimm.s32 $0x1;
	v9 =	vimm.s32 $0x0;
	v2 =	vadd.s32 $0x810, v0;
	[dreg:$0x8] =	wrdreg s25;
	s21 =	sadd.s32 $0x270, s18;
	s22 =	sadd.s32 $0x3A8, s18  }
0x14: {  	v3 =	vadd.s32 $0x1020, v0;
	v4 =	vadd.s32 $0x1830, v0;
	v5 =	vadd.s32 $0x2040, v0;
	s23 =	sadd.s32 $0x4E0, s18;
	s24 =	sadd.s32 $0x618, s18;
	s25 =	sadd.s32 $0x750, s18  }
0x15: {  	v6 =	vadd.s32 $0x2850, v0;
	v7 =	vadd.s32 $0x3060, v0;
	v8 =	vadd.s32 $0x3870, v0;
	s7 =	simm.s32 $0x0;
	[dreg:$0x4] =	wrdreg s2;
	s2 =	simm.s32 $0x13800  }
.LBB2_1:
0x16: {  	s8 =	rddreg [dreg:$0x1];
	s9 =	simm.s32 $0x17800  }
0x17: {  	[tilespmem:s9], [sflag:$0x4] =	stream.linear.gather [hbm4b:s8+s4], $0x80, $0x38;
	[tilespmem:$0x18080] =	vst v63  }
0x18: {  	_ =	swait.ge [sflag:s31], $0x80  }
0x19: {  	[sflag:s31] =	ssyncset.done $0x0  }
0x1a: {  	[sflag:s31] =	ssyncadd.s32 $0xFFFFFF80  }
0x1b: {  	s10 =	simm.s32 $0x80;
	s11 =	rddreg [dreg:$0x0]  }
0x1c: {  	[tilespmem:s2], [sflag:$0x3] =	stream.indirect.gather [hbm4b:s11+s10], $0x80, s9, s10, $0xb8;
	[tilespmem:$0x18080] =	vst v63  }
0x1d: {  	_ =	swait.ge [sflag:s3], $0x4000  }
0x1e: {  	[sflag:s3] =	ssyncset.done $0x0  }
0x1f: {  	[sflag:s3] =	ssyncadd.s32 $0xFFFFC000  }
0x20: {  	v18 =	vld.idx.msk [tilespmem:v0+s2+$0x0], $0xffff  }
0x21: {  	v10 =	vld [tilespmem:$0x17800]  }
0x22: {  	v19 =	vld.idx.msk [tilespmem:v2+s2+$0x0], $0xffff  }
0x23: {  	v11 =	vld [tilespmem:$0x17810]  }
0x24: {  	v20 =	vld.idx.msk [tilespmem:v3+s2+$0x0], $0xffff  }
0x25: {  	v12 =	vld [tilespmem:$0x17820]  }
0x26: {  	v21 =	vld.idx.msk [tilespmem:v4+s2+$0x0], $0xffff  }
0x27: {  	v13 =	vld [tilespmem:$0x17830]  }
0x28: {  	v22 =	vld.idx.msk [tilespmem:v5+s2+$0x0], $0xffff  }
0x29: {  	v14 =	vld [tilespmem:$0x17840]  }
0x2a: {  	v23 =	vld.idx.msk [tilespmem:v6+s2+$0x0], $0xffff  }
0x2b: {  	v15 =	vld [tilespmem:$0x17850]  }
0x2c: {  	v24 =	vld.idx.msk [tilespmem:v7+s2+$0x0], $0xffff;
	vm0 =	vgt.f32 v18, $0.0e+00  }
0x2d: {  	v16 =	vld [tilespmem:$0x17860];
	vm11 =	vgt.f32 v19, $0.0e+00;
	v17 =	vsel vm0, $0xFFFFFFFF, v1  }
0x2e: {  	v25 =	vld.idx.msk [tilespmem:v8+s2+$0x0], $0xffff;
	v26 =	vadd.s32 v18, v17;
	v17 =	vsel vm11, $0xFFFFFFFF, v1  }
0x2f: {  	v27 =	vadd.s32 v19, v17;
	v17 =	vld [tilespmem:$0x17870];
	[tilespmem:s4], [sflag:$0x1] =	stream.linear.gather [hbm4b:s6+s4], $0x9C00, $0x38  }
0x30: {  	s11 =	simm.s32 $0x17880;
	s10 =	rddreg [dreg:$0x4];
	vm1 =	veq.f32 v18, $0.0e+00;
	vm12 =	veq.f32 v19, $0.0e+00;
	vm2 =	vgt.f32 v20, $0.0e+00  }
0x31: {  	vm13 =	veq.f32 v20, $0.0e+00;
	vm14 =	vgt.f32 v21, $0.0e+00;
	vm15 =	vgt.f32 v22, $0.0e+00;
	[tilespmem:s11], [sflag:$0x3] =	stream.linear.gather [hbm4b:s10+s4], $0x400, $0x38;
	[tilespmem:$0x18080] =	vst v63  }
0x32: {  	s9 =	rddreg [dreg:$0x5];
	vm4 =	veq.f32 v21, $0.0e+00;
	vm5 =	veq.f32 v22, $0.0e+00;
	vm6 =	vgt.f32 v23, $0.0e+00  }
0x33: {  	vm7 =	veq.f32 v23, $0.0e+00;
	vm8 =	vgt.f32 v24, $0.0e+00;
	vm9 =	vgt.f32 v25, $0.0e+00;
	[tilespmem:s0], [sflag:$0x2] =	stream.linear.gather [hbm4b:s9+s4], $0x9C00, $0x38;
	[tilespmem:$0x18080] =	vst v63  }
0x34: {  	vm10 =	veq.f32 v24, $0.0e+00;
	v28 =	vsel vm2, $0xFFFFFFFF, v1;
	v29 =	vsel vm14, $0xFFFFFFFF, v1;
	_ =	swait.ge [sflag:s1], $0x9C00  }
0x35: {  	v30 =	vsel vm15, $0xFFFFFFFF, v1;
	v31 =	vsel vm6, $0xFFFFFFFF, v1;
	v32 =	vsel vm8, $0xFFFFFFFF, v1;
	[sflag:s1] =	ssyncset.done $0x0  }
0x36: {  	v33 =	vsel vm9, $0xFFFFFFFF, v1;
	v28 =	vadd.s32 v20, v28;
	v29 =	vadd.s32 v21, v29;
	s10 =	simm.s32 $0x40;
	[sflag:s1] =	ssyncadd.s32 $0xFFFF6400  }
0x37: {  	v30 =	vadd.s32 v22, v30;
	v31 =	vadd.s32 v23, v31;
	v32 =	vadd.s32 v24, v32;
	v34 =	vld [tilespmem:s10+$0x30]  }
0x38: {  	v33 =	vadd.s32 v25, v33;
	vm11 =	veq.f32 v25, $0.0e+00;
	v26 =	vsel vm1, $0x80000001, v26;
	v35 =	vld [tilespmem:s10+$0xFFFFFFC0]  }
0x39: {  	v28 =	vsel vm13, $0x80000001, v28;
	v29 =	vsel vm4, $0x80000001, v29;
	v30 =	vsel vm5, $0x80000001, v30;
	s11 =	sadd.s32 $0x0, s18;
	v38 =	vld [tilespmem:s10+$0xFFFFFFD0]  }
0x3a: {  	v31 =	vsel vm7, $0x80000001, v31;
	v32 =	vsel vm10, $0x80000001, v32;
	v36 =	vmov s11;
	v39 =	vld [tilespmem:s10+$0xFFFFFFE0]  }
0x3b: {  	v33 =	vsel vm11, $0x80000001, v33;
	v27 =	vsel vm12, $0x80000001, v27;
	vm12 =	vlt.s32 v36, v10;
	v40 =	vld [tilespmem:s10+$0xFFFFFFF0]  }
0x3c: {  	vm13 =	vlt.s32 v36, v11;
	vm3 =	vlt.s32 v36, v12;
	vm4 =	vlt.s32 v36, v13;
	v41 =	vld [tilespmem:s10+$0x0]  }
0x3d: {  	vm15 =	vlt.s32 v36, v14;
	vm5 =	vlt.s32 v36, v15;
	vm8 =	vlt.s32 v36, v16;
	v42 =	vld [tilespmem:s10+$0x10]  }
0x3e: {  	vm14 =	vlt.s32 v36, v17;
	v58 =	vsel vm12, v26, v18;
	v43 =	vsel vm13, v27, v19;
	v45 =	vld [tilespmem:s10+$0x20]  }
0x3f: {  	v44 =	vsel vm3, v28, v20;
	v60 =	vsel vm4, v29, v21;
	v46 =	vsel vm15, v30, v22  }
0x40: {  	v47 =	vsel vm5, v31, v23;
	v61 =	vsel vm8, v32, v24;
	v37 =	vsel vm14, v33, v25  }
0x41: {  	vm6 =	vgt.f32 v34, v37;
	vm9 =	vgt.f32 v35, v58;
	vm10 =	vgt.f32 v38, v43  }
0x42: {  	vm11 =	vgt.f32 v39, v44;
	vm12 =	vgt.f32 v40, v60;
	vm13 =	vgt.f32 v41, v46  }
0x43: {  	vm14 =	vgt.f32 v42, v47;
	vm15 =	vgt.f32 v45, v61;
	v38 =	vimm.s32 $0x0  }
0x44: {  	v40 =	vimm.s32 $0x0;
	v41 =	vimm.s32 $0x0;
	v39 =	vimm.s32 $0x0  }
0x45: {  	v59 =	vsel vm6, $0x1, v9;
	v35 =	vsel vm9, $0x1, v9;
	v62 =	vsel vm10, $0x1, v9  }
0x46: {  	v63 =	vsel vm11, $0x1, v9;
	v44 =	vsel vm12, $0x1, v9;
	v45 =	vsel vm13, $0x1, v9  }
0x47: {  	s8 =	simm.s32 $0xC0;
	v46 =	vsel vm14, $0x1, v9;
	v43 =	vsel vm15, $0x1, v9;
	v37 =	vadd.s32 v59, v9  }
0x48: {  	s9 =	simm.s32 $0x2;
	s10 =	simm.s32 $0x1;
	v42 =	vld [tilespmem:s8+$0x30];
	v34 =	vadd.s32 v35, v9;
	v36 =	vadd.s32 v62, v9;
	v35 =	vadd.s32 v63, v9  }
.LBB2_2:
0x49: {  	p1 =	sne.s32 s9, $0x137;
	s11 =	sadd.s32 s10, s18;
	v47 =	vld [tilespmem:s8+$0xFFFFFFC0];
	v38 =	vadd.s32 v44, v38;
	v40 =	vadd.s32 v45, v40;
	v41 =	vadd.s32 v46, v41;
	s10 =	smov.u32 s9  }
0x4a: {  	v39 =	vadd.s32 v43, v39;
	v44 =	vmov s11;
	v45 =	vld [tilespmem:s8+$0xFFFFFFD0]  }
0x4b: {  	vm0 =	vlt.s32 v44, v10;
	vm1 =	vlt.s32 v44, v11;
	v43 =	vld [tilespmem:s8+$0xFFFFFFE0];
	vm2 =	vlt.s32 v44, v17  }
0x4c: {  	vm3 =	vlt.s32 v44, v12;
	vm4 =	vlt.s32 v44, v13;
	v46 =	vld [tilespmem:s8+$0xFFFFFFF0];
	v48 =	vsel vm2, v33, v25  }
0x4d: {  	vm5 =	vlt.s32 v44, v15;
	vm2 =	vlt.s32 v44, v14;
	v49 =	vld [tilespmem:s8+$0x0];
	vm6 =	vgt.f32 v42, v48  }
0x4e: {  	v42 =	vsel vm0, v26, v18;
	vm0 =	vlt.s32 v44, v16;
	v48 =	vld [tilespmem:s8+$0x10];
	v44 =	vsel vm6, $0x1, v9  }
0x4f: {  	v50 =	vsel vm1, v27, v19;
	v51 =	vsel vm3, v28, v20;
	v52 =	vld [tilespmem:s8+$0x20];
	v37 =	vadd.s32 v44, v37  }
0x50: {  	v54 =	vsel vm5, v31, v23;
	v53 =	vsel vm2, v30, v22;
	v44 =	vsel vm4, v29, v21  }
0x51: {  	vm1 =	vgt.f32 v47, v42;
	v42 =	vsel vm0, v32, v24;
	vm2 =	vgt.f32 v45, v50  }
.Ltmp0:
0x52: {  	vm0 =	vgt.f32 v43, v51;
	vm3 =	vgt.f32 v46, v44;
	vm4 =	vgt.f32 v49, v53;
	(pc) =	sbr.rel @p1 .LBB2_2-.Ltmp0, $4  }
0x53: {  	v47 =	vsel vm1, $0x1, v9;
	v49 =	vsel vm2, $0x1, v9;
	vm1 =	vgt.f32 v48, v54  }
0x54: {  	v44 =	vsel vm3, $0x1, v9;
	v48 =	vsel vm0, $0x1, v9;
	vm0 =	vgt.f32 v52, v42  }
0x55: {  	s8 =	sadd.s32 $0x80, s8;
	v45 =	vsel vm4, $0x1, v9;
	v46 =	vsel vm1, $0x1, v9;
	v43 =	vsel vm0, $0x1, v9  }
0x56: {  	s9 =	sadd.s32 $0x1, s9;
	v34 =	vadd.s32 v47, v34;
	v36 =	vadd.s32 v49, v36;
	v35 =	vadd.s32 v48, v35;
	v42 =	vld [tilespmem:s8+$0x30]  }
0x57: {  	s9 =	sadd.s32 s10, s18;
	v38 =	vadd.s32 v44, v38;
	v60 =	vld [tilespmem:s8+$0xFFFFFFC0]  }
0x58: {  	v40 =	vadd.s32 v45, v40;
	v41 =	vadd.s32 v46, v41;
	v62 =	vld [tilespmem:s8+$0xFFFFFFD0];
	v61 =	vmov s9  }
0x59: {  	v43 =	vadd.s32 v43, v39;
	v63 =	vld [tilespmem:s8+$0xFFFFFFE0];
	vm0 =	vlt.s32 v61, v10;
	vm1 =	vlt.s32 v61, v11  }
0x5a: {  	v47 =	vld [tilespmem:s8+$0xFFFFFFF0];
	vm2 =	vlt.s32 v61, v17;
	vm3 =	vlt.s32 v61, v12;
	vm4 =	vlt.s32 v61, v13  }
0x5b: {  	v49 =	vld [tilespmem:s8+$0x0];
	vm9 =	vlt.s32 v61, v14;
	vm5 =	vlt.s32 v61, v15;
	vm10 =	vlt.s32 v61, v16  }
0x5c: {  	v58 =	vld [tilespmem:s8+$0x10];
	v48 =	vsel vm2, v33, v25;
	v57 =	vsel vm0, v26, v18;
	v50 =	vsel vm1, v27, v19  }
0x5d: {  	v51 =	vsel vm3, v28, v20;
	v59 =	vsel vm4, v29, v21;
	vm6 =	vgt.f32 v42, v48  }
0x5e: {  	v52 =	vld [tilespmem:s8+$0x20];
	s10 =	simm.s32 $0x0;
	s11 =	rddreg [dreg:$0x6];
	v53 =	vsel vm9, v30, v22;
	v54 =	vsel vm5, v31, v23;
	v48 =	vsel vm6, $0x1, v9  }
0x5f: {  	[tilespmem:s10], [sflag:$0x1] =	stream.linear.gather [hbm4b:s11+s10], $0x9C00, $0x38;
	vm11 =	vgt.f32 v60, v57;
	vm12 =	vgt.f32 v62, v50;
	v60 =	vsel vm10, v32, v24;
	[tilespmem:$0x18080] =	vst v63  }
0x60: {  	s11 =	sadd.s32 $0x0, s20;
	vm13 =	vgt.f32 v63, v51;
	vm14 =	vgt.f32 v47, v59;
	vm15 =	vgt.f32 v49, v53  }
0x61: {  	vm7 =	vgt.f32 v58, v54;
	v58 =	vmov s11;
	v37 =	vadd.s32 v48, v37  }
0x62: {  	_ =	swait.ge [sflag:s30], $0x9C00;
	v61 =	vsel vm11, $0x1, v9;
	v62 =	vsel vm12, $0x1, v9;
	v63 =	vsel vm13, $0x1, v9  }
0x63: {  	[sflag:s30] =	ssyncset.done $0x0;
	v53 =	vsel vm14, $0x1, v9;
	vm8 =	vgt.f32 v52, v60;
	v54 =	vsel vm15, $0x1, v9  }
0x64: {  	s10 =	simm.s32 $0x9C40;
	[sflag:s30] =	ssyncadd.s32 $0xFFFF6400;
	v55 =	vsel vm7, $0x1, v9;
	vm0 =	vlt.s32 v58, v10;
	vm9 =	vlt.s32 v58, v11  }
0x65: {  	v57 =	vld [tilespmem:s10+$0x30];
	vm10 =	vlt.s32 v58, v17;
	vm11 =	vlt.s32 v58, v12;
	vm12 =	vlt.s32 v58, v13  }
0x66: {  	v42 =	vld [tilespmem:s10+$0xFFFFFFD0];
	vm13 =	vlt.s32 v58, v14;
	vm14 =	vlt.s32 v58, v15;
	v56 =	vsel vm8, $0x1, v9  }
0x67: {  	v47 =	vld [tilespmem:s10+$0x0];
	v34 =	vadd.s32 v61, v34;
	v49 =	vadd.s32 v62, v36;
	v50 =	vadd.s32 v63, v35  }
0x68: {  	v45 =	vld [tilespmem:s10+$0xFFFFFFF0];
	v39 =	vadd.s32 v53, v38;
	v35 =	vadd.s32 v54, v40;
	v40 =	vadd.s32 v55, v41  }
0x69: {  	v46 =	vld [tilespmem:s10+$0x10];
	v59 =	vsel vm10, v33, v25;
	v60 =	vsel vm0, v26, v18;
	vm8 =	vlt.s32 v58, v16  }
0x6a: {  	v38 =	vld [tilespmem:s10+$0xFFFFFFC0];
	v62 =	vsel vm9, v27, v19;
	v63 =	vsel vm11, v28, v20;
	v58 =	vsel vm13, v30, v22  }
0x6b: {  	v36 =	vadd.s32 v56, v43;
	v43 =	vld [tilespmem:s10+$0xFFFFFFE0];
	vm15 =	vgt.f32 v57, v59;
	v57 =	vsel vm12, v29, v21  }
0x6c: {  	v52 =	vld [tilespmem:s10+$0x20];
	v59 =	vsel vm14, v31, v23;
	vm10 =	vgt.f32 v42, v62;
	vm13 =	vgt.f32 v47, v58  }
0x6d: {  	v61 =	vsel vm15, $0x1, v9;
	vm12 =	vgt.f32 v45, v57;
	v62 =	vsel vm10, $0x1, v9  }
0x6e: {  	vm14 =	vgt.f32 v46, v59;
	v45 =	vsel vm13, $0x1, v9;
	v41 =	vadd.s32 v61, v37  }
0x6f: {  	vm9 =	vgt.f32 v38, v60;
	v60 =	vsel vm8, v32, v24;
	v44 =	vsel vm12, $0x1, v9  }
0x70: {  	v46 =	vsel vm14, $0x1, v9;
	v38 =	vadd.s32 v62, v49;
	vm11 =	vgt.f32 v43, v63  }
0x71: {  	s8 =	simm.s32 $0x9CC0;
	v61 =	vsel vm9, $0x1, v9;
	vm15 =	vgt.f32 v52, v60;
	v63 =	vsel vm11, $0x1, v9  }
0x72: {  	s9 =	simm.s32 $0x2;
	s10 =	simm.s32 $0x1;
	v42 =	vld [tilespmem:s8+$0x30];
	v43 =	vsel vm15, $0x1, v9;
	v37 =	vadd.s32 v61, v34;
	v34 =	vadd.s32 v63, v50  }
.LBB2_4:
0x73: {  	p1 =	sne.s32 s9, $0x137;
	s11 =	sadd.s32 s10, s20;
	v47 =	vld [tilespmem:s8+$0xFFFFFFC0];
	v39 =	vadd.s32 v44, v39;
	v35 =	vadd.s32 v45, v35;
	v40 =	vadd.s32 v46, v40;
	s10 =	smov.u32 s9  }
0x74: {  	v36 =	vadd.s32 v43, v36;
	v44 =	vmov s11;
	v45 =	vld [tilespmem:s8+$0xFFFFFFD0]  }
0x75: {  	vm0 =	vlt.s32 v44, v10;
	vm1 =	vlt.s32 v44, v11;
	v43 =	vld [tilespmem:s8+$0xFFFFFFE0];
	vm2 =	vlt.s32 v44, v17  }
0x76: {  	vm3 =	vlt.s32 v44, v12;
	vm4 =	vlt.s32 v44, v13;
	v46 =	vld [tilespmem:s8+$0xFFFFFFF0];
	v48 =	vsel vm2, v33, v25  }
0x77: {  	vm5 =	vlt.s32 v44, v15;
	vm2 =	vlt.s32 v44, v14;
	v49 =	vld [tilespmem:s8+$0x0];
	vm6 =	vgt.f32 v42, v48  }
0x78: {  	v42 =	vsel vm0, v26, v18;
	vm0 =	vlt.s32 v44, v16;
	v48 =	vld [tilespmem:s8+$0x10];
	v44 =	vsel vm6, $0x1, v9  }
0x79: {  	v50 =	vsel vm1, v27, v19;
	v51 =	vsel vm3, v28, v20;
	v52 =	vld [tilespmem:s8+$0x20];
	v41 =	vadd.s32 v44, v41  }
0x7a: {  	v54 =	vsel vm5, v31, v23;
	v53 =	vsel vm2, v30, v22;
	v44 =	vsel vm4, v29, v21  }
0x7b: {  	vm1 =	vgt.f32 v47, v42;
	v42 =	vsel vm0, v32, v24;
	vm2 =	vgt.f32 v45, v50  }
.Ltmp1:
0x7c: {  	vm0 =	vgt.f32 v43, v51;
	vm3 =	vgt.f32 v46, v44;
	vm4 =	vgt.f32 v49, v53;
	(pc) =	sbr.rel @p1 .LBB2_4-.Ltmp1, $4  }
0x7d: {  	v47 =	vsel vm1, $0x1, v9;
	v49 =	vsel vm2, $0x1, v9;
	vm1 =	vgt.f32 v48, v54  }
0x7e: {  	v44 =	vsel vm3, $0x1, v9;
	v48 =	vsel vm0, $0x1, v9;
	vm0 =	vgt.f32 v52, v42  }
0x7f: {  	s8 =	sadd.s32 $0x80, s8;
	v45 =	vsel vm4, $0x1, v9;
	v46 =	vsel vm1, $0x1, v9;
	v43 =	vsel vm0, $0x1, v9  }
0x80: {  	s9 =	sadd.s32 $0x1, s9;
	v37 =	vadd.s32 v47, v37;
	v38 =	vadd.s32 v49, v38;
	v34 =	vadd.s32 v48, v34;
	v42 =	vld [tilespmem:s8+$0x30]  }
0x81: {  	s9 =	sadd.s32 s10, s20;
	v39 =	vadd.s32 v44, v39;
	v60 =	vld [tilespmem:s8+$0xFFFFFFC0]  }
0x82: {  	v35 =	vadd.s32 v45, v35;
	v40 =	vadd.s32 v46, v40;
	v62 =	vld [tilespmem:s8+$0xFFFFFFD0];
	v61 =	vmov s9  }
0x83: {  	v36 =	vadd.s32 v43, v36;
	v63 =	vld [tilespmem:s8+$0xFFFFFFE0];
	vm0 =	vlt.s32 v61, v10;
	vm1 =	vlt.s32 v61, v11  }
0x84: {  	v47 =	vld [tilespmem:s8+$0xFFFFFFF0];
	vm2 =	vlt.s32 v61, v17;
	vm3 =	vlt.s32 v61, v12;
	vm4 =	vlt.s32 v61, v13  }
0x85: {  	v49 =	vld [tilespmem:s8+$0x0];
	vm9 =	vlt.s32 v61, v14;
	vm5 =	vlt.s32 v61, v15;
	vm10 =	vlt.s32 v61, v16  }
0x86: {  	v58 =	vld [tilespmem:s8+$0x10];
	v48 =	vsel vm2, v33, v25;
	v57 =	vsel vm0, v26, v18;
	v50 =	vsel vm1, v27, v19  }
0x87: {  	v51 =	vsel vm3, v28, v20;
	v59 =	vsel vm4, v29, v21;
	vm6 =	vgt.f32 v42, v48  }
0x88: {  	v52 =	vld [tilespmem:s8+$0x20];
	s10 =	simm.s32 $0x0;
	s11 =	rddreg [dreg:$0x7];
	v53 =	vsel vm9, v30, v22;
	v54 =	vsel vm5, v31, v23;
	v48 =	vsel vm6, $0x1, v9  }
0x89: {  	[tilespmem:s0], [sflag:$0x2] =	stream.linear.gather [hbm4b:s11+s10], $0x9C00, $0x38;
	vm11 =	vgt.f32 v60, v57;
	vm12 =	vgt.f32 v62, v50;
	v60 =	vsel vm10, v32, v24;
	[tilespmem:$0x18080] =	vst v63  }
0x8a: {  	s11 =	sadd.s32 $0x0, s21;
	_ =	swait.ge [sflag:s1], $0x9C00;
	vm13 =	vgt.f32 v63, v51;
	vm14 =	vgt.f32 v47, v59;
	vm15 =	vgt.f32 v49, v53  }
0x8b: {  	[sflag:s1] =	ssyncset.done $0x0;
	vm7 =	vgt.f32 v58, v54;
	v58 =	vmov s11;
	v41 =	vadd.s32 v48, v41  }
0x8c: {  	s10 =	simm.s32 $0x40;
	[sflag:s1] =	ssyncadd.s32 $0xFFFF6400;
	v61 =	vsel vm11, $0x1, v9;
	v62 =	vsel vm12, $0x1, v9;
	v63 =	vsel vm13, $0x1, v9  }
0x8d: {  	v57 =	vld [tilespmem:s10+$0x30];
	v53 =	vsel vm14, $0x1, v9;
	vm8 =	vgt.f32 v52, v60;
	v54 =	vsel vm15, $0x1, v9  }
0x8e: {  	v42 =	vld [tilespmem:s10+$0xFFFFFFC0];
	v55 =	vsel vm7, $0x1, v9;
	vm0 =	vlt.s32 v58, v10;
	vm9 =	vlt.s32 v58, v11  }
0x8f: {  	v45 =	vld [tilespmem:s10+$0xFFFFFFD0];
	vm10 =	vlt.s32 v58, v17;
	vm11 =	vlt.s32 v58, v12;
	vm12 =	vlt.s32 v58, v13  }
0x90: {  	v46 =	vld [tilespmem:s10+$0xFFFFFFE0];
	vm13 =	vlt.s32 v58, v14;
	vm14 =	vlt.s32 v58, v15;
	v56 =	vsel vm8, $0x1, v9  }
0x91: {  	v47 =	vld [tilespmem:s10+$0xFFFFFFF0];
	v37 =	vadd.s32 v61, v37;
	v38 =	vadd.s32 v62, v38;
	v34 =	vadd.s32 v63, v34  }
0x92: {  	v49 =	vld [tilespmem:s10+$0x0];
	v39 =	vadd.s32 v53, v39;
	v35 =	vadd.s32 v54, v35;
	v40 =	vadd.s32 v55, v40  }
0x93: {  	v48 =	vld [tilespmem:s10+$0x10];
	v59 =	vsel vm10, v33, v25;
	v60 =	vsel vm0, v26, v18;
	vm8 =	vlt.s32 v58, v16  }
0x94: {  	v52 =	vld [tilespmem:s10+$0x20];
	v62 =	vsel vm9, v27, v19;
	v63 =	vsel vm11, v28, v20;
	v58 =	vsel vm13, v30, v22  }
0x95: {  	v36 =	vadd.s32 v56, v36;
	vm15 =	vgt.f32 v57, v59;
	v57 =	vsel vm12, v29, v21  }
0x96: {  	v59 =	vsel vm14, v31, v23;
	vm9 =	vgt.f32 v42, v60;
	vm10 =	vgt.f32 v45, v62  }
0x97: {  	v60 =	vsel vm8, v32, v24;
	vm11 =	vgt.f32 v46, v63;
	vm13 =	vgt.f32 v49, v58  }
0x98: {  	v61 =	vsel vm15, $0x1, v9;
	vm12 =	vgt.f32 v47, v57;
	v62 =	vsel vm10, $0x1, v9  }
0x99: {  	vm14 =	vgt.f32 v48, v59;
	v63 =	vsel vm11, $0x1, v9;
	vm15 =	vgt.f32 v52, v60  }
0x9a: {  	v45 =	vsel vm13, $0x1, v9;
	v41 =	vadd.s32 v61, v41;
	v61 =	vsel vm9, $0x1, v9  }
0x9b: {  	s8 =	simm.s32 $0xC0;
	v44 =	vsel vm12, $0x1, v9;
	v46 =	vsel vm14, $0x1, v9;
	v43 =	vsel vm15, $0x1, v9  }
0x9c: {  	s9 =	simm.s32 $0x2;
	s10 =	simm.s32 $0x1;
	v42 =	vld [tilespmem:s8+$0x30];
	v38 =	vadd.s32 v62, v38;
	v34 =	vadd.s32 v63, v34;
	v37 =	vadd.s32 v61, v37  }
.LBB2_6:
0x9d: {  	p1 =	sne.s32 s9, $0x137;
	s11 =	sadd.s32 s10, s21;
	v47 =	vld [tilespmem:s8+$0xFFFFFFC0];
	v39 =	vadd.s32 v44, v39;
	v35 =	vadd.s32 v45, v35;
	v40 =	vadd.s32 v46, v40;
	s10 =	smov.u32 s9  }
0x9e: {  	v36 =	vadd.s32 v43, v36;
	v44 =	vmov s11;
	v45 =	vld [tilespmem:s8+$0xFFFFFFD0]  }
0x9f: {  	vm0 =	vlt.s32 v44, v10;
	vm1 =	vlt.s32 v44, v11;
	v43 =	vld [tilespmem:s8+$0xFFFFFFE0];
	vm2 =	vlt.s32 v44, v17  }
0xa0: {  	vm3 =	vlt.s32 v44, v12;
	vm4 =	vlt.s32 v44, v13;
	v46 =	vld [tilespmem:s8+$0xFFFFFFF0];
	v48 =	vsel vm2, v33, v25  }
0xa1: {  	vm5 =	vlt.s32 v44, v15;
	vm2 =	vlt.s32 v44, v14;
	v49 =	vld [tilespmem:s8+$0x0];
	vm6 =	vgt.f32 v42, v48  }
0xa2: {  	v42 =	vsel vm0, v26, v18;
	vm0 =	vlt.s32 v44, v16;
	v48 =	vld [tilespmem:s8+$0x10];
	v44 =	vsel vm6, $0x1, v9  }
0xa3: {  	v50 =	vsel vm1, v27, v19;
	v51 =	vsel vm3, v28, v20;
	v52 =	vld [tilespmem:s8+$0x20];
	v41 =	vadd.s32 v44, v41  }
0xa4: {  	v54 =	vsel vm5, v31, v23;
	v53 =	vsel vm2, v30, v22;
	v44 =	vsel vm4, v29, v21  }
0xa5: {  	vm1 =	vgt.f32 v47, v42;
	v42 =	vsel vm0, v32, v24;
	vm2 =	vgt.f32 v45, v50  }
.Ltmp2:
0xa6: {  	vm0 =	vgt.f32 v43, v51;
	vm3 =	vgt.f32 v46, v44;
	vm4 =	vgt.f32 v49, v53;
	(pc) =	sbr.rel @p1 .LBB2_6-.Ltmp2, $4  }
0xa7: {  	v47 =	vsel vm1, $0x1, v9;
	v49 =	vsel vm2, $0x1, v9;
	vm1 =	vgt.f32 v48, v54  }
0xa8: {  	v44 =	vsel vm3, $0x1, v9;
	v48 =	vsel vm0, $0x1, v9;
	vm0 =	vgt.f32 v52, v42  }
0xa9: {  	s8 =	sadd.s32 $0x80, s8;
	v45 =	vsel vm4, $0x1, v9;
	v46 =	vsel vm1, $0x1, v9;
	v43 =	vsel vm0, $0x1, v9  }
0xaa: {  	s9 =	sadd.s32 $0x1, s9;
	v37 =	vadd.s32 v47, v37;
	v38 =	vadd.s32 v49, v38;
	v34 =	vadd.s32 v48, v34;
	v42 =	vld [tilespmem:s8+$0x30]  }
0xab: {  	s9 =	sadd.s32 s10, s21;
	v39 =	vadd.s32 v44, v39;
	v60 =	vld [tilespmem:s8+$0xFFFFFFC0]  }
0xac: {  	v35 =	vadd.s32 v45, v35;
	v40 =	vadd.s32 v46, v40;
	v62 =	vld [tilespmem:s8+$0xFFFFFFD0];
	v61 =	vmov s9  }
0xad: {  	v36 =	vadd.s32 v43, v36;
	v63 =	vld [tilespmem:s8+$0xFFFFFFE0];
	vm0 =	vlt.s32 v61, v10;
	vm1 =	vlt.s32 v61, v11  }
0xae: {  	v47 =	vld [tilespmem:s8+$0xFFFFFFF0];
	vm2 =	vlt.s32 v61, v17;
	vm3 =	vlt.s32 v61, v12;
	vm4 =	vlt.s32 v61, v13  }
0xaf: {  	v49 =	vld [tilespmem:s8+$0x0];
	vm9 =	vlt.s32 v61, v14;
	vm5 =	vlt.s32 v61, v15;
	vm10 =	vlt.s32 v61, v16  }
0xb0: {  	v58 =	vld [tilespmem:s8+$0x10];
	v48 =	vsel vm2, v33, v25;
	v57 =	vsel vm0, v26, v18;
	v50 =	vsel vm1, v27, v19  }
0xb1: {  	v51 =	vsel vm3, v28, v20;
	v59 =	vsel vm4, v29, v21;
	vm6 =	vgt.f32 v42, v48  }
0xb2: {  	v52 =	vld [tilespmem:s8+$0x20];
	s10 =	simm.s32 $0x0;
	s11 =	rddreg [dreg:$0x8];
	v53 =	vsel vm9, v30, v22;
	v54 =	vsel vm5, v31, v23;
	v48 =	vsel vm6, $0x1, v9  }
0xb3: {  	[tilespmem:s10], [sflag:$0x1] =	stream.linear.gather [hbm4b:s11+s10], $0x9C00, $0x38;
	vm11 =	vgt.f32 v60, v57;
	vm12 =	vgt.f32 v62, v50;
	v60 =	vsel vm10, v32, v24;
	[tilespmem:$0x18080] =	vst v63  }
0xb4: {  	s11 =	sadd.s32 $0x0, s22;
	_ =	swait.ge [sflag:s30], $0x9C00;
	vm13 =	vgt.f32 v63, v51;
	vm14 =	vgt.f32 v47, v59;
	vm15 =	vgt.f32 v49, v53  }
0xb5: {  	[sflag:s30] =	ssyncset.done $0x0;
	vm7 =	vgt.f32 v58, v54;
	v58 =	vmov s11;
	v41 =	vadd.s32 v48, v41  }
0xb6: {  	s10 =	simm.s32 $0x9C40;
	[sflag:s30] =	ssyncadd.s32 $0xFFFF6400;
	v61 =	vsel vm11, $0x1, v9;
	v62 =	vsel vm12, $0x1, v9;
	v63 =	vsel vm13, $0x1, v9  }
0xb7: {  	v57 =	vld [tilespmem:s10+$0x30];
	v53 =	vsel vm14, $0x1, v9;
	vm8 =	vgt.f32 v52, v60;
	v54 =	vsel vm15, $0x1, v9  }
0xb8: {  	v42 =	vld [tilespmem:s10+$0xFFFFFFC0];
	v55 =	vsel vm7, $0x1, v9;
	vm0 =	vlt.s32 v58, v10;
	vm9 =	vlt.s32 v58, v11  }
0xb9: {  	v45 =	vld [tilespmem:s10+$0xFFFFFFD0];
	vm10 =	vlt.s32 v58, v17;
	vm11 =	vlt.s32 v58, v12;
	vm12 =	vlt.s32 v58, v13  }
0xba: {  	v46 =	vld [tilespmem:s10+$0xFFFFFFE0];
	vm13 =	vlt.s32 v58, v14;
	vm14 =	vlt.s32 v58, v15;
	v56 =	vsel vm8, $0x1, v9  }
0xbb: {  	v47 =	vld [tilespmem:s10+$0xFFFFFFF0];
	v37 =	vadd.s32 v61, v37;
	v38 =	vadd.s32 v62, v38;
	v34 =	vadd.s32 v63, v34  }
0xbc: {  	v49 =	vld [tilespmem:s10+$0x0];
	v39 =	vadd.s32 v53, v39;
	v35 =	vadd.s32 v54, v35;
	v40 =	vadd.s32 v55, v40  }
0xbd: {  	v48 =	vld [tilespmem:s10+$0x10];
	v59 =	vsel vm10, v33, v25;
	v60 =	vsel vm0, v26, v18;
	vm8 =	vlt.s32 v58, v16  }
0xbe: {  	v52 =	vld [tilespmem:s10+$0x20];
	v62 =	vsel vm9, v27, v19;
	v63 =	vsel vm11, v28, v20;
	v58 =	vsel vm13, v30, v22  }
0xbf: {  	v36 =	vadd.s32 v56, v36;
	vm15 =	vgt.f32 v57, v59;
	v57 =	vsel vm12, v29, v21  }
0xc0: {  	v59 =	vsel vm14, v31, v23;
	vm9 =	vgt.f32 v42, v60;
	vm10 =	vgt.f32 v45, v62  }
0xc1: {  	v60 =	vsel vm8, v32, v24;
	vm11 =	vgt.f32 v46, v63;
	vm13 =	vgt.f32 v49, v58  }
0xc2: {  	v61 =	vsel vm15, $0x1, v9;
	vm12 =	vgt.f32 v47, v57;
	v62 =	vsel vm10, $0x1, v9  }
0xc3: {  	vm14 =	vgt.f32 v48, v59;
	v63 =	vsel vm11, $0x1, v9;
	vm15 =	vgt.f32 v52, v60  }
0xc4: {  	v45 =	vsel vm13, $0x1, v9;
	v41 =	vadd.s32 v61, v41;
	v61 =	vsel vm9, $0x1, v9  }
0xc5: {  	s8 =	simm.s32 $0x9CC0;
	v44 =	vsel vm12, $0x1, v9;
	v46 =	vsel vm14, $0x1, v9;
	v43 =	vsel vm15, $0x1, v9  }
0xc6: {  	s9 =	simm.s32 $0x2;
	s10 =	simm.s32 $0x1;
	v42 =	vld [tilespmem:s8+$0x30];
	v38 =	vadd.s32 v62, v38;
	v34 =	vadd.s32 v63, v34;
	v37 =	vadd.s32 v61, v37  }
.LBB2_8:
0xc7: {  	p1 =	sne.s32 s9, $0x137;
	s11 =	sadd.s32 s10, s22;
	v47 =	vld [tilespmem:s8+$0xFFFFFFC0];
	v39 =	vadd.s32 v44, v39;
	v35 =	vadd.s32 v45, v35;
	v40 =	vadd.s32 v46, v40;
	s10 =	smov.u32 s9  }
0xc8: {  	v36 =	vadd.s32 v43, v36;
	v44 =	vmov s11;
	v45 =	vld [tilespmem:s8+$0xFFFFFFD0]  }
0xc9: {  	vm0 =	vlt.s32 v44, v10;
	vm1 =	vlt.s32 v44, v11;
	v43 =	vld [tilespmem:s8+$0xFFFFFFE0];
	vm2 =	vlt.s32 v44, v17  }
0xca: {  	vm3 =	vlt.s32 v44, v12;
	vm4 =	vlt.s32 v44, v13;
	v46 =	vld [tilespmem:s8+$0xFFFFFFF0];
	v48 =	vsel vm2, v33, v25  }
0xcb: {  	vm5 =	vlt.s32 v44, v15;
	vm2 =	vlt.s32 v44, v14;
	v49 =	vld [tilespmem:s8+$0x0];
	vm6 =	vgt.f32 v42, v48  }
0xcc: {  	v42 =	vsel vm0, v26, v18;
	vm0 =	vlt.s32 v44, v16;
	v48 =	vld [tilespmem:s8+$0x10];
	v44 =	vsel vm6, $0x1, v9  }
0xcd: {  	v50 =	vsel vm1, v27, v19;
	v51 =	vsel vm3, v28, v20;
	v52 =	vld [tilespmem:s8+$0x20];
	v41 =	vadd.s32 v44, v41  }
0xce: {  	v54 =	vsel vm5, v31, v23;
	v53 =	vsel vm2, v30, v22;
	v44 =	vsel vm4, v29, v21  }
0xcf: {  	vm1 =	vgt.f32 v47, v42;
	v42 =	vsel vm0, v32, v24;
	vm2 =	vgt.f32 v45, v50  }
.Ltmp3:
0xd0: {  	vm0 =	vgt.f32 v43, v51;
	vm3 =	vgt.f32 v46, v44;
	vm4 =	vgt.f32 v49, v53;
	(pc) =	sbr.rel @p1 .LBB2_8-.Ltmp3, $4  }
0xd1: {  	v47 =	vsel vm1, $0x1, v9;
	v49 =	vsel vm2, $0x1, v9;
	vm1 =	vgt.f32 v48, v54  }
0xd2: {  	v44 =	vsel vm3, $0x1, v9;
	v48 =	vsel vm0, $0x1, v9;
	vm0 =	vgt.f32 v52, v42  }
0xd3: {  	s8 =	sadd.s32 $0x80, s8;
	v45 =	vsel vm4, $0x1, v9;
	v46 =	vsel vm1, $0x1, v9;
	v43 =	vsel vm0, $0x1, v9  }
0xd4: {  	s9 =	sadd.s32 $0x1, s9;
	v37 =	vadd.s32 v47, v37;
	v38 =	vadd.s32 v49, v38;
	v34 =	vadd.s32 v48, v34;
	v42 =	vld [tilespmem:s8+$0x30]  }
0xd5: {  	s9 =	sadd.s32 s10, s22;
	v39 =	vadd.s32 v44, v39;
	v60 =	vld [tilespmem:s8+$0xFFFFFFC0]  }
0xd6: {  	v35 =	vadd.s32 v45, v35;
	v40 =	vadd.s32 v46, v40;
	v62 =	vld [tilespmem:s8+$0xFFFFFFD0];
	v61 =	vmov s9  }
0xd7: {  	v36 =	vadd.s32 v43, v36;
	v63 =	vld [tilespmem:s8+$0xFFFFFFE0];
	vm0 =	vlt.s32 v61, v10;
	vm1 =	vlt.s32 v61, v11  }
0xd8: {  	v47 =	vld [tilespmem:s8+$0xFFFFFFF0];
	vm2 =	vlt.s32 v61, v17;
	vm3 =	vlt.s32 v61, v12;
	vm4 =	vlt.s32 v61, v13  }
0xd9: {  	v49 =	vld [tilespmem:s8+$0x0];
	vm9 =	vlt.s32 v61, v14;
	vm5 =	vlt.s32 v61, v15;
	vm10 =	vlt.s32 v61, v16  }
0xda: {  	v58 =	vld [tilespmem:s8+$0x10];
	v48 =	vsel vm2, v33, v25;
	v57 =	vsel vm0, v26, v18;
	v50 =	vsel vm1, v27, v19  }
0xdb: {  	v51 =	vsel vm3, v28, v20;
	v59 =	vsel vm4, v29, v21;
	vm6 =	vgt.f32 v42, v48  }
0xdc: {  	v52 =	vld [tilespmem:s8+$0x20];
	s9 =	simm.s32 $0x0;
	v53 =	vsel vm9, v30, v22;
	v54 =	vsel vm5, v31, v23;
	v48 =	vsel vm6, $0x1, v9  }
0xdd: {  	[tilespmem:s0], [sflag:$0x2] =	stream.linear.gather [hbm4b:s12+s9], $0x9C00, $0x38;
	vm11 =	vgt.f32 v60, v57;
	vm12 =	vgt.f32 v62, v50;
	v60 =	vsel vm10, v32, v24;
	[tilespmem:$0x18080] =	vst v63  }
0xde: {  	s11 =	sadd.s32 $0x0, s23;
	_ =	swait.ge [sflag:s1], $0x9C00;
	vm13 =	vgt.f32 v63, v51;
	vm14 =	vgt.f32 v47, v59;
	vm15 =	vgt.f32 v49, v53  }
0xdf: {  	[sflag:s1] =	ssyncset.done $0x0;
	vm7 =	vgt.f32 v58, v54;
	v58 =	vmov s11;
	v41 =	vadd.s32 v48, v41  }
0xe0: {  	s10 =	simm.s32 $0x40;
	[sflag:s1] =	ssyncadd.s32 $0xFFFF6400;
	v61 =	vsel vm11, $0x1, v9;
	v62 =	vsel vm12, $0x1, v9;
	v63 =	vsel vm13, $0x1, v9  }
0xe1: {  	v53 =	vsel vm14, $0x1, v9;
	vm8 =	vgt.f32 v52, v60;
	v54 =	vsel vm15, $0x1, v9;
	v57 =	vld [tilespmem:s10+$0x30]  }
0xe2: {  	v55 =	vsel vm7, $0x1, v9;
	v42 =	vld [tilespmem:s10+$0xFFFFFFC0];
	vm0 =	vlt.s32 v58, v10;
	vm9 =	vlt.s32 v58, v11  }
0xe3: {  	v45 =	vld [tilespmem:s10+$0xFFFFFFD0];
	vm10 =	vlt.s32 v58, v17;
	vm11 =	vlt.s32 v58, v12;
	vm12 =	vlt.s32 v58, v13  }
0xe4: {  	v46 =	vld [tilespmem:s10+$0xFFFFFFE0];
	vm13 =	vlt.s32 v58, v14;
	vm14 =	vlt.s32 v58, v15;
	v56 =	vsel vm8, $0x1, v9  }
0xe5: {  	v47 =	vld [tilespmem:s10+$0xFFFFFFF0];
	v37 =	vadd.s32 v61, v37;
	v38 =	vadd.s32 v62, v38;
	v34 =	vadd.s32 v63, v34  }
0xe6: {  	v49 =	vld [tilespmem:s10+$0x0];
	v39 =	vadd.s32 v53, v39;
	v35 =	vadd.s32 v54, v35;
	v40 =	vadd.s32 v55, v40  }
0xe7: {  	v48 =	vld [tilespmem:s10+$0x10];
	v59 =	vsel vm10, v33, v25;
	v60 =	vsel vm0, v26, v18;
	vm8 =	vlt.s32 v58, v16  }
0xe8: {  	v52 =	vld [tilespmem:s10+$0x20];
	v62 =	vsel vm9, v27, v19;
	v63 =	vsel vm11, v28, v20;
	v58 =	vsel vm13, v30, v22  }
0xe9: {  	v36 =	vadd.s32 v56, v36;
	vm15 =	vgt.f32 v57, v59;
	v57 =	vsel vm12, v29, v21  }
0xea: {  	v59 =	vsel vm14, v31, v23;
	vm9 =	vgt.f32 v42, v60;
	vm10 =	vgt.f32 v45, v62  }
0xeb: {  	v60 =	vsel vm8, v32, v24;
	vm11 =	vgt.f32 v46, v63;
	vm13 =	vgt.f32 v49, v58  }
0xec: {  	v61 =	vsel vm15, $0x1, v9;
	vm12 =	vgt.f32 v47, v57;
	v62 =	vsel vm10, $0x1, v9  }
0xed: {  	vm14 =	vgt.f32 v48, v59;
	v63 =	vsel vm11, $0x1, v9;
	vm15 =	vgt.f32 v52, v60  }
0xee: {  	v45 =	vsel vm13, $0x1, v9;
	v41 =	vadd.s32 v61, v41;
	v61 =	vsel vm9, $0x1, v9  }
0xef: {  	s8 =	simm.s32 $0xC0;
	v44 =	vsel vm12, $0x1, v9;
	v46 =	vsel vm14, $0x1, v9;
	v43 =	vsel vm15, $0x1, v9  }
0xf0: {  	s9 =	simm.s32 $0x2;
	s10 =	simm.s32 $0x1;
	v42 =	vld [tilespmem:s8+$0x30];
	v38 =	vadd.s32 v62, v38;
	v34 =	vadd.s32 v63, v34;
	v37 =	vadd.s32 v61, v37  }
.LBB2_10:
0xf1: {  	p1 =	sne.s32 s9, $0x137;
	s11 =	sadd.s32 s10, s23;
	v47 =	vld [tilespmem:s8+$0xFFFFFFC0];
	v39 =	vadd.s32 v44, v39;
	v35 =	vadd.s32 v45, v35;
	v40 =	vadd.s32 v46, v40;
	s10 =	smov.u32 s9  }
0xf2: {  	v36 =	vadd.s32 v43, v36;
	v44 =	vmov s11;
	v45 =	vld [tilespmem:s8+$0xFFFFFFD0]  }
0xf3: {  	vm0 =	vlt.s32 v44, v10;
	vm1 =	vlt.s32 v44, v11;
	v43 =	vld [tilespmem:s8+$0xFFFFFFE0];
	vm2 =	vlt.s32 v44, v17  }
0xf4: {  	vm3 =	vlt.s32 v44, v12;
	vm4 =	vlt.s32 v44, v13;
	v46 =	vld [tilespmem:s8+$0xFFFFFFF0];
	v48 =	vsel vm2, v33, v25  }
0xf5: {  	vm5 =	vlt.s32 v44, v15;
	vm2 =	vlt.s32 v44, v14;
	v49 =	vld [tilespmem:s8+$0x0];
	vm6 =	vgt.f32 v42, v48  }
0xf6: {  	v42 =	vsel vm0, v26, v18;
	vm0 =	vlt.s32 v44, v16;
	v48 =	vld [tilespmem:s8+$0x10];
	v44 =	vsel vm6, $0x1, v9  }
0xf7: {  	v50 =	vsel vm1, v27, v19;
	v51 =	vsel vm3, v28, v20;
	v52 =	vld [tilespmem:s8+$0x20];
	v41 =	vadd.s32 v44, v41  }
0xf8: {  	v54 =	vsel vm5, v31, v23;
	v53 =	vsel vm2, v30, v22;
	v44 =	vsel vm4, v29, v21  }
0xf9: {  	vm1 =	vgt.f32 v47, v42;
	v42 =	vsel vm0, v32, v24;
	vm2 =	vgt.f32 v45, v50  }
.Ltmp4:
0xfa: {  	vm0 =	vgt.f32 v43, v51;
	vm3 =	vgt.f32 v46, v44;
	vm4 =	vgt.f32 v49, v53;
	(pc) =	sbr.rel @p1 .LBB2_10-.Ltmp4, $4  }
0xfb: {  	v47 =	vsel vm1, $0x1, v9;
	v49 =	vsel vm2, $0x1, v9;
	vm1 =	vgt.f32 v48, v54  }
0xfc: {  	v44 =	vsel vm3, $0x1, v9;
	v48 =	vsel vm0, $0x1, v9;
	vm0 =	vgt.f32 v52, v42  }
0xfd: {  	s8 =	sadd.s32 $0x80, s8;
	v45 =	vsel vm4, $0x1, v9;
	v46 =	vsel vm1, $0x1, v9;
	v43 =	vsel vm0, $0x1, v9  }
0xfe: {  	s9 =	sadd.s32 $0x1, s9;
	v37 =	vadd.s32 v47, v37;
	v38 =	vadd.s32 v49, v38;
	v34 =	vadd.s32 v48, v34;
	v42 =	vld [tilespmem:s8+$0x30]  }
0xff: {  	s9 =	sadd.s32 s10, s23;
	v39 =	vadd.s32 v44, v39;
	v60 =	vld [tilespmem:s8+$0xFFFFFFC0]  }
0x100: {  	v35 =	vadd.s32 v45, v35;
	v40 =	vadd.s32 v46, v40;
	v62 =	vld [tilespmem:s8+$0xFFFFFFD0];
	v61 =	vmov s9  }
0x101: {  	v36 =	vadd.s32 v43, v36;
	v63 =	vld [tilespmem:s8+$0xFFFFFFE0];
	vm0 =	vlt.s32 v61, v10;
	vm1 =	vlt.s32 v61, v11  }
0x102: {  	v47 =	vld [tilespmem:s8+$0xFFFFFFF0];
	vm2 =	vlt.s32 v61, v17;
	vm3 =	vlt.s32 v61, v12;
	vm4 =	vlt.s32 v61, v13  }
0x103: {  	v49 =	vld [tilespmem:s8+$0x0];
	vm9 =	vlt.s32 v61, v14;
	vm5 =	vlt.s32 v61, v15;
	vm10 =	vlt.s32 v61, v16  }
0x104: {  	v58 =	vld [tilespmem:s8+$0x10];
	v48 =	vsel vm2, v33, v25;
	v57 =	vsel vm0, v26, v18;
	v50 =	vsel vm1, v27, v19  }
0x105: {  	v51 =	vsel vm3, v28, v20;
	v59 =	vsel vm4, v29, v21;
	vm6 =	vgt.f32 v42, v48  }
0x106: {  	v52 =	vld [tilespmem:s8+$0x20];
	s9 =	simm.s32 $0x0;
	v53 =	vsel vm9, v30, v22;
	v54 =	vsel vm5, v31, v23;
	v48 =	vsel vm6, $0x1, v9  }
0x107: {  	[tilespmem:s9], [sflag:$0x1] =	stream.linear.gather [hbm4b:s13+s9], $0x9C00, $0x38;
	vm11 =	vgt.f32 v60, v57;
	vm12 =	vgt.f32 v62, v50;
	v60 =	vsel vm10, v32, v24;
	[tilespmem:$0x18080] =	vst v63  }
0x108: {  	s11 =	sadd.s32 $0x0, s24;
	_ =	swait.ge [sflag:s30], $0x9C00;
	vm13 =	vgt.f32 v63, v51;
	vm14 =	vgt.f32 v47, v59;
	vm15 =	vgt.f32 v49, v53  }
0x109: {  	[sflag:s30] =	ssyncset.done $0x0;
	vm7 =	vgt.f32 v58, v54;
	v58 =	vmov s11;
	v41 =	vadd.s32 v48, v41  }
0x10a: {  	s10 =	simm.s32 $0x9C40;
	[sflag:s30] =	ssyncadd.s32 $0xFFFF6400;
	v61 =	vsel vm11, $0x1, v9;
	v62 =	vsel vm12, $0x1, v9;
	v63 =	vsel vm13, $0x1, v9  }
0x10b: {  	v53 =	vsel vm14, $0x1, v9;
	vm8 =	vgt.f32 v52, v60;
	v54 =	vsel vm15, $0x1, v9;
	v57 =	vld [tilespmem:s10+$0x30]  }
0x10c: {  	v55 =	vsel vm7, $0x1, v9;
	v42 =	vld [tilespmem:s10+$0xFFFFFFC0];
	vm0 =	vlt.s32 v58, v10;
	vm9 =	vlt.s32 v58, v11  }
0x10d: {  	v45 =	vld [tilespmem:s10+$0xFFFFFFD0];
	vm10 =	vlt.s32 v58, v17;
	vm11 =	vlt.s32 v58, v12;
	vm12 =	vlt.s32 v58, v13  }
0x10e: {  	v46 =	vld [tilespmem:s10+$0xFFFFFFE0];
	vm13 =	vlt.s32 v58, v14;
	vm14 =	vlt.s32 v58, v15;
	v56 =	vsel vm8, $0x1, v9  }
0x10f: {  	v47 =	vld [tilespmem:s10+$0xFFFFFFF0];
	v37 =	vadd.s32 v61, v37;
	v38 =	vadd.s32 v62, v38;
	v34 =	vadd.s32 v63, v34  }
0x110: {  	v49 =	vld [tilespmem:s10+$0x0];
	v39 =	vadd.s32 v53, v39;
	v35 =	vadd.s32 v54, v35;
	v40 =	vadd.s32 v55, v40  }
0x111: {  	v48 =	vld [tilespmem:s10+$0x10];
	v59 =	vsel vm10, v33, v25;
	v60 =	vsel vm0, v26, v18;
	vm8 =	vlt.s32 v58, v16  }
0x112: {  	v52 =	vld [tilespmem:s10+$0x20];
	v62 =	vsel vm9, v27, v19;
	v63 =	vsel vm11, v28, v20;
	v58 =	vsel vm13, v30, v22  }
0x113: {  	v36 =	vadd.s32 v56, v36;
	vm15 =	vgt.f32 v57, v59;
	v57 =	vsel vm12, v29, v21  }
0x114: {  	v59 =	vsel vm14, v31, v23;
	vm9 =	vgt.f32 v42, v60;
	vm10 =	vgt.f32 v45, v62  }
0x115: {  	v60 =	vsel vm8, v32, v24;
	vm11 =	vgt.f32 v46, v63;
	vm13 =	vgt.f32 v49, v58  }
0x116: {  	v61 =	vsel vm15, $0x1, v9;
	vm12 =	vgt.f32 v47, v57;
	v62 =	vsel vm10, $0x1, v9  }
0x117: {  	vm14 =	vgt.f32 v48, v59;
	v63 =	vsel vm11, $0x1, v9;
	vm15 =	vgt.f32 v52, v60  }
0x118: {  	v45 =	vsel vm13, $0x1, v9;
	v41 =	vadd.s32 v61, v41;
	v61 =	vsel vm9, $0x1, v9  }
0x119: {  	s8 =	simm.s32 $0x9CC0;
	v44 =	vsel vm12, $0x1, v9;
	v46 =	vsel vm14, $0x1, v9;
	v43 =	vsel vm15, $0x1, v9  }
0x11a: {  	s9 =	simm.s32 $0x2;
	s10 =	simm.s32 $0x1;
	v42 =	vld [tilespmem:s8+$0x30];
	v38 =	vadd.s32 v62, v38;
	v34 =	vadd.s32 v63, v34;
	v37 =	vadd.s32 v61, v37  }
.LBB2_12:
0x11b: {  	p1 =	sne.s32 s9, $0x137;
	s11 =	sadd.s32 s10, s24;
	v47 =	vld [tilespmem:s8+$0xFFFFFFC0];
	v39 =	vadd.s32 v44, v39;
	v35 =	vadd.s32 v45, v35;
	v40 =	vadd.s32 v46, v40;
	s10 =	smov.u32 s9  }
0x11c: {  	v36 =	vadd.s32 v43, v36;
	v44 =	vmov s11;
	v45 =	vld [tilespmem:s8+$0xFFFFFFD0]  }
0x11d: {  	vm0 =	vlt.s32 v44, v10;
	vm1 =	vlt.s32 v44, v11;
	v43 =	vld [tilespmem:s8+$0xFFFFFFE0];
	vm2 =	vlt.s32 v44, v17  }
0x11e: {  	vm3 =	vlt.s32 v44, v12;
	vm4 =	vlt.s32 v44, v13;
	v46 =	vld [tilespmem:s8+$0xFFFFFFF0];
	v48 =	vsel vm2, v33, v25  }
0x11f: {  	vm5 =	vlt.s32 v44, v15;
	vm2 =	vlt.s32 v44, v14;
	v49 =	vld [tilespmem:s8+$0x0];
	vm6 =	vgt.f32 v42, v48  }
0x120: {  	v42 =	vsel vm0, v26, v18;
	vm0 =	vlt.s32 v44, v16;
	v48 =	vld [tilespmem:s8+$0x10];
	v44 =	vsel vm6, $0x1, v9  }
0x121: {  	v50 =	vsel vm1, v27, v19;
	v51 =	vsel vm3, v28, v20;
	v52 =	vld [tilespmem:s8+$0x20];
	v41 =	vadd.s32 v44, v41  }
0x122: {  	v54 =	vsel vm5, v31, v23;
	v53 =	vsel vm2, v30, v22;
	v44 =	vsel vm4, v29, v21  }
0x123: {  	vm1 =	vgt.f32 v47, v42;
	v42 =	vsel vm0, v32, v24;
	vm2 =	vgt.f32 v45, v50  }
.Ltmp5:
0x124: {  	vm0 =	vgt.f32 v43, v51;
	vm3 =	vgt.f32 v46, v44;
	vm4 =	vgt.f32 v49, v53;
	(pc) =	sbr.rel @p1 .LBB2_12-.Ltmp5, $4  }
0x125: {  	v47 =	vsel vm1, $0x1, v9;
	v49 =	vsel vm2, $0x1, v9;
	vm1 =	vgt.f32 v48, v54  }
0x126: {  	v44 =	vsel vm3, $0x1, v9;
	v48 =	vsel vm0, $0x1, v9;
	vm0 =	vgt.f32 v52, v42  }
0x127: {  	s8 =	sadd.s32 $0x80, s8;
	v45 =	vsel vm4, $0x1, v9;
	v46 =	vsel vm1, $0x1, v9;
	v43 =	vsel vm0, $0x1, v9  }
0x128: {  	s9 =	sadd.s32 $0x1, s9;
	v37 =	vadd.s32 v47, v37;
	v38 =	vadd.s32 v49, v38;
	v34 =	vadd.s32 v48, v34;
	v42 =	vld [tilespmem:s8+$0x30]  }
0x129: {  	s9 =	sadd.s32 s10, s24;
	v39 =	vadd.s32 v44, v39;
	v60 =	vld [tilespmem:s8+$0xFFFFFFC0]  }
0x12a: {  	v35 =	vadd.s32 v45, v35;
	v40 =	vadd.s32 v46, v40;
	v62 =	vld [tilespmem:s8+$0xFFFFFFD0];
	v61 =	vmov s9  }
0x12b: {  	v36 =	vadd.s32 v43, v36;
	v63 =	vld [tilespmem:s8+$0xFFFFFFE0];
	vm0 =	vlt.s32 v61, v10;
	vm1 =	vlt.s32 v61, v11  }
0x12c: {  	v47 =	vld [tilespmem:s8+$0xFFFFFFF0];
	vm2 =	vlt.s32 v61, v17;
	vm3 =	vlt.s32 v61, v12;
	vm4 =	vlt.s32 v61, v13  }
0x12d: {  	v49 =	vld [tilespmem:s8+$0x0];
	vm9 =	vlt.s32 v61, v14;
	vm5 =	vlt.s32 v61, v15;
	vm10 =	vlt.s32 v61, v16  }
0x12e: {  	v58 =	vld [tilespmem:s8+$0x10];
	v48 =	vsel vm2, v33, v25;
	v57 =	vsel vm0, v26, v18;
	v50 =	vsel vm1, v27, v19  }
0x12f: {  	v51 =	vsel vm3, v28, v20;
	v59 =	vsel vm4, v29, v21;
	vm6 =	vgt.f32 v42, v48  }
0x130: {  	v52 =	vld [tilespmem:s8+$0x20];
	s9 =	simm.s32 $0x0;
	v53 =	vsel vm9, v30, v22;
	v54 =	vsel vm5, v31, v23;
	v48 =	vsel vm6, $0x1, v9  }
0x131: {  	[tilespmem:s0], [sflag:$0x2] =	stream.linear.gather [hbm4b:s14+s9], $0x9C00, $0x38;
	vm11 =	vgt.f32 v60, v57;
	vm12 =	vgt.f32 v62, v50;
	v60 =	vsel vm10, v32, v24;
	[tilespmem:$0x18080] =	vst v63  }
0x132: {  	s11 =	sadd.s32 $0x0, s25;
	_ =	swait.ge [sflag:s1], $0x9C00;
	vm13 =	vgt.f32 v63, v51;
	vm14 =	vgt.f32 v47, v59;
	vm15 =	vgt.f32 v49, v53  }
0x133: {  	[sflag:s1] =	ssyncset.done $0x0;
	vm7 =	vgt.f32 v58, v54;
	v58 =	vmov s11;
	v41 =	vadd.s32 v48, v41  }
0x134: {  	s10 =	simm.s32 $0x40;
	[sflag:s1] =	ssyncadd.s32 $0xFFFF6400;
	v61 =	vsel vm11, $0x1, v9;
	v62 =	vsel vm12, $0x1, v9;
	v63 =	vsel vm13, $0x1, v9  }
0x135: {  	v53 =	vsel vm14, $0x1, v9;
	vm8 =	vgt.f32 v52, v60;
	v54 =	vsel vm15, $0x1, v9;
	v57 =	vld [tilespmem:s10+$0x30]  }
0x136: {  	v55 =	vsel vm7, $0x1, v9;
	v42 =	vld [tilespmem:s10+$0xFFFFFFC0];
	vm0 =	vlt.s32 v58, v10;
	vm9 =	vlt.s32 v58, v11  }
0x137: {  	v45 =	vld [tilespmem:s10+$0xFFFFFFD0];
	vm10 =	vlt.s32 v58, v17;
	vm11 =	vlt.s32 v58, v12;
	vm12 =	vlt.s32 v58, v13  }
0x138: {  	v46 =	vld [tilespmem:s10+$0xFFFFFFE0];
	vm13 =	vlt.s32 v58, v14;
	vm14 =	vlt.s32 v58, v15;
	v56 =	vsel vm8, $0x1, v9  }
0x139: {  	v47 =	vld [tilespmem:s10+$0xFFFFFFF0];
	v37 =	vadd.s32 v61, v37;
	v38 =	vadd.s32 v62, v38;
	v34 =	vadd.s32 v63, v34  }
0x13a: {  	v49 =	vld [tilespmem:s10+$0x0];
	v39 =	vadd.s32 v53, v39;
	v35 =	vadd.s32 v54, v35;
	v40 =	vadd.s32 v55, v40  }
0x13b: {  	v48 =	vld [tilespmem:s10+$0x10];
	v59 =	vsel vm10, v33, v25;
	v60 =	vsel vm0, v26, v18;
	vm8 =	vlt.s32 v58, v16  }
0x13c: {  	v52 =	vld [tilespmem:s10+$0x20];
	v62 =	vsel vm9, v27, v19;
	v63 =	vsel vm11, v28, v20;
	v58 =	vsel vm13, v30, v22  }
0x13d: {  	v36 =	vadd.s32 v56, v36;
	vm15 =	vgt.f32 v57, v59;
	v57 =	vsel vm12, v29, v21  }
0x13e: {  	v59 =	vsel vm14, v31, v23;
	vm9 =	vgt.f32 v42, v60;
	vm10 =	vgt.f32 v45, v62  }
0x13f: {  	v60 =	vsel vm8, v32, v24;
	vm11 =	vgt.f32 v46, v63;
	vm13 =	vgt.f32 v49, v58  }
0x140: {  	v61 =	vsel vm15, $0x1, v9;
	vm12 =	vgt.f32 v47, v57;
	v62 =	vsel vm10, $0x1, v9  }
0x141: {  	vm14 =	vgt.f32 v48, v59;
	v63 =	vsel vm11, $0x1, v9;
	vm15 =	vgt.f32 v52, v60  }
0x142: {  	v45 =	vsel vm13, $0x1, v9;
	v41 =	vadd.s32 v61, v41;
	v61 =	vsel vm9, $0x1, v9  }
0x143: {  	s8 =	simm.s32 $0xC0;
	v44 =	vsel vm12, $0x1, v9;
	v46 =	vsel vm14, $0x1, v9;
	v43 =	vsel vm15, $0x1, v9  }
0x144: {  	s9 =	simm.s32 $0x2;
	s10 =	simm.s32 $0x1;
	v42 =	vld [tilespmem:s8+$0x30];
	v38 =	vadd.s32 v62, v38;
	v34 =	vadd.s32 v63, v34;
	v37 =	vadd.s32 v61, v37  }
.LBB2_14:
0x145: {  	p1 =	sne.s32 s9, $0x137;
	s11 =	sadd.s32 s10, s25;
	v47 =	vld [tilespmem:s8+$0xFFFFFFC0];
	v39 =	vadd.s32 v44, v39;
	v35 =	vadd.s32 v45, v35;
	v40 =	vadd.s32 v46, v40;
	s10 =	smov.u32 s9  }
0x146: {  	v36 =	vadd.s32 v43, v36;
	v44 =	vmov s11;
	v45 =	vld [tilespmem:s8+$0xFFFFFFD0]  }
0x147: {  	vm0 =	vlt.s32 v44, v10;
	vm1 =	vlt.s32 v44, v11;
	v43 =	vld [tilespmem:s8+$0xFFFFFFE0];
	vm2 =	vlt.s32 v44, v17  }
0x148: {  	vm3 =	vlt.s32 v44, v12;
	vm4 =	vlt.s32 v44, v13;
	v46 =	vld [tilespmem:s8+$0xFFFFFFF0];
	v48 =	vsel vm2, v33, v25  }
0x149: {  	vm5 =	vlt.s32 v44, v15;
	vm2 =	vlt.s32 v44, v14;
	v49 =	vld [tilespmem:s8+$0x0];
	vm6 =	vgt.f32 v42, v48  }
0x14a: {  	v42 =	vsel vm0, v26, v18;
	vm0 =	vlt.s32 v44, v16;
	v48 =	vld [tilespmem:s8+$0x10];
	v44 =	vsel vm6, $0x1, v9  }
0x14b: {  	v50 =	vsel vm1, v27, v19;
	v51 =	vsel vm3, v28, v20;
	v52 =	vld [tilespmem:s8+$0x20];
	v41 =	vadd.s32 v44, v41  }
0x14c: {  	v54 =	vsel vm5, v31, v23;
	v53 =	vsel vm2, v30, v22;
	v44 =	vsel vm4, v29, v21  }
0x14d: {  	vm1 =	vgt.f32 v47, v42;
	v42 =	vsel vm0, v32, v24;
	vm2 =	vgt.f32 v45, v50  }
.Ltmp6:
0x14e: {  	vm0 =	vgt.f32 v43, v51;
	vm3 =	vgt.f32 v46, v44;
	vm4 =	vgt.f32 v49, v53;
	(pc) =	sbr.rel @p1 .LBB2_14-.Ltmp6, $4  }
0x14f: {  	v47 =	vsel vm1, $0x1, v9;
	v49 =	vsel vm2, $0x1, v9;
	vm1 =	vgt.f32 v48, v54  }
0x150: {  	v44 =	vsel vm3, $0x1, v9;
	v48 =	vsel vm0, $0x1, v9;
	vm0 =	vgt.f32 v52, v42  }
0x151: {  	s8 =	sadd.s32 $0x80, s8;
	v45 =	vsel vm4, $0x1, v9;
	v46 =	vsel vm1, $0x1, v9;
	v43 =	vsel vm0, $0x1, v9  }
0x152: {  	s9 =	sadd.s32 $0x1, s9;
	v37 =	vadd.s32 v47, v37;
	v38 =	vadd.s32 v49, v38;
	v34 =	vadd.s32 v48, v34;
	v42 =	vld [tilespmem:s8+$0x30]  }
0x153: {  	s9 =	sadd.s32 s10, s25;
	v39 =	vadd.s32 v44, v39;
	v60 =	vld [tilespmem:s8+$0xFFFFFFC0]  }
0x154: {  	v35 =	vadd.s32 v45, v35;
	v40 =	vadd.s32 v46, v40;
	v62 =	vld [tilespmem:s8+$0xFFFFFFD0];
	v61 =	vmov s9  }
0x155: {  	v36 =	vadd.s32 v43, v36;
	v63 =	vld [tilespmem:s8+$0xFFFFFFE0];
	vm0 =	vlt.s32 v61, v10;
	vm1 =	vlt.s32 v61, v11  }
0x156: {  	v47 =	vld [tilespmem:s8+$0xFFFFFFF0];
	vm2 =	vlt.s32 v61, v17;
	vm3 =	vlt.s32 v61, v12;
	vm4 =	vlt.s32 v61, v13  }
0x157: {  	v49 =	vld [tilespmem:s8+$0x0];
	vm9 =	vlt.s32 v61, v14;
	vm5 =	vlt.s32 v61, v15;
	vm10 =	vlt.s32 v61, v16  }
0x158: {  	v58 =	vld [tilespmem:s8+$0x10];
	v48 =	vsel vm2, v33, v25;
	v57 =	vsel vm0, v26, v18;
	v50 =	vsel vm1, v27, v19  }
0x159: {  	v51 =	vsel vm3, v28, v20;
	v59 =	vsel vm4, v29, v21;
	vm6 =	vgt.f32 v42, v48  }
0x15a: {  	v52 =	vld [tilespmem:s8+$0x20];
	s9 =	simm.s32 $0x0;
	v53 =	vsel vm9, v30, v22;
	v54 =	vsel vm5, v31, v23;
	v48 =	vsel vm6, $0x1, v9  }
0x15b: {  	[tilespmem:s9], [sflag:$0x1] =	stream.linear.gather [hbm4b:s15+s9], $0x9C00, $0x38;
	vm11 =	vgt.f32 v60, v57;
	vm12 =	vgt.f32 v62, v50;
	v60 =	vsel vm10, v32, v24;
	[tilespmem:$0x18080] =	vst v63  }
0x15c: {  	s11 =	sadd.s32 $0x0, s26;
	_ =	swait.ge [sflag:s30], $0x9C00;
	vm13 =	vgt.f32 v63, v51;
	vm14 =	vgt.f32 v47, v59;
	vm15 =	vgt.f32 v49, v53  }
0x15d: {  	[sflag:s30] =	ssyncset.done $0x0;
	vm7 =	vgt.f32 v58, v54;
	v58 =	vmov s11;
	v41 =	vadd.s32 v48, v41  }
0x15e: {  	s10 =	simm.s32 $0x9C40;
	[sflag:s30] =	ssyncadd.s32 $0xFFFF6400;
	v61 =	vsel vm11, $0x1, v9;
	v62 =	vsel vm12, $0x1, v9;
	v63 =	vsel vm13, $0x1, v9  }
0x15f: {  	v53 =	vsel vm14, $0x1, v9;
	vm8 =	vgt.f32 v52, v60;
	v54 =	vsel vm15, $0x1, v9;
	v57 =	vld [tilespmem:s10+$0x30]  }
0x160: {  	v55 =	vsel vm7, $0x1, v9;
	v42 =	vld [tilespmem:s10+$0xFFFFFFC0];
	vm0 =	vlt.s32 v58, v10;
	vm9 =	vlt.s32 v58, v11  }
0x161: {  	v45 =	vld [tilespmem:s10+$0xFFFFFFD0];
	vm10 =	vlt.s32 v58, v17;
	vm11 =	vlt.s32 v58, v12;
	vm12 =	vlt.s32 v58, v13  }
0x162: {  	v46 =	vld [tilespmem:s10+$0xFFFFFFE0];
	vm13 =	vlt.s32 v58, v14;
	vm14 =	vlt.s32 v58, v15;
	v56 =	vsel vm8, $0x1, v9  }
0x163: {  	v47 =	vld [tilespmem:s10+$0xFFFFFFF0];
	v37 =	vadd.s32 v61, v37;
	v38 =	vadd.s32 v62, v38;
	v34 =	vadd.s32 v63, v34  }
0x164: {  	v49 =	vld [tilespmem:s10+$0x0];
	v39 =	vadd.s32 v53, v39;
	v35 =	vadd.s32 v54, v35;
	v40 =	vadd.s32 v55, v40  }
0x165: {  	v48 =	vld [tilespmem:s10+$0x10];
	v59 =	vsel vm10, v33, v25;
	v60 =	vsel vm0, v26, v18;
	vm8 =	vlt.s32 v58, v16  }
0x166: {  	v52 =	vld [tilespmem:s10+$0x20];
	v62 =	vsel vm9, v27, v19;
	v63 =	vsel vm11, v28, v20;
	v58 =	vsel vm13, v30, v22  }
0x167: {  	v36 =	vadd.s32 v56, v36;
	vm15 =	vgt.f32 v57, v59;
	v57 =	vsel vm12, v29, v21  }
0x168: {  	v59 =	vsel vm14, v31, v23;
	vm9 =	vgt.f32 v42, v60;
	vm10 =	vgt.f32 v45, v62  }
0x169: {  	v60 =	vsel vm8, v32, v24;
	vm11 =	vgt.f32 v46, v63;
	vm13 =	vgt.f32 v49, v58  }
0x16a: {  	v61 =	vsel vm15, $0x1, v9;
	vm12 =	vgt.f32 v47, v57;
	v62 =	vsel vm10, $0x1, v9  }
0x16b: {  	vm14 =	vgt.f32 v48, v59;
	v63 =	vsel vm11, $0x1, v9;
	vm15 =	vgt.f32 v52, v60  }
0x16c: {  	v45 =	vsel vm13, $0x1, v9;
	v41 =	vadd.s32 v61, v41;
	v61 =	vsel vm9, $0x1, v9  }
0x16d: {  	s8 =	simm.s32 $0x9CC0;
	v44 =	vsel vm12, $0x1, v9;
	v46 =	vsel vm14, $0x1, v9;
	v43 =	vsel vm15, $0x1, v9  }
0x16e: {  	s9 =	simm.s32 $0x2;
	s10 =	simm.s32 $0x1;
	v42 =	vld [tilespmem:s8+$0x30];
	v38 =	vadd.s32 v62, v38;
	v34 =	vadd.s32 v63, v34;
	v37 =	vadd.s32 v61, v37  }
.LBB2_16:
0x16f: {  	p1 =	sne.s32 s9, $0x137;
	s11 =	sadd.s32 s10, s26;
	v47 =	vld [tilespmem:s8+$0xFFFFFFC0];
	v39 =	vadd.s32 v44, v39;
	v35 =	vadd.s32 v45, v35;
	v40 =	vadd.s32 v46, v40;
	s10 =	smov.u32 s9  }
0x170: {  	v36 =	vadd.s32 v43, v36;
	v44 =	vmov s11;
	v45 =	vld [tilespmem:s8+$0xFFFFFFD0]  }
0x171: {  	vm0 =	vlt.s32 v44, v10;
	vm1 =	vlt.s32 v44, v11;
	v43 =	vld [tilespmem:s8+$0xFFFFFFE0];
	vm2 =	vlt.s32 v44, v17  }
0x172: {  	vm3 =	vlt.s32 v44, v12;
	vm4 =	vlt.s32 v44, v13;
	v46 =	vld [tilespmem:s8+$0xFFFFFFF0];
	v48 =	vsel vm2, v33, v25  }
0x173: {  	vm5 =	vlt.s32 v44, v15;
	vm2 =	vlt.s32 v44, v14;
	v49 =	vld [tilespmem:s8+$0x0];
	vm6 =	vgt.f32 v42, v48  }
0x174: {  	v42 =	vsel vm0, v26, v18;
	vm0 =	vlt.s32 v44, v16;
	v48 =	vld [tilespmem:s8+$0x10];
	v44 =	vsel vm6, $0x1, v9  }
0x175: {  	v50 =	vsel vm1, v27, v19;
	v51 =	vsel vm3, v28, v20;
	v52 =	vld [tilespmem:s8+$0x20];
	v41 =	vadd.s32 v44, v41  }
0x176: {  	v54 =	vsel vm5, v31, v23;
	v53 =	vsel vm2, v30, v22;
	v44 =	vsel vm4, v29, v21  }
0x177: {  	vm1 =	vgt.f32 v47, v42;
	v42 =	vsel vm0, v32, v24;
	vm2 =	vgt.f32 v45, v50  }
.Ltmp7:
0x178: {  	vm0 =	vgt.f32 v43, v51;
	vm3 =	vgt.f32 v46, v44;
	vm4 =	vgt.f32 v49, v53;
	(pc) =	sbr.rel @p1 .LBB2_16-.Ltmp7, $4  }
0x179: {  	v47 =	vsel vm1, $0x1, v9;
	v49 =	vsel vm2, $0x1, v9;
	vm1 =	vgt.f32 v48, v54  }
0x17a: {  	v44 =	vsel vm3, $0x1, v9;
	v48 =	vsel vm0, $0x1, v9;
	vm0 =	vgt.f32 v52, v42  }
0x17b: {  	s8 =	sadd.s32 $0x80, s8;
	v45 =	vsel vm4, $0x1, v9;
	v46 =	vsel vm1, $0x1, v9;
	v43 =	vsel vm0, $0x1, v9  }
0x17c: {  	s9 =	sadd.s32 $0x1, s9;
	v37 =	vadd.s32 v47, v37;
	v38 =	vadd.s32 v49, v38;
	v34 =	vadd.s32 v48, v34;
	v42 =	vld [tilespmem:s8+$0x30]  }
0x17d: {  	s9 =	sadd.s32 s10, s26;
	v39 =	vadd.s32 v44, v39;
	v60 =	vld [tilespmem:s8+$0xFFFFFFC0]  }
0x17e: {  	v35 =	vadd.s32 v45, v35;
	v40 =	vadd.s32 v46, v40;
	v62 =	vld [tilespmem:s8+$0xFFFFFFD0];
	v61 =	vmov s9  }
0x17f: {  	v43 =	vadd.s32 v43, v36;
	v63 =	vld [tilespmem:s8+$0xFFFFFFE0];
	vm0 =	vlt.s32 v61, v10;
	vm1 =	vlt.s32 v61, v11  }
0x180: {  	v47 =	vld [tilespmem:s8+$0xFFFFFFF0];
	vm2 =	vlt.s32 v61, v17;
	vm3 =	vlt.s32 v61, v12;
	vm4 =	vlt.s32 v61, v13  }
0x181: {  	v49 =	vld [tilespmem:s8+$0x0];
	vm9 =	vlt.s32 v61, v14;
	vm5 =	vlt.s32 v61, v15;
	vm10 =	vlt.s32 v61, v16  }
0x182: {  	v58 =	vld [tilespmem:s8+$0x10];
	v48 =	vsel vm2, v33, v25;
	v57 =	vsel vm0, v26, v18;
	v50 =	vsel vm1, v27, v19  }
0x183: {  	v51 =	vsel vm3, v28, v20;
	v59 =	vsel vm4, v29, v21;
	vm6 =	vgt.f32 v42, v48  }
0x184: {  	v52 =	vld [tilespmem:s8+$0x20];
	s9 =	simm.s32 $0x0;
	v53 =	vsel vm9, v30, v22;
	v54 =	vsel vm5, v31, v23;
	v48 =	vsel vm6, $0x1, v9  }
0x185: {  	[tilespmem:s0], [sflag:$0x2] =	stream.linear.gather [hbm4b:s16+s9], $0x9C00, $0x38;
	vm11 =	vgt.f32 v60, v57;
	vm12 =	vgt.f32 v62, v50;
	v60 =	vsel vm10, v32, v24;
	[tilespmem:$0x18080] =	vst v63  }
0x186: {  	s11 =	sadd.s32 $0x0, s28;
	_ =	swait.ge [sflag:s1], $0x9C00;
	vm13 =	vgt.f32 v63, v51;
	vm14 =	vgt.f32 v47, v59;
	vm15 =	vgt.f32 v49, v53  }
0x187: {  	[sflag:s1] =	ssyncset.done $0x0;
	vm7 =	vgt.f32 v58, v54;
	v58 =	vmov s11;
	v41 =	vadd.s32 v48, v41  }
0x188: {  	s10 =	simm.s32 $0x40;
	[sflag:s1] =	ssyncadd.s32 $0xFFFF6400;
	v61 =	vsel vm11, $0x1, v9;
	v62 =	vsel vm12, $0x1, v9;
	v63 =	vsel vm13, $0x1, v9  }
0x189: {  	v53 =	vsel vm14, $0x1, v9;
	vm8 =	vgt.f32 v52, v60;
	v54 =	vsel vm15, $0x1, v9;
	v57 =	vld [tilespmem:s10+$0x30]  }
0x18a: {  	v55 =	vsel vm7, $0x1, v9;
	v42 =	vld [tilespmem:s10+$0xFFFFFFC0];
	vm0 =	vlt.s32 v58, v10;
	vm9 =	vlt.s32 v58, v11  }
0x18b: {  	vm10 =	vlt.s32 v58, v17;
	vm11 =	vlt.s32 v58, v12;
	v45 =	vld [tilespmem:s10+$0xFFFFFFF0];
	vm12 =	vlt.s32 v58, v13  }
0x18c: {  	v47 =	vld [tilespmem:s10+$0x0];
	vm13 =	vlt.s32 v58, v14;
	vm14 =	vlt.s32 v58, v15;
	v56 =	vsel vm8, $0x1, v9  }
0x18d: {  	v46 =	vld [tilespmem:s10+$0x10];
	v37 =	vadd.s32 v61, v37;
	v49 =	vadd.s32 v62, v38;
	v50 =	vadd.s32 v63, v34  }
0x18e: {  	v36 =	vadd.s32 v53, v39;
	v34 =	vadd.s32 v54, v35;
	v38 =	vadd.s32 v55, v40;
	v40 =	vld [tilespmem:s10+$0xFFFFFFD0]  }
0x18f: {  	v52 =	vld [tilespmem:s10+$0x20];
	v59 =	vsel vm10, v33, v25;
	v60 =	vsel vm0, v26, v18;
	vm8 =	vlt.s32 v58, v16  }
0x190: {  	v62 =	vsel vm9, v27, v19;
	v63 =	vsel vm11, v28, v20;
	v35 =	vadd.s32 v56, v43;
	v43 =	vld [tilespmem:s10+$0xFFFFFFE0]  }
0x191: {  	v58 =	vsel vm13, v30, v22;
	vm15 =	vgt.f32 v57, v59;
	v57 =	vsel vm12, v29, v21  }
0x192: {  	v59 =	vsel vm14, v31, v23;
	vm9 =	vgt.f32 v42, v60;
	v60 =	vsel vm8, v32, v24  }
0x193: {  	vm13 =	vgt.f32 v47, v58;
	v61 =	vsel vm15, $0x1, v9;
	vm10 =	vgt.f32 v40, v62  }
0x194: {  	vm12 =	vgt.f32 v45, v57;
	vm14 =	vgt.f32 v46, v59;
	vm15 =	vgt.f32 v52, v60  }
0x195: {  	v45 =	vsel vm13, $0x1, v9;
	v39 =	vadd.s32 v61, v41;
	vm11 =	vgt.f32 v43, v63  }
0x196: {  	v61 =	vsel vm9, $0x1, v9;
	v62 =	vsel vm10, $0x1, v9;
	v44 =	vsel vm12, $0x1, v9  }
0x197: {  	s8 =	simm.s32 $0xC0;
	v46 =	vsel vm14, $0x1, v9;
	v43 =	vsel vm15, $0x1, v9;
	v63 =	vsel vm11, $0x1, v9  }
0x198: {  	s9 =	simm.s32 $0x2;
	s10 =	simm.s32 $0x1;
	v42 =	vld [tilespmem:s8+$0x30];
	v40 =	vadd.s32 v61, v37;
	v41 =	vadd.s32 v62, v49;
	v37 =	vadd.s32 v63, v50  }
.LBB2_18:
0x199: {  	p1 =	sne.s32 s9, $0x137;
	s11 =	sadd.s32 s10, s28;
	v47 =	vld [tilespmem:s8+$0xFFFFFFC0];
	v36 =	vadd.s32 v44, v36;
	v34 =	vadd.s32 v45, v34;
	v38 =	vadd.s32 v46, v38;
	s10 =	smov.u32 s9  }
0x19a: {  	v35 =	vadd.s32 v43, v35;
	v44 =	vmov s11;
	v45 =	vld [tilespmem:s8+$0xFFFFFFD0]  }
0x19b: {  	vm0 =	vlt.s32 v44, v10;
	vm1 =	vlt.s32 v44, v11;
	v43 =	vld [tilespmem:s8+$0xFFFFFFE0];
	vm2 =	vlt.s32 v44, v17  }
0x19c: {  	vm3 =	vlt.s32 v44, v12;
	vm4 =	vlt.s32 v44, v13;
	v46 =	vld [tilespmem:s8+$0xFFFFFFF0];
	v48 =	vsel vm2, v33, v25  }
0x19d: {  	vm5 =	vlt.s32 v44, v15;
	vm2 =	vlt.s32 v44, v14;
	v49 =	vld [tilespmem:s8+$0x0];
	vm6 =	vgt.f32 v42, v48  }
0x19e: {  	v42 =	vsel vm0, v26, v18;
	vm0 =	vlt.s32 v44, v16;
	v48 =	vld [tilespmem:s8+$0x10];
	v44 =	vsel vm6, $0x1, v9  }
0x19f: {  	v50 =	vsel vm1, v27, v19;
	v51 =	vsel vm3, v28, v20;
	v52 =	vld [tilespmem:s8+$0x20];
	v39 =	vadd.s32 v44, v39  }
0x1a0: {  	v54 =	vsel vm5, v31, v23;
	v53 =	vsel vm2, v30, v22;
	v44 =	vsel vm4, v29, v21  }
0x1a1: {  	vm1 =	vgt.f32 v47, v42;
	v42 =	vsel vm0, v32, v24;
	vm2 =	vgt.f32 v45, v50  }
.Ltmp8:
0x1a2: {  	vm0 =	vgt.f32 v43, v51;
	vm3 =	vgt.f32 v46, v44;
	vm4 =	vgt.f32 v49, v53;
	(pc) =	sbr.rel @p1 .LBB2_18-.Ltmp8, $4  }
0x1a3: {  	v47 =	vsel vm1, $0x1, v9;
	v49 =	vsel vm2, $0x1, v9;
	vm1 =	vgt.f32 v48, v54  }
0x1a4: {  	v44 =	vsel vm3, $0x1, v9;
	v48 =	vsel vm0, $0x1, v9;
	vm0 =	vgt.f32 v52, v42  }
0x1a5: {  	s8 =	sadd.s32 $0x80, s8;
	v45 =	vsel vm4, $0x1, v9;
	v46 =	vsel vm1, $0x1, v9;
	v43 =	vsel vm0, $0x1, v9  }
0x1a6: {  	s9 =	sadd.s32 $0x1, s9;
	v40 =	vadd.s32 v47, v40;
	v41 =	vadd.s32 v49, v41;
	v37 =	vadd.s32 v48, v37;
	v42 =	vld [tilespmem:s8+$0x30]  }
0x1a7: {  	s9 =	sadd.s32 s10, s28;
	v36 =	vadd.s32 v44, v36;
	v60 =	vld [tilespmem:s8+$0xFFFFFFC0]  }
0x1a8: {  	v45 =	vadd.s32 v45, v34;
	v38 =	vadd.s32 v46, v38;
	v62 =	vld [tilespmem:s8+$0xFFFFFFD0];
	v61 =	vmov s9  }
0x1a9: {  	v43 =	vadd.s32 v43, v35;
	v63 =	vld [tilespmem:s8+$0xFFFFFFE0];
	vm0 =	vlt.s32 v61, v10;
	vm1 =	vlt.s32 v61, v11  }
0x1aa: {  	v47 =	vld [tilespmem:s8+$0xFFFFFFF0];
	vm2 =	vlt.s32 v61, v17;
	vm3 =	vlt.s32 v61, v12;
	vm4 =	vlt.s32 v61, v13  }
0x1ab: {  	v49 =	vld [tilespmem:s8+$0x0];
	vm9 =	vlt.s32 v61, v14;
	vm5 =	vlt.s32 v61, v15;
	vm10 =	vlt.s32 v61, v16  }
0x1ac: {  	v58 =	vld [tilespmem:s8+$0x10];
	v48 =	vsel vm2, v33, v25;
	v57 =	vsel vm0, v26, v18;
	v50 =	vsel vm1, v27, v19  }
0x1ad: {  	v51 =	vsel vm3, v28, v20;
	v59 =	vsel vm4, v29, v21;
	vm6 =	vgt.f32 v42, v48  }
0x1ae: {  	v52 =	vld [tilespmem:s8+$0x20];
	v53 =	vsel vm9, v30, v22;
	v54 =	vsel vm5, v31, v23;
	v48 =	vsel vm6, $0x1, v9  }
0x1af: {  	vm11 =	vgt.f32 v60, v57;
	vm12 =	vgt.f32 v62, v50;
	v60 =	vsel vm10, v32, v24  }
0x1b0: {  	s11 =	sadd.s32 $0x0, s29;
	vm13 =	vgt.f32 v63, v51;
	vm14 =	vgt.f32 v47, v59;
	vm15 =	vgt.f32 v49, v53  }
0x1b1: {  	_ =	swait.ge [sflag:s30], $0x9C00;
	vm7 =	vgt.f32 v58, v54;
	v58 =	vmov s11;
	v39 =	vadd.s32 v48, v39  }
0x1b2: {  	[sflag:s30] =	ssyncset.done $0x0;
	v61 =	vsel vm11, $0x1, v9;
	v62 =	vsel vm12, $0x1, v9;
	v63 =	vsel vm13, $0x1, v9  }
0x1b3: {  	s10 =	simm.s32 $0x9C40;
	[sflag:s30] =	ssyncadd.s32 $0xFFFF6400;
	v53 =	vsel vm14, $0x1, v9;
	vm8 =	vgt.f32 v52, v60;
	v54 =	vsel vm15, $0x1, v9  }
0x1b4: {  	v46 =	vld [tilespmem:s10+$0xFFFFFFF0];
	v55 =	vsel vm7, $0x1, v9;
	vm0 =	vlt.s32 v58, v10;
	vm9 =	vlt.s32 v58, v11  }
0x1b5: {  	v42 =	vld [tilespmem:s10+$0xFFFFFFC0];
	vm10 =	vlt.s32 v58, v17;
	vm11 =	vlt.s32 v58, v12;
	vm12 =	vlt.s32 v58, v13  }
0x1b6: {  	v57 =	vld [tilespmem:s10+$0x30];
	vm13 =	vlt.s32 v58, v14;
	vm14 =	vlt.s32 v58, v15;
	v56 =	vsel vm8, $0x1, v9  }
0x1b7: {  	v47 =	vld [tilespmem:s10+$0x10];
	v40 =	vadd.s32 v61, v40;
	v41 =	vadd.s32 v62, v41;
	v49 =	vadd.s32 v63, v37  }
0x1b8: {  	v48 =	vld [tilespmem:s10+$0x0];
	v34 =	vadd.s32 v53, v36;
	v35 =	vadd.s32 v54, v45;
	v37 =	vadd.s32 v55, v38  }
0x1b9: {  	v52 =	vld [tilespmem:s10+$0x20];
	v59 =	vsel vm10, v33, v25;
	v60 =	vsel vm0, v26, v18;
	vm8 =	vlt.s32 v58, v16  }
0x1ba: {  	v45 =	vld [tilespmem:s10+$0xFFFFFFE0];
	v62 =	vsel vm9, v27, v19;
	v63 =	vsel vm11, v28, v20;
	v58 =	vsel vm13, v30, v22  }
0x1bb: {  	v36 =	vadd.s32 v56, v43;
	v43 =	vld [tilespmem:s10+$0xFFFFFFD0];
	vm9 =	vgt.f32 v42, v60;
	v60 =	vsel vm8, v32, v24  }
0x1bc: {  	vm15 =	vgt.f32 v57, v59;
	v57 =	vsel vm12, v29, v21;
	v59 =	vsel vm14, v31, v23  }
0x1bd: {  	v61 =	vsel vm15, $0x1, v9;
	vm12 =	vgt.f32 v46, v57;
	vm13 =	vgt.f32 v48, v58  }
0x1be: {  	vm14 =	vgt.f32 v47, v59;
	vm15 =	vgt.f32 v52, v60;
	v38 =	vadd.s32 v61, v39  }
0x1bf: {  	vm11 =	vgt.f32 v45, v63;
	v61 =	vsel vm9, $0x1, v9;
	v44 =	vsel vm12, $0x1, v9  }
0x1c0: {  	v45 =	vsel vm13, $0x1, v9;
	v46 =	vsel vm14, $0x1, v9;
	vm10 =	vgt.f32 v43, v62  }
0x1c1: {  	s8 =	simm.s32 $0x9CC0;
	v63 =	vsel vm11, $0x1, v9;
	v43 =	vsel vm15, $0x1, v9;
	v62 =	vsel vm10, $0x1, v9  }
0x1c2: {  	s9 =	simm.s32 $0x2;
	s10 =	simm.s32 $0x1;
	v42 =	vld [tilespmem:s8+$0x30];
	v39 =	vadd.s32 v61, v40;
	v40 =	vadd.s32 v62, v41;
	v41 =	vadd.s32 v63, v49  }
.LBB2_20:
0x1c3: {  	p1 =	sne.s32 s9, $0x137;
	s11 =	sadd.s32 s10, s29;
	v47 =	vld [tilespmem:s8+$0xFFFFFFC0];
	v34 =	vadd.s32 v44, v34;
	v35 =	vadd.s32 v45, v35;
	v37 =	vadd.s32 v46, v37;
	s10 =	smov.u32 s9  }
0x1c4: {  	v36 =	vadd.s32 v43, v36;
	v44 =	vmov s11;
	v45 =	vld [tilespmem:s8+$0xFFFFFFD0]  }
0x1c5: {  	vm0 =	vlt.s32 v44, v10;
	vm1 =	vlt.s32 v44, v11;
	v43 =	vld [tilespmem:s8+$0xFFFFFFE0];
	vm2 =	vlt.s32 v44, v17  }
0x1c6: {  	vm3 =	vlt.s32 v44, v12;
	vm4 =	vlt.s32 v44, v13;
	v46 =	vld [tilespmem:s8+$0xFFFFFFF0];
	v48 =	vsel vm2, v33, v25  }
0x1c7: {  	vm5 =	vlt.s32 v44, v15;
	vm2 =	vlt.s32 v44, v14;
	v49 =	vld [tilespmem:s8+$0x0];
	vm6 =	vgt.f32 v42, v48  }
0x1c8: {  	v42 =	vsel vm0, v26, v18;
	vm0 =	vlt.s32 v44, v16;
	v48 =	vld [tilespmem:s8+$0x10];
	v44 =	vsel vm6, $0x1, v9  }
0x1c9: {  	v50 =	vsel vm1, v27, v19;
	v51 =	vsel vm3, v28, v20;
	v52 =	vld [tilespmem:s8+$0x20];
	v38 =	vadd.s32 v44, v38  }
0x1ca: {  	v54 =	vsel vm5, v31, v23;
	v53 =	vsel vm2, v30, v22;
	v44 =	vsel vm4, v29, v21  }
0x1cb: {  	vm1 =	vgt.f32 v47, v42;
	v42 =	vsel vm0, v32, v24;
	vm2 =	vgt.f32 v45, v50  }
.Ltmp9:
0x1cc: {  	vm0 =	vgt.f32 v43, v51;
	vm3 =	vgt.f32 v46, v44;
	vm4 =	vgt.f32 v49, v53;
	(pc) =	sbr.rel @p1 .LBB2_20-.Ltmp9, $4  }
0x1cd: {  	v47 =	vsel vm1, $0x1, v9;
	v49 =	vsel vm2, $0x1, v9;
	vm1 =	vgt.f32 v48, v54  }
0x1ce: {  	v44 =	vsel vm3, $0x1, v9;
	v48 =	vsel vm0, $0x1, v9;
	vm0 =	vgt.f32 v52, v42  }
0x1cf: {  	s8 =	sadd.s32 $0x80, s8;
	v45 =	vsel vm4, $0x1, v9;
	v46 =	vsel vm1, $0x1, v9;
	v43 =	vsel vm0, $0x1, v9  }
0x1d0: {  	s9 =	sadd.s32 $0x1, s9;
	v39 =	vadd.s32 v47, v39;
	v40 =	vadd.s32 v49, v40;
	v41 =	vadd.s32 v48, v41;
	v42 =	vld [tilespmem:s8+$0x30]  }
0x1d1: {  	s9 =	sadd.s32 s10, s29;
	v47 =	vld [tilespmem:s8+$0xFFFFFFC0];
	v34 =	vadd.s32 v44, v34;
	v35 =	vadd.s32 v45, v35  }
0x1d2: {  	v37 =	vadd.s32 v46, v37;
	v57 =	vld [tilespmem:s8+$0xFFFFFFD0];
	v43 =	vadd.s32 v43, v36;
	v56 =	vmov s9  }
0x1d3: {  	v58 =	vld [tilespmem:s8+$0xFFFFFFE0];
	vm0 =	vlt.s32 v56, v10;
	vm1 =	vlt.s32 v56, v11;
	vm2 =	vlt.s32 v56, v17  }
0x1d4: {  	v59 =	vld [tilespmem:s8+$0xFFFFFFF0];
	vm3 =	vlt.s32 v56, v12;
	vm4 =	vlt.s32 v56, v13;
	vm9 =	vlt.s32 v56, v14  }
0x1d5: {  	v49 =	vld [tilespmem:s8+$0x0];
	vm5 =	vlt.s32 v56, v15;
	vm10 =	vlt.s32 v56, v16;
	v48 =	vsel vm2, v33, v25  }
0x1d6: {  	v61 =	vld [tilespmem:s8+$0x10];
	v60 =	vsel vm0, v26, v18;
	v50 =	vsel vm1, v27, v19;
	v51 =	vsel vm3, v28, v20  }
0x1d7: {  	v63 =	vsel vm4, v29, v21;
	v53 =	vsel vm9, v30, v22;
	v54 =	vsel vm5, v31, v23  }
0x1d8: {  	v52 =	vld [tilespmem:s8+$0x20];
	v27 =	vpsel !p0, $0x7F800000, v27;
	v29 =	vpsel !p0, $0x7F800000, v29;
	vm6 =	vgt.f32 v42, v48  }
0x1d9: {  	v20 =	vpsel !p0, $0x7F800000, v20;
	v62 =	vsel vm6, $0x1, v9;
	vm11 =	vgt.f32 v47, v60  }
0x1da: {  	vm12 =	vgt.f32 v57, v50;
	v50 =	vsel vm10, v32, v24;
	vm13 =	vgt.f32 v58, v51  }
0x1db: {  	vm14 =	vgt.f32 v59, v63;
	vm15 =	vgt.f32 v49, v53;
	vm7 =	vgt.f32 v61, v54  }
0x1dc: {  	v44 =	vadd.s32 v62, v38;
	v55 =	vsel vm11, $0x1, v9;
	v56 =	vsel vm12, $0x1, v9  }
0x1dd: {  	v57 =	vsel vm13, $0x1, v9;
	v46 =	vsel vm14, $0x1, v9;
	vm8 =	vgt.f32 v52, v50  }
0x1de: {  	v58 =	vsel vm15, $0x1, v9;
	v59 =	vsel vm7, $0x1, v9;
	v60 =	vsel vm8, $0x1, v9  }
0x1df: {  	v49 =	vadd.s32 v55, v39;
	v50 =	vadd.s32 v56, v40;
	v51 =	vadd.s32 v57, v41  }
0x1e0: {  	_ =	swait.ge [sflag:s3], $0x400;
	v38 =	vadd.s32 v46, v34;
	v39 =	vadd.s32 v58, v35;
	v36 =	vadd.s32 v59, v37  }
0x1e1: {  	[sflag:s3] =	ssyncset.done $0x0;
	v35 =	vpsel !p0, $0x7F800000, v26;
	v34 =	vpsel !p0, $0x7F800000, v28;
	v28 =	vpsel !p0, $0x7F800000, v30  }
0x1e2: {  	s10 =	simm.s32 $0x178C0;
	[sflag:s3] =	ssyncadd.s32 $0xFFFFFC00;
	v30 =	vpsel !p0, $0x7F800000, v31;
	v26 =	vpsel !p0, $0x7F800000, v32;
	v40 =	vpsel !p0, $0x7F800000, v33  }
0x1e3: {  	v42 =	vld [tilespmem:s10+$0xFFFFFFE0];
	v33 =	vpsel !p0, $0x7F800000, v18;
	v31 =	vpsel !p0, $0x7F800000, v19;
	v32 =	vpsel !p0, $0x7F800000, v21  }
0x1e4: {  	s11 =	sadd.s32 $0x0, s5;
	v18 =	vld [tilespmem:s10+$0x30];
	v21 =	vpsel !p0, $0x7F800000, v22;
	v22 =	vpsel !p0, $0x7F800000, v23;
	v19 =	vpsel !p0, $0x7F800000, v24  }
0x1e5: {  	v41 =	vld [tilespmem:s10+$0xFFFFFFC0];
	v23 =	vpsel !p0, $0x7F800000, v25;
	v24 =	vmov s11;
	v37 =	vadd.s32 v60, v43  }
0x1e6: {  	v25 =	vld [tilespmem:s10+$0xFFFFFFD0];
	vm0 =	vlt.s32 v24, v10;
	vm9 =	vlt.s32 v24, v11;
	vm10 =	vlt.s32 v24, v17  }
0x1e7: {  	v46 =	vld [tilespmem:s10+$0x0];
	vm11 =	vlt.s32 v24, v12;
	vm12 =	vlt.s32 v24, v13;
	vm13 =	vlt.s32 v24, v14  }
0x1e8: {  	v43 =	vld [tilespmem:s10+$0xFFFFFFF0];
	vm14 =	vlt.s32 v24, v15;
	vm8 =	vlt.s32 v24, v16;
	v61 =	vsel vm10, v40, v23  }
0x1e9: {  	v63 =	vld [tilespmem:s10+$0x10];
	v62 =	vsel vm0, v35, v33;
	v24 =	vsel vm9, v27, v31;
	v57 =	vsel vm11, v34, v20  }
0x1ea: {  	v58 =	vld [tilespmem:s10+$0x20];
	v59 =	vsel vm12, v29, v32;
	v60 =	vsel vm13, v28, v21;
	vm11 =	vgt.f32 v42, v57  }
0x1eb: {  	vm15 =	vgt.f32 v18, v61;
	v61 =	vsel vm14, v30, v22;
	vm9 =	vgt.f32 v41, v62  }
0x1ec: {  	vm10 =	vgt.f32 v25, v24;
	v24 =	vsel vm8, v26, v19;
	vm13 =	vgt.f32 v46, v60  }
0x1ed: {  	v18 =	vsel vm15, $0x1, v9;
	vm12 =	vgt.f32 v43, v59;
	v25 =	vsel vm9, $0x1, v9  }
0x1ee: {  	v62 =	vsel vm10, $0x1, v9;
	vm14 =	vgt.f32 v63, v61;
	v63 =	vsel vm11, $0x1, v9  }
0x1ef: {  	vm15 =	vgt.f32 v58, v24;
	v46 =	vsel vm13, $0x1, v9;
	v18 =	vadd.s32 v18, v44  }
0x1f0: {  	s8 =	simm.s32 $0x17940;
	v44 =	vsel vm12, $0x1, v9;
	v45 =	vsel vm14, $0x1, v9;
	v43 =	vsel vm15, $0x1, v9  }
0x1f1: {  	s9 =	simm.s32 $0x2;
	s10 =	simm.s32 $0x1;
	v42 =	vld [tilespmem:s8+$0x30];
	v41 =	vadd.s32 v25, v49;
	v25 =	vadd.s32 v62, v50;
	v24 =	vadd.s32 v63, v51  }
.LBB2_22:
0x1f2: {  	p1 =	sne.s32 s9, $0x7;
	s11 =	sadd.s32 s10, s5;
	v47 =	vld [tilespmem:s8+$0xFFFFFFC0];
	v38 =	vadd.s32 v44, v38;
	v39 =	vadd.s32 v46, v39;
	v36 =	vadd.s32 v45, v36;
	s10 =	smov.u32 s9  }
0x1f3: {  	v37 =	vadd.s32 v43, v37;
	v44 =	vmov s11;
	v45 =	vld [tilespmem:s8+$0xFFFFFFD0]  }
0x1f4: {  	vm0 =	vlt.s32 v44, v10;
	vm1 =	vlt.s32 v44, v11;
	v43 =	vld [tilespmem:s8+$0xFFFFFFE0];
	vm2 =	vlt.s32 v44, v17  }
0x1f5: {  	vm3 =	vlt.s32 v44, v12;
	vm4 =	vlt.s32 v44, v13;
	v46 =	vld [tilespmem:s8+$0xFFFFFFF0];
	v48 =	vsel vm2, v40, v23  }
0x1f6: {  	vm5 =	vlt.s32 v44, v15;
	vm2 =	vlt.s32 v44, v14;
	v49 =	vld [tilespmem:s8+$0x0];
	vm6 =	vgt.f32 v42, v48  }
0x1f7: {  	v42 =	vsel vm0, v35, v33;
	vm0 =	vlt.s32 v44, v16;
	v48 =	vld [tilespmem:s8+$0x10];
	v44 =	vsel vm6, $0x1, v9  }
0x1f8: {  	v50 =	vsel vm1, v27, v31;
	v51 =	vsel vm3, v34, v20;
	v52 =	vld [tilespmem:s8+$0x20];
	v18 =	vadd.s32 v44, v18  }
0x1f9: {  	v54 =	vsel vm5, v30, v22;
	v53 =	vsel vm2, v28, v21;
	v44 =	vsel vm4, v29, v32  }
0x1fa: {  	vm1 =	vgt.f32 v47, v42;
	v42 =	vsel vm0, v26, v19;
	vm2 =	vgt.f32 v45, v50  }
.Ltmp10:
0x1fb: {  	vm0 =	vgt.f32 v43, v51;
	vm3 =	vgt.f32 v46, v44;
	vm4 =	vgt.f32 v49, v53;
	(pc) =	sbr.rel @p1 .LBB2_22-.Ltmp10, $4  }
0x1fc: {  	v47 =	vsel vm1, $0x1, v9;
	v49 =	vsel vm2, $0x1, v9;
	vm1 =	vgt.f32 v48, v54  }
0x1fd: {  	v44 =	vsel vm3, $0x1, v9;
	v48 =	vsel vm0, $0x1, v9;
	vm0 =	vgt.f32 v52, v42  }
0x1fe: {  	s8 =	sadd.s32 $0x80, s8;
	v46 =	vsel vm4, $0x1, v9;
	v45 =	vsel vm1, $0x1, v9;
	v43 =	vsel vm0, $0x1, v9  }
0x1ff: {  	s9 =	sadd.s32 $0x1, s9;
	v41 =	vadd.s32 v47, v41;
	v25 =	vadd.s32 v49, v25;
	v24 =	vadd.s32 v48, v24;
	v42 =	vld [tilespmem:s8+$0x30]  }
0x200: {  	s9 =	sadd.s32 s10, s5;
	v50 =	vld [tilespmem:s8+$0xFFFFFFC0]  }
0x201: {  	v38 =	vadd.s32 v44, v38;
	v39 =	vadd.s32 v46, v39;
	v52 =	vld [tilespmem:s8+$0xFFFFFFF0];
	v49 =	vmov s9  }
0x202: {  	v36 =	vadd.s32 v45, v36;
	v37 =	vadd.s32 v43, v37;
	v54 =	vld [tilespmem:s8+$0x0];
	vm0 =	vlt.s32 v49, v10  }
0x203: {  	v58 =	vld [tilespmem:s8+$0x10];
	vm1 =	vlt.s32 v49, v11;
	vm2 =	vlt.s32 v49, v17;
	vm3 =	vlt.s32 v49, v12  }
0x204: {  	v10 =	vld [tilespmem:s8+$0xFFFFFFD0];
	vm4 =	vlt.s32 v49, v13;
	vm15 =	vlt.s32 v49, v14;
	vm5 =	vlt.s32 v49, v15  }
0x205: {  	v11 =	vld [tilespmem:s8+$0xFFFFFFE0];
	vm7 =	vlt.s32 v49, v16;
	v53 =	vsel vm0, v35, v33;
	v55 =	vsel vm1, v27, v31  }
0x206: {  	v56 =	vsel vm3, v34, v20;
	v57 =	vsel vm4, v29, v32;
	v21 =	vsel vm15, v28, v21  }
0x207: {  	v59 =	vld [tilespmem:s8+$0x20];
	v22 =	vsel vm5, v30, v22;
	vm8 =	vgt.f32 v50, v53;
	vm11 =	vgt.f32 v52, v57  }
0x208: {  	vm12 =	vgt.f32 v54, v21;
	vm13 =	vgt.f32 v58, v22;
	v60 =	vsel vm8, $0x1, v9  }
0x209: {  	v62 =	vsel vm11, $0x1, v9;
	vm9 =	vgt.f32 v10, v55;
	v16 =	vadd.s32 v60, v41  }
0x20a: {  	vm10 =	vgt.f32 v11, v56;
	v15 =	vadd.s32 v62, v38;
	v11 =	vsel vm9, $0x1, v9;
	[tilespmem:$0x17C80] =	vst v16  }
0x20b: {  	v10 =	vsel vm7, v26, v19;
	v61 =	vsel vm10, $0x1, v9;
	[tilespmem:$0x17CB0] =	vst v15;
	v11 =	vadd.s32 v11, v25  }
0x20c: {  	vm14 =	vgt.f32 v59, v10;
	v10 =	vsel vm13, $0x1, v9;
	v13 =	vadd.s32 v61, v24;
	[tilespmem:$0x17C90] =	vst v11  }
0x20d: {  	v51 =	vsel vm2, v40, v23;
	v10 =	vadd.s32 v10, v36;
	v11 =	vsel vm12, $0x1, v9;
	[tilespmem:$0x17CA0] =	vst v13  }
0x20e: {  	vm15 =	vgt.f32 v42, v51;
	v63 =	vsel vm14, $0x1, v9;
	[tilespmem:$0x17CD0] =	vst v10;
	v11 =	vadd.s32 v11, v39  }
0x20f: {  	s7 =	sadd.s32 $0x1, s7;
	v12 =	vadd.s32 v63, v37;
	[tilespmem:$0x17CC0] =	vst v11;
	v11 =	vsel vm15, $0x1, v9  }
0x210: {  	p1 =	sne.s32 s7, s19;
	[tilespmem:$0x17CE0] =	vst v12;
	v10 =	vadd.s32 v11, v18  }
.Ltmp11:
0x211: {  	s11 =	simm.s32 $0x17C80;
	[tilespmem:$0x17CF0] =	vst v10;
	(pc) =	sbr.rel @p1 .LBB2_1-.Ltmp11, $4  }
0x212: {  	[hbm4b:s17+s4] =	stream.linear.scatter [tilespmem:s11], [sflag:$0x4], $0x400, $0x38;
	[tilespmem:$0x18080] =	vst v63  }
0x213: {  	_ =	swait.ge [sflag:s31], $0x400  }
0x214: {  	[sflag:s31] =	ssyncset.done $0x0  }
0x215: {  	[sflag:s31] =	ssyncadd.s32 $0xFFFFFC00  }
0x216: {  	_ =	sfence.sel $0x180000  }
0x217: {  	[bflag:$0x0] =	sbarrier.arrive $0xFFFF  }
0x218: {  	_ =	strace $0x90000047  }
0x219: {  	s0 =	stileid.u32;
	[bflag:$0x2] =	sbarrier.arrive $0xFFFF  }
0x21a: {  	p0 =	sne.s32 s0, $0x0;
	s0 =	rddreg [dreg:$0x3]  }
0x21b: {  	s0 =	sadd.s32 @!p0 $0x100000, s0  }
0x21c: {  	[sflag:s0] =	ssyncadd.tile.s32 @!p0 $0x1;
	_ =	shalt  }
.Lfunc_end2:
_tile_overlayer_lowered:
.L_overlay_start_2:
0x21d: {  	(tag) =	ssettag $0x2  }
0x21e: {  	s0 =	rddreg [dreg:$0x0];
	s2 =	stileid.u32  }
0x21f: {  	s1 =	rddreg [dreg:$0x1];
	p0 =	sne.s32 s2, $0x0  }
0x220: {  	s3 =	rddreg [dreg:$0x2];
	[bflag:$0x3] =	sbarrier.arrive $0xFFFF;
	s2 =	simm.s32 @!p0 $0x1C04  }
0x221: {  	[timem:s3], [sflag:s2] =	dma.local @!p0 [hbm:s0], s1  }
0x222: {  	s0 =	simm.s32 @!p0 $0x4  }
0x223: {  	_ =	swait.ge @!p0 [sflag:s0], s1  }
0x224: {  	s1 =	ssub.s32 @!p0 $0x0, s1;
	[sflag:s0] =	ssyncset.done @!p0 $0x0  }
0x225: {  	[sflag:s0] =	ssyncadd.s32 @!p0 s1  }
0x226: {  	[bflag:$0x3] =	sbarrier.arrive $0xFFFF  }
0x227: {  	_ =	shalt  }

</sc_bundles>
